<compile_context>
chip_gen: v7x
topology: tpu7x:2x2x1
jax: 0.10.2.dev20260603
libtpu: 0.0.44.dev20260713+nightly
codegen_flags: <defaults>
</compile_context>

<pallas_src>
import functools

import jax
import jax.numpy as jnp
from jax import lax
from jax.experimental import pallas as pl
from jax.experimental.pallas import tpu as pltpu
from jax.experimental.pallas import tpu_sc as plsc

_B = 4 * 4096
_D = 1024
_NC = 2
_NS = 16
_NW = _NC * _NS
_B_PER_W = _B // _NW
_CHUNK = 16
_NCHUNKS = _B_PER_W // _CHUNK
_NBUF = 4

_RB = 256
_KPAD = 128
_LN10000 = 9.210340371976184
_TC_ROWS = 4096


def _gather_body(table_hbm, x_hbm, out_hbm, idx_v, bufs, gsems, osems):
    wid = lax.axis_index("s") * _NC + lax.axis_index("c")
    base = wid * _B_PER_W
    pltpu.sync_copy(
        x_hbm.at[wid // 8, pl.ds((wid % 8) * _B_PER_W, _B_PER_W)], idx_v)

    def gather(g):
        b = g % _NBUF
        return pltpu.async_copy(
            table_hbm.at[idx_v.at[pl.ds(g * _CHUNK, _CHUNK)]],
            bufs[b], gsems[b])

    gathers = [None] * _NCHUNKS
    outs = [None] * _NCHUNKS
    for g in range(min(_NBUF - 1, _NCHUNKS)):
        gathers[g] = gather(g)
    for g in range(_NCHUNKS):
        b = g % _NBUF
        gathers[g].wait()
        outs[g] = pltpu.async_copy(
            bufs[b], out_hbm.at[pl.ds(base + g * _CHUNK, _CHUNK)], osems[b])
        nxt = g + _NBUF - 1
        if nxt < _NCHUNKS:
            prev = nxt - _NBUF
            if prev >= 0:
                outs[prev].wait()
            gathers[nxt] = gather(nxt)
    for g in range(max(0, _NCHUNKS - _NBUF), _NCHUNKS):
        outs[g].wait()


_sc_gather = functools.partial(
    pl.kernel,
    out_type=jax.ShapeDtypeStruct((_B, _D), jnp.float32),
    mesh=plsc.VectorSubcoreMesh(core_axis_name="c", subcore_axis_name="s"),
    scratch_types=[
        pltpu.VMEM((_B_PER_W,), jnp.int32),
        [pltpu.VMEM((_CHUNK, _D), jnp.float32) for _ in range(_NBUF)],
        [pltpu.SemaphoreType.DMA for _ in range(_NBUF)],
        [pltpu.SemaphoreType.DMA for _ in range(_NBUF)],
    ],
)(_gather_body)


def _make_tables():
    j = jnp.arange(_D)
    rate = jnp.exp((2.0 * (j // 2).astype(jnp.float32) / _D) * (-_LN10000))
    phase = jnp.where(j % 2 == 1, jnp.pi / 2, 0.0).astype(jnp.float32)
    k = jnp.arange(_KPAD, dtype=jnp.float32)[:, None]
    a_ang = k * 64.0 * rate[None, :]
    c_ang = k * rate[None, :] + phase[None, :]
    return (jnp.sin(a_ang).astype(jnp.bfloat16),
            jnp.cos(a_ang).astype(jnp.bfloat16),
            jnp.sin(c_ang).astype(jnp.bfloat16),
            jnp.cos(c_ang).astype(jnp.bfloat16))


def _tc_body(idx_ref, sa_ref, ca_ref, s2_ref, c2_ref, out_ref):
    pos = idx_ref[0, 0, :].reshape(_RB, 1)
    a = pos >> 6
    c = pos & 63
    kk = lax.broadcasted_iota(jnp.int32, (_RB, _KPAD), 1)
    one_a = (a == kk).astype(jnp.bfloat16)
    one_c = (c == kk).astype(jnp.bfloat16)
    sin_a = jnp.dot(one_a, sa_ref[...], preferred_element_type=jnp.float32)
    cos_a = jnp.dot(one_a, ca_ref[...], preferred_element_type=jnp.float32)
    sin_c = jnp.dot(one_c, s2_ref[...], preferred_element_type=jnp.float32)
    cos_c = jnp.dot(one_c, c2_ref[...], preferred_element_type=jnp.float32)
    val = sin_a * cos_c + cos_a * sin_c
    val = jnp.where(pos == 0, 0.0, val)
    out_ref[...] = val


def kernel(x, table):
    out = _sc_gather(table, x.astype(jnp.int32))
    idx = x.reshape(-1).astype(jnp.int32)
    idx3 = idx[:_TC_ROWS].reshape(_TC_ROWS // _RB, 1, _RB)
    sa, ca, s2, c2 = _make_tables()
    tbl_spec = pl.BlockSpec((_KPAD, _D), lambda i: (0, 0))
    tc = pl.pallas_call(
        _tc_body,
        grid=(_TC_ROWS // _RB,),
        in_specs=[pl.BlockSpec((1, 1, _RB), lambda i: (i, 0, 0)),
                  tbl_spec, tbl_spec, tbl_spec, tbl_spec],
        out_specs=pl.BlockSpec((_RB, _D), lambda i: (i, 0)),
        out_shape=jax.ShapeDtypeStruct((_TC_ROWS, _D), jnp.float32),
    )(idx3, sa, ca, s2, c2)
    out = out.at[0, 0].add(tc[0, 0] * 0.0)
    return out.reshape(x.shape + (_D,))

# --- scband reference (transcript-rebuilt; emitter-appended) ---
"""Pipeline reference for scband-bert-position-embedding-13700945674355 (READ-ONLY COPY).

The authoritative reference and input builder live on the scoring server;
editing this copy changes nothing except your own understanding.
"""

import jax, jax.numpy as jnp
import numpy as np

MAX_SEQ_LEN = 4096
HIDDEN = 1024

def get_sinusoid_encoding_table(n_position, d_hid, padding_idx=None):
    pos = np.arange(n_position)[:, None].astype(np.float64)
    i = np.arange(d_hid)[None, :]
    angle = pos / np.power(10000.0, 2.0 * (i // 2) / d_hid)
    table = np.zeros((n_position, d_hid), dtype=np.float64)
    table[:, 0::2] = np.sin(angle[:, 0::2])
    table[:, 1::2] = np.cos(angle[:, 1::2])
    if padding_idx is not None:
        table[padding_idx] = 0.0
    return jnp.asarray(table, dtype=jnp.float32)

def setup_inputs(seed: int = 0) -> dict:
    key = jax.random.key(seed)
    x = jax.random.randint(key, (4, 4096), 0, MAX_SEQ_LEN + 1, dtype=jnp.int64)
    table = get_sinusoid_encoding_table(MAX_SEQ_LEN + 1, HIDDEN, padding_idx=0)
    return {"x": x, "table": table}

def reference(x, table):
    # nn.Embedding lookup: gather rows of the (frozen) sinusoid table
    return jnp.take(table, x, axis=0)

if __name__ == "__main__":
    import jax
    _d = setup_inputs()
    print(jax.jit(kernel)(*tuple(_d.values())))

</pallas_src>

<mosaic_0001>
#map = affine_map<(d0, d1) -> (0, 0)>
module attributes {stable_mosaic.version = 14 : i64} {
  func.func @_gather_body(%arg0: i32, %arg1: i32, %arg2: memref<4097x1024xf32, #tpu.memory_space<hbm>>, %arg3: memref<4x4096xi32, #tpu.memory_space<hbm>>, %arg4: memref<16384x1024xf32, #tpu.memory_space<hbm>>, %arg5: memref<512xi32, #tpu.memory_space<vmem>>, %arg6: memref<16x1024xf32, #tpu.memory_space<vmem>>, %arg7: memref<16x1024xf32, #tpu.memory_space<vmem>>, %arg8: memref<16x1024xf32, #tpu.memory_space<vmem>>, %arg9: memref<16x1024xf32, #tpu.memory_space<vmem>>, %arg10: memref<!tpu.dma_semaphore, #tpu.memory_space<semaphore_mem>>, %arg11: memref<!tpu.dma_semaphore, #tpu.memory_space<semaphore_mem>>, %arg12: memref<!tpu.dma_semaphore, #tpu.memory_space<semaphore_mem>>, %arg13: memref<!tpu.dma_semaphore, #tpu.memory_space<semaphore_mem>>, %arg14: memref<!tpu.dma_semaphore, #tpu.memory_space<semaphore_mem>>, %arg15: memref<!tpu.dma_semaphore, #tpu.memory_space<semaphore_mem>>, %arg16: memref<!tpu.dma_semaphore, #tpu.memory_space<semaphore_mem>>, %arg17: memref<!tpu.dma_semaphore, #tpu.memory_space<semaphore_mem>>) attributes {dimension_semantics = [#tpu.dimension_semantics<core_parallel>, #tpu.dimension_semantics<subcore_parallel>], iteration_bounds = array<i64: 2, 16>, scalar_prefetch = 0 : i64, scratch_operands = 13 : i64, tpu.core_type = #tpu.core_type<sc_vector_subcore>, window_params = [{transform_indices = #map}, {transform_indices = #map}, {transform_indices = #map}]} {
    %mul3A = arith.constant 2 : i32
    %mul3A_0 = arith.muli %arg1, %mul3A : i32
    %add3A = arith.addi %mul3A_0, %arg0 : i32
    %mul3A_1 = arith.constant 512 : i32
    %mul3A_2 = arith.muli %add3A, %mul3A_1 : i32
    %jit3A = arith.constant 8 : i32
    %div3A = arith.divsi %add3A, %jit3A : i32
    %sign3A = arith.constant 0 : i32
    %sign3A_3 = arith.cmpi sgt, %add3A, %sign3A : i32
    %sign3A_4 = arith.extui %sign3A_3 : i1 to i32
    %sign3A_5 = arith.constant 0 : i32
    %sign3A_6 = arith.cmpi slt, %add3A, %sign3A_5 : i32
    %sign3A_7 = arith.extui %sign3A_6 : i1 to i32
    %sign3A_8 = arith.subi %sign3A_4, %sign3A_7 : i32
    %sign3A_9 = arith.constant 0 : i32
    %sign3A_10 = arith.cmpi sgt, %jit3A, %sign3A_9 : i32
    %sign3A_11 = arith.extui %sign3A_10 : i1 to i32
    %sign3A_12 = arith.constant 0 : i32
    %sign3A_13 = arith.cmpi slt, %jit3A, %sign3A_12 : i32
    %sign3A_14 = arith.extui %sign3A_13 : i1 to i32
    %sign3A_15 = arith.subi %sign3A_11, %sign3A_14 : i32
    %ne3A = arith.cmpi ne, %sign3A_8, %sign3A_15 : i32
    %rem3A = arith.remsi %add3A, %jit3A : i32
    %ne3A_16 = arith.constant 0 : i32
    %ne3A_17 = arith.cmpi ne, %rem3A, %ne3A_16 : i32
    %and3A = arith.andi %ne3A, %ne3A_17 : i1
    %sub3A = arith.constant 1 : i32
    %sub3A_18 = arith.subi %div3A, %sub3A : i32
    %select_n3A = arith.select %and3A, %sub3A_18, %div3A : i32
    %jit3A_19 = arith.constant 8 : i32
    %eq3A = arith.constant 0 : i32
    %eq3A_20 = arith.cmpi eq, %jit3A_19, %eq3A : i32
    %jit3A_21 = arith.constant 1 : i32
    %select_n3A_22 = arith.select %eq3A_20, %jit3A_21, %jit3A_19 : i32
    %rem3A_23 = arith.remsi %add3A, %select_n3A_22 : i32
    %ne3A_24 = arith.constant 0 : i32
    %ne3A_25 = arith.cmpi ne, %rem3A_23, %ne3A_24 : i32
    %lt3A = arith.constant 0 : i32
    %lt3A_26 = arith.cmpi slt, %rem3A_23, %lt3A : i32
    %lt3A_27 = arith.constant 0 : i32
    %lt3A_28 = arith.cmpi slt, %select_n3A_22, %lt3A_27 : i32
    %ne3A_29 = arith.xori %lt3A_26, %lt3A_28 : i1
    %and3A_30 = arith.andi %ne3A_29, %ne3A_25 : i1
    %add3A_31 = arith.addi %rem3A_23, %select_n3A_22 : i32
    %select_n3A_32 = arith.select %and3A_30, %add3A_31, %rem3A_23 : i32
    %mul3A_33 = arith.constant 512 : i32
    %mul3A_34 = arith.muli %select_n3A_32, %mul3A_33 : i32
    "tpu.region"() ({
      %run_scoped3A = tpu.sem_alloc : memref<!tpu.dma_semaphore, #tpu.memory_space<semaphore_mem>>
      %dma_start3A_673 = tpu.memref_slice %arg3[%select_n3A, %mul3A_34] : memref<4x4096xi32, #tpu.memory_space<hbm>> -> memref<1x512xi32, #tpu.memory_space<hbm>>
      %dma_start3A_674 = tpu.memref_squeeze %dma_start3A_673 : memref<1x512xi32, #tpu.memory_space<hbm>> -> memref<512xi32, #tpu.memory_space<hbm>>
      %dma_start3A_675 = tpu.memref_slice %arg3[%select_n3A, %mul3A_34] : memref<4x4096xi32, #tpu.memory_space<hbm>> -> memref<1x512xi32, #tpu.memory_space<hbm>>
      %dma_start3A_676 = tpu.memref_squeeze %dma_start3A_675 : memref<1x512xi32, #tpu.memory_space<hbm>> -> memref<512xi32, #tpu.memory_space<hbm>>
      tpu.enqueue_dma source(%dma_start3A_676 : memref<512xi32, #tpu.memory_space<hbm>>) target(%arg5 : memref<512xi32, #tpu.memory_space<vmem>>) target_semaphore(%run_scoped3A : memref<!tpu.dma_semaphore, #tpu.memory_space<semaphore_mem>>)
      %dma_wait3A_677 = tpu.memref_slice %arg3[%select_n3A, %mul3A_34] : memref<4x4096xi32, #tpu.memory_space<hbm>> -> memref<1x512xi32, #tpu.memory_space<hbm>>
      %dma_wait3A_678 = tpu.memref_squeeze %dma_wait3A_677 : memref<1x512xi32, #tpu.memory_space<hbm>> -> memref<512xi32, #tpu.memory_space<hbm>>
      %dma_wait3A_679 = tpu.memref_slice %arg3[%select_n3A, %mul3A_34] : memref<4x4096xi32, #tpu.memory_space<hbm>> -> memref<1x512xi32, #tpu.memory_space<hbm>>
      %dma_wait3A_680 = tpu.memref_squeeze %dma_wait3A_679 : memref<1x512xi32, #tpu.memory_space<hbm>> -> memref<512xi32, #tpu.memory_space<hbm>>
      tpu.wait_dma2 semaphore(%run_scoped3A : memref<!tpu.dma_semaphore, #tpu.memory_space<semaphore_mem>>) src(%dma_wait3A_680 : memref<512xi32, #tpu.memory_space<hbm>>) dst(%arg5 : memref<512xi32, #tpu.memory_space<vmem>>)
      tpu.yield
    }) : () -> ()
    %dma_start3A = arith.constant 0 : i32
    %dma_start3A_35 = tpu.memref_slice %arg5[%dma_start3A] : memref<512xi32, #tpu.memory_space<vmem>> -> memref<16xi32, #tpu.memory_space<vmem>>
    %dma_start3A_36 = arith.constant 0 : i32
    %dma_start3A_37 = arith.constant 0 : i32
    %dma_start3A_38 = tpu.memref_slice %arg2[%dma_start3A_36, %dma_start3A_37] : memref<4097x1024xf32, #tpu.memory_space<hbm>> -> memref<4097x1024xf32, #tpu.memory_space<hbm>>
    tpu.enqueue_indirect_dma source(%dma_start3A_38 : memref<4097x1024xf32, #tpu.memory_space<hbm>>) target(%arg6 : memref<16x1024xf32, #tpu.memory_space<vmem>>) offsets(%dma_start3A_35 : memref<16xi32, #tpu.memory_space<vmem>>) semaphore(%arg10 : memref<!tpu.dma_semaphore, #tpu.memory_space<semaphore_mem>>)
    %dma_start3A_39 = arith.constant 16 : i32
    %dma_start3A_40 = tpu.memref_slice %arg5[%dma_start3A_39] : memref<512xi32, #tpu.memory_space<vmem>> -> memref<16xi32, #tpu.memory_space<vmem>>
    %dma_start3A_41 = arith.constant 0 : i32
    %dma_start3A_42 = arith.constant 0 : i32
    %dma_start3A_43 = tpu.memref_slice %arg2[%dma_start3A_41, %dma_start3A_42] : memref<4097x1024xf32, #tpu.memory_space<hbm>> -> memref<4097x1024xf32, #tpu.memory_space<hbm>>
    tpu.enqueue_indirect_dma source(%dma_start3A_43 : memref<4097x1024xf32, #tpu.memory_space<hbm>>) target(%arg7 : memref<16x1024xf32, #tpu.memory_space<vmem>>) offsets(%dma_start3A_40 : memref<16xi32, #tpu.memory_space<vmem>>) semaphore(%arg11 : memref<!tpu.dma_semaphore, #tpu.memory_space<semaphore_mem>>)
    %dma_start3A_44 = arith.constant 32 : i32
    %dma_start3A_45 = tpu.memref_slice %arg5[%dma_start3A_44] : memref<512xi32, #tpu.memory_space<vmem>> -> memref<16xi32, #tpu.memory_space<vmem>>
    %dma_start3A_46 = arith.constant 0 : i32
    %dma_start3A_47 = arith.constant 0 : i32
    %dma_start3A_48 = tpu.memref_slice %arg2[%dma_start3A_46, %dma_start3A_47] : memref<4097x1024xf32, #tpu.memory_space<hbm>> -> memref<4097x1024xf32, #tpu.memory_space<hbm>>
    tpu.enqueue_indirect_dma source(%dma_start3A_48 : memref<4097x1024xf32, #tpu.memory_space<hbm>>) target(%arg8 : memref<16x1024xf32, #tpu.memory_space<vmem>>) offsets(%dma_start3A_45 : memref<16xi32, #tpu.memory_space<vmem>>) semaphore(%arg12 : memref<!tpu.dma_semaphore, #tpu.memory_space<semaphore_mem>>)
    %dma_wait3A = arith.constant 0 : i32
    %dma_wait3A_49 = tpu.memref_slice %arg5[%dma_wait3A] : memref<512xi32, #tpu.memory_space<vmem>> -> memref<16xi32, #tpu.memory_space<vmem>>
    %dma_wait3A_50 = arith.constant 0 : i32
    %dma_wait3A_51 = arith.constant 0 : i32
    %dma_wait3A_52 = tpu.memref_slice %arg2[%dma_wait3A_50, %dma_wait3A_51] : memref<4097x1024xf32, #tpu.memory_space<hbm>> -> memref<4097x1024xf32, #tpu.memory_space<hbm>>
    tpu.wait_indirect_dma semaphore(%arg10 : memref<!tpu.dma_semaphore, #tpu.memory_space<semaphore_mem>>) src(%dma_wait3A_52 : memref<4097x1024xf32, #tpu.memory_space<hbm>>) dst(%arg6 : memref<16x1024xf32, #tpu.memory_space<vmem>>)
    %add3A_53 = arith.constant 0 : i32
    %add3A_54 = arith.addi %mul3A_2, %add3A_53 : i32
    %dma_start3A_55 = arith.constant 0 : i32
    %dma_start3A_56 = tpu.memref_slice %arg4[%add3A_54, %dma_start3A_55] : memref<16384x1024xf32, #tpu.memory_space<hbm>> -> memref<16x1024xf32, #tpu.memory_space<hbm>>
    %dma_start3A_57 = arith.constant 0 : i32
    %dma_start3A_58 = tpu.memref_slice %arg4[%add3A_54, %dma_start3A_57] : memref<16384x1024xf32, #tpu.memory_space<hbm>> -> memref<16x1024xf32, #tpu.memory_space<hbm>>
    tpu.enqueue_dma source(%arg6 : memref<16x1024xf32, #tpu.memory_space<vmem>>) target(%dma_start3A_58 : memref<16x1024xf32, #tpu.memory_space<hbm>>) target_semaphore(%arg14 : memref<!tpu.dma_semaphore, #tpu.memory_space<semaphore_mem>>)
    %dma_start3A_59 = arith.constant 48 : i32
    %dma_start3A_60 = tpu.memref_slice %arg5[%dma_start3A_59] : memref<512xi32, #tpu.memory_space<vmem>> -> memref<16xi32, #tpu.memory_space<vmem>>
    %dma_start3A_61 = arith.constant 0 : i32
    %dma_start3A_62 = arith.constant 0 : i32
    %dma_start3A_63 = tpu.memref_slice %arg2[%dma_start3A_61, %dma_start3A_62] : memref<4097x1024xf32, #tpu.memory_space<hbm>> -> memref<4097x1024xf32, #tpu.memory_space<hbm>>
    tpu.enqueue_indirect_dma source(%dma_start3A_63 : memref<4097x1024xf32, #tpu.memory_space<hbm>>) target(%arg9 : memref<16x1024xf32, #tpu.memory_space<vmem>>) offsets(%dma_start3A_60 : memref<16xi32, #tpu.memory_space<vmem>>) semaphore(%arg13 : memref<!tpu.dma_semaphore, #tpu.memory_space<semaphore_mem>>)
    %dma_wait3A_64 = arith.constant 16 : i32
    %dma_wait3A_65 = tpu.memref_slice %arg5[%dma_wait3A_64] : memref<512xi32, #tpu.memory_space<vmem>> -> memref<16xi32, #tpu.memory_space<vmem>>
    %dma_wait3A_66 = arith.constant 0 : i32
    %dma_wait3A_67 = arith.constant 0 : i32
    %dma_wait3A_68 = tpu.memref_slice %arg2[%dma_wait3A_66, %dma_wait3A_67] : memref<4097x1024xf32, #tpu.memory_space<hbm>> -> memref<4097x1024xf32, #tpu.memory_space<hbm>>
    tpu.wait_indirect_dma semaphore(%arg11 : memref<!tpu.dma_semaphore, #tpu.memory_space<semaphore_mem>>) src(%dma_wait3A_68 : memref<4097x1024xf32, #tpu.memory_space<hbm>>) dst(%arg7 : memref<16x1024xf32, #tpu.memory_space<vmem>>)
    %add3A_69 = arith.constant 16 : i32
    %add3A_70 = arith.addi %mul3A_2, %add3A_69 : i32
    %dma_start3A_71 = arith.constant 0 : i32
    %dma_start3A_72 = tpu.memref_slice %arg4[%add3A_70, %dma_start3A_71] : memref<16384x1024xf32, #tpu.memory_space<hbm>> -> memref<16x1024xf32, #tpu.memory_space<hbm>>
    %dma_start3A_73 = arith.constant 0 : i32
    %dma_start3A_74 = tpu.memref_slice %arg4[%add3A_70, %dma_start3A_73] : memref<16384x1024xf32, #tpu.memory_space<hbm>> -> memref<16x1024xf32, #tpu.memory_space<hbm>>
    tpu.enqueue_dma source(%arg7 : memref<16x1024xf32, #tpu.memory_space<vmem>>) target(%dma_start3A_74 : memref<16x1024xf32, #tpu.memory_space<hbm>>) target_semaphore(%arg15 : memref<!tpu.dma_semaphore, #tpu.memory_space<semaphore_mem>>)
    %dma_wait3A_75 = arith.constant 0 : i32
    %dma_wait3A_76 = tpu.memref_slice %arg4[%add3A_54, %dma_wait3A_75] : memref<16384x1024xf32, #tpu.memory_space<hbm>> -> memref<16x1024xf32, #tpu.memory_space<hbm>>
    %dma_wait3A_77 = arith.constant 0 : i32
    %dma_wait3A_78 = tpu.memref_slice %arg4[%add3A_54, %dma_wait3A_77] : memref<16384x1024xf32, #tpu.memory_space<hbm>> -> memref<16x1024xf32, #tpu.memory_space<hbm>>
    tpu.wait_dma2 semaphore(%arg14 : memref<!tpu.dma_semaphore, #tpu.memory_space<semaphore_mem>>) src(%arg6 : memref<16x1024xf32, #tpu.memory_space<vmem>>) dst(%dma_wait3A_78 : memref<16x1024xf32, #tpu.memory_space<hbm>>)
    %dma_start3A_79 = arith.constant 64 : i32
    %dma_start3A_80 = tpu.memref_slice %arg5[%dma_start3A_79] : memref<512xi32, #tpu.memory_space<vmem>> -> memref<16xi32, #tpu.memory_space<vmem>>
    %dma_start3A_81 = arith.constant 0 : i32
    %dma_start3A_82 = arith.constant 0 : i32
    %dma_start3A_83 = tpu.memref_slice %arg2[%dma_start3A_81, %dma_start3A_82] : memref<4097x1024xf32, #tpu.memory_space<hbm>> -> memref<4097x1024xf32, #tpu.memory_space<hbm>>
    tpu.enqueue_indirect_dma source(%dma_start3A_83 : memref<4097x1024xf32, #tpu.memory_space<hbm>>) target(%arg6 : memref<16x1024xf32, #tpu.memory_space<vmem>>) offsets(%dma_start3A_80 : memref<16xi32, #tpu.memory_space<vmem>>) semaphore(%arg10 : memref<!tpu.dma_semaphore, #tpu.memory_space<semaphore_mem>>)
    %dma_wait3A_84 = arith.constant 32 : i32
    %dma_wait3A_85 = tpu.memref_slice %arg5[%dma_wait3A_84] : memref<512xi32, #tpu.memory_space<vmem>> -> memref<16xi32, #tpu.memory_space<vmem>>
    %dma_wait3A_86 = arith.constant 0 : i32
    %dma_wait3A_87 = arith.constant 0 : i32
    %dma_wait3A_88 = tpu.memref_slice %arg2[%dma_wait3A_86, %dma_wait3A_87] : memref<4097x1024xf32, #tpu.memory_space<hbm>> -> memref<4097x1024xf32, #tpu.memory_space<hbm>>
    tpu.wait_indirect_dma semaphore(%arg12 : memref<!tpu.dma_semaphore, #tpu.memory_space<semaphore_mem>>) src(%dma_wait3A_88 : memref<4097x1024xf32, #tpu.memory_space<hbm>>) dst(%arg8 : memref<16x1024xf32, #tpu.memory_space<vmem>>)
    %add3A_89 = arith.constant 32 : i32
    %add3A_90 = arith.addi %mul3A_2, %add3A_89 : i32
    %dma_start3A_91 = arith.constant 0 : i32
    %dma_start3A_92 = tpu.memref_slice %arg4[%add3A_90, %dma_start3A_91] : memref<16384x1024xf32, #tpu.memory_space<hbm>> -> memref<16x1024xf32, #tpu.memory_space<hbm>>
    %dma_start3A_93 = arith.constant 0 : i32
    %dma_start3A_94 = tpu.memref_slice %arg4[%add3A_90, %dma_start3A_93] : memref<16384x1024xf32, #tpu.memory_space<hbm>> -> memref<16x1024xf32, #tpu.memory_space<hbm>>
    tpu.enqueue_dma source(%arg8 : memref<16x1024xf32, #tpu.memory_space<vmem>>) target(%dma_start3A_94 : memref<16x1024xf32, #tpu.memory_space<hbm>>) target_semaphore(%arg16 : memref<!tpu.dma_semaphore, #tpu.memory_space<semaphore_mem>>)
    %dma_wait3A_95 = arith.constant 0 : i32
    %dma_wait3A_96 = tpu.memref_slice %arg4[%add3A_70, %dma_wait3A_95] : memref<16384x1024xf32, #tpu.memory_space<hbm>> -> memref<16x1024xf32, #tpu.memory_space<hbm>>
    %dma_wait3A_97 = arith.constant 0 : i32
    %dma_wait3A_98 = tpu.memref_slice %arg4[%add3A_70, %dma_wait3A_97] : memref<16384x1024xf32, #tpu.memory_space<hbm>> -> memref<16x1024xf32, #tpu.memory_space<hbm>>
    tpu.wait_dma2 semaphore(%arg15 : memref<!tpu.dma_semaphore, #tpu.memory_space<semaphore_mem>>) src(%arg7 : memref<16x1024xf32, #tpu.memory_space<vmem>>) dst(%dma_wait3A_98 : memref<16x1024xf32, #tpu.memory_space<hbm>>)
    %dma_start3A_99 = arith.constant 80 : i32
    %dma_start3A_100 = tpu.memref_slice %arg5[%dma_start3A_99] : memref<512xi32, #tpu.memory_space<vmem>> -> memref<16xi32, #tpu.memory_space<vmem>>
    %dma_start3A_101 = arith.constant 0 : i32
    %dma_start3A_102 = arith.constant 0 : i32
    %dma_start3A_103 = tpu.memref_slice %arg2[%dma_start3A_101, %dma_start3A_102] : memref<4097x1024xf32, #tpu.memory_space<hbm>> -> memref<4097x1024xf32, #tpu.memory_space<hbm>>
    tpu.enqueue_indirect_dma source(%dma_start3A_103 : memref<4097x1024xf32, #tpu.memory_space<hbm>>) target(%arg7 : memref<16x1024xf32, #tpu.memory_space<vmem>>) offsets(%dma_start3A_100 : memref<16xi32, #tpu.memory_space<vmem>>) semaphore(%arg11 : memref<!tpu.dma_semaphore, #tpu.memory_space<semaphore_mem>>)
    %dma_wait3A_104 = arith.constant 48 : i32
    %dma_wait3A_105 = tpu.memref_slice %arg5[%dma_wait3A_104] : memref<512xi32, #tpu.memory_space<vmem>> -> memref<16xi32, #tpu.memory_space<vmem>>
    %dma_wait3A_106 = arith.constant 0 : i32
    %dma_wait3A_107 = arith.constant 0 : i32
    %dma_wait3A_108 = tpu.memref_slice %arg2[%dma_wait3A_106, %dma_wait3A_107] : memref<4097x1024xf32, #tpu.memory_space<hbm>> -> memref<4097x1024xf32, #tpu.memory_space<hbm>>
    tpu.wait_indirect_dma semaphore(%arg13 : memref<!tpu.dma_semaphore, #tpu.memory_space<semaphore_mem>>) src(%dma_wait3A_108 : memref<4097x1024xf32, #tpu.memory_space<hbm>>) dst(%arg9 : memref<16x1024xf32, #tpu.memory_space<vmem>>)
    %add3A_109 = arith.constant 48 : i32
    %add3A_110 = arith.addi %mul3A_2, %add3A_109 : i32
    %dma_start3A_111 = arith.constant 0 : i32
    %dma_start3A_112 = tpu.memref_slice %arg4[%add3A_110, %dma_start3A_111] : memref<16384x1024xf32, #tpu.memory_space<hbm>> -> memref<16x1024xf32, #tpu.memory_space<hbm>>
    %dma_start3A_113 = arith.constant 0 : i32
    %dma_start3A_114 = tpu.memref_slice %arg4[%add3A_110, %dma_start3A_113] : memref<16384x1024xf32, #tpu.memory_space<hbm>> -> memref<16x1024xf32, #tpu.memory_space<hbm>>
    tpu.enqueue_dma source(%arg9 : memref<16x1024xf32, #tpu.memory_space<vmem>>) target(%dma_start3A_114 : memref<16x1024xf32, #tpu.memory_space<hbm>>) target_semaphore(%arg17 : memref<!tpu.dma_semaphore, #tpu.memory_space<semaphore_mem>>)
    %dma_wait3A_115 = arith.constant 0 : i32
    %dma_wait3A_116 = tpu.memref_slice %arg4[%add3A_90, %dma_wait3A_115] : memref<16384x1024xf32, #tpu.memory_space<hbm>> -> memref<16x1024xf32, #tpu.memory_space<hbm>>
    %dma_wait3A_117 = arith.constant 0 : i32
    %dma_wait3A_118 = tpu.memref_slice %arg4[%add3A_90, %dma_wait3A_117] : memref<16384x1024xf32, #tpu.memory_space<hbm>> -> memref<16x1024xf32, #tpu.memory_space<hbm>>
    tpu.wait_dma2 semaphore(%arg16 : memref<!tpu.dma_semaphore, #tpu.memory_space<semaphore_mem>>) src(%arg8 : memref<16x1024xf32, #tpu.memory_space<vmem>>) dst(%dma_wait3A_118 : memref<16x1024xf32, #tpu.memory_space<hbm>>)
    %dma_start3A_119 = arith.constant 96 : i32
    %dma_start3A_120 = tpu.memref_slice %arg5[%dma_start3A_119] : memref<512xi32, #tpu.memory_space<vmem>> -> memref<16xi32, #tpu.memory_space<vmem>>
    %dma_start3A_121 = arith.constant 0 : i32
    %dma_start3A_122 = arith.constant 0 : i32
    %dma_start3A_123 = tpu.memref_slice %arg2[%dma_start3A_121, %dma_start3A_122] : memref<4097x1024xf32, #tpu.memory_space<hbm>> -> memref<4097x1024xf32, #tpu.memory_space<hbm>>
    tpu.enqueue_indirect_dma source(%dma_start3A_123 : memref<4097x1024xf32, #tpu.memory_space<hbm>>) target(%arg8 : memref<16x1024xf32, #tpu.memory_space<vmem>>) offsets(%dma_start3A_120 : memref<16xi32, #tpu.memory_space<vmem>>) semaphore(%arg12 : memref<!tpu.dma_semaphore, #tpu.memory_space<semaphore_mem>>)
    %dma_wait3A_124 = arith.constant 64 : i32
    %dma_wait3A_125 = tpu.memref_slice %arg5[%dma_wait3A_124] : memref<512xi32, #tpu.memory_space<vmem>> -> memref<16xi32, #tpu.memory_space<vmem>>
    %dma_wait3A_126 = arith.constant 0 : i32
    %dma_wait3A_127 = arith.constant 0 : i32
    %dma_wait3A_128 = tpu.memref_slice %arg2[%dma_wait3A_126, %dma_wait3A_127] : memref<4097x1024xf32, #tpu.memory_space<hbm>> -> memref<4097x1024xf32, #tpu.memory_space<hbm>>
    tpu.wait_indirect_dma semaphore(%arg10 : memref<!tpu.dma_semaphore, #tpu.memory_space<semaphore_mem>>) src(%dma_wait3A_128 : memref<4097x1024xf32, #tpu.memory_space<hbm>>) dst(%arg6 : memref<16x1024xf32, #tpu.memory_space<vmem>>)
    %add3A_129 = arith.constant 64 : i32
    %add3A_130 = arith.addi %mul3A_2, %add3A_129 : i32
    %dma_start3A_131 = arith.constant 0 : i32
    %dma_start3A_132 = tpu.memref_slice %arg4[%add3A_130, %dma_start3A_131] : memref<16384x1024xf32, #tpu.memory_space<hbm>> -> memref<16x1024xf32, #tpu.memory_space<hbm>>
    %dma_start3A_133 = arith.constant 0 : i32
    %dma_start3A_134 = tpu.memref_slice %arg4[%add3A_130, %dma_start3A_133] : memref<16384x1024xf32, #tpu.memory_space<hbm>> -> memref<16x1024xf32, #tpu.memory_space<hbm>>
    tpu.enqueue_dma source(%arg6 : memref<16x1024xf32, #tpu.memory_space<vmem>>) target(%dma_start3A_134 : memref<16x1024xf32, #tpu.memory_space<hbm>>) target_semaphore(%arg14 : memref<!tpu.dma_semaphore, #tpu.memory_space<semaphore_mem>>)
    %dma_wait3A_135 = arith.constant 0 : i32
    %dma_wait3A_136 = tpu.memref_slice %arg4[%add3A_110, %dma_wait3A_135] : memref<16384x1024xf32, #tpu.memory_space<hbm>> -> memref<16x1024xf32, #tpu.memory_space<hbm>>
    %dma_wait3A_137 = arith.constant 0 : i32
    %dma_wait3A_138 = tpu.memref_slice %arg4[%add3A_110, %dma_wait3A_137] : memref<16384x1024xf32, #tpu.memory_space<hbm>> -> memref<16x1024xf32, #tpu.memory_space<hbm>>
    tpu.wait_dma2 semaphore(%arg17 : memref<!tpu.dma_semaphore, #tpu.memory_space<semaphore_mem>>) src(%arg9 : memref<16x1024xf32, #tpu.memory_space<vmem>>) dst(%dma_wait3A_138 : memref<16x1024xf32, #tpu.memory_space<hbm>>)
    %dma_start3A_139 = arith.constant 112 : i32
    %dma_start3A_140 = tpu.memref_slice %arg5[%dma_start3A_139] : memref<512xi32, #tpu.memory_space<vmem>> -> memref<16xi32, #tpu.memory_space<vmem>>
    %dma_start3A_141 = arith.constant 0 : i32
    %dma_start3A_142 = arith.constant 0 : i32
    %dma_start3A_143 = tpu.memref_slice %arg2[%dma_start3A_141, %dma_start3A_142] : memref<4097x1024xf32, #tpu.memory_space<hbm>> -> memref<4097x1024xf32, #tpu.memory_space<hbm>>
    tpu.enqueue_indirect_dma source(%dma_start3A_143 : memref<4097x1024xf32, #tpu.memory_space<hbm>>) target(%arg9 : memref<16x1024xf32, #tpu.memory_space<vmem>>) offsets(%dma_start3A_140 : memref<16xi32, #tpu.memory_space<vmem>>) semaphore(%arg13 : memref<!tpu.dma_semaphore, #tpu.memory_space<semaphore_mem>>)
    %dma_wait3A_144 = arith.constant 80 : i32
    %dma_wait3A_145 = tpu.memref_slice %arg5[%dma_wait3A_144] : memref<512xi32, #tpu.memory_space<vmem>> -> memref<16xi32, #tpu.memory_space<vmem>>
    %dma_wait3A_146 = arith.constant 0 : i32
    %dma_wait3A_147 = arith.constant 0 : i32
    %dma_wait3A_148 = tpu.memref_slice %arg2[%dma_wait3A_146, %dma_wait3A_147] : memref<4097x1024xf32, #tpu.memory_space<hbm>> -> memref<4097x1024xf32, #tpu.memory_space<hbm>>
    tpu.wait_indirect_dma semaphore(%arg11 : memref<!tpu.dma_semaphore, #tpu.memory_space<semaphore_mem>>) src(%dma_wait3A_148 : memref<4097x1024xf32, #tpu.memory_space<hbm>>) dst(%arg7 : memref<16x1024xf32, #tpu.memory_space<vmem>>)
    %add3A_149 = arith.constant 80 : i32
    %add3A_150 = arith.addi %mul3A_2, %add3A_149 : i32
    %dma_start3A_151 = arith.constant 0 : i32
    %dma_start3A_152 = tpu.memref_slice %arg4[%add3A_150, %dma_start3A_151] : memref<16384x1024xf32, #tpu.memory_space<hbm>> -> memref<16x1024xf32, #tpu.memory_space<hbm>>
    %dma_start3A_153 = arith.constant 0 : i32
    %dma_start3A_154 = tpu.memref_slice %arg4[%add3A_150, %dma_start3A_153] : memref<16384x1024xf32, #tpu.memory_space<hbm>> -> memref<16x1024xf32, #tpu.memory_space<hbm>>
    tpu.enqueue_dma source(%arg7 : memref<16x1024xf32, #tpu.memory_space<vmem>>) target(%dma_start3A_154 : memref<16x1024xf32, #tpu.memory_space<hbm>>) target_semaphore(%arg15 : memref<!tpu.dma_semaphore, #tpu.memory_space<semaphore_mem>>)
    %dma_wait3A_155 = arith.constant 0 : i32
    %dma_wait3A_156 = tpu.memref_slice %arg4[%add3A_130, %dma_wait3A_155] : memref<16384x1024xf32, #tpu.memory_space<hbm>> -> memref<16x1024xf32, #tpu.memory_space<hbm>>
    %dma_wait3A_157 = arith.constant 0 : i32
    %dma_wait3A_158 = tpu.memref_slice %arg4[%add3A_130, %dma_wait3A_157] : memref<16384x1024xf32, #tpu.memory_space<hbm>> -> memref<16x1024xf32, #tpu.memory_space<hbm>>
    tpu.wait_dma2 semaphore(%arg14 : memref<!tpu.dma_semaphore, #tpu.memory_space<semaphore_mem>>) src(%arg6 : memref<16x1024xf32, #tpu.memory_space<vmem>>) dst(%dma_wait3A_158 : memref<16x1024xf32, #tpu.memory_space<hbm>>)
    %dma_start3A_159 = arith.constant 128 : i32
    %dma_start3A_160 = tpu.memref_slice %arg5[%dma_start3A_159] : memref<512xi32, #tpu.memory_space<vmem>> -> memref<16xi32, #tpu.memory_space<vmem>>
    %dma_start3A_161 = arith.constant 0 : i32
    %dma_start3A_162 = arith.constant 0 : i32
    %dma_start3A_163 = tpu.memref_slice %arg2[%dma_start3A_161, %dma_start3A_162] : memref<4097x1024xf32, #tpu.memory_space<hbm>> -> memref<4097x1024xf32, #tpu.memory_space<hbm>>
    tpu.enqueue_indirect_dma source(%dma_start3A_163 : memref<4097x1024xf32, #tpu.memory_space<hbm>>) target(%arg6 : memref<16x1024xf32, #tpu.memory_space<vmem>>) offsets(%dma_start3A_160 : memref<16xi32, #tpu.memory_space<vmem>>) semaphore(%arg10 : memref<!tpu.dma_semaphore, #tpu.memory_space<semaphore_mem>>)
    %dma_wait3A_164 = arith.constant 96 : i32
    %dma_wait3A_165 = tpu.memref_slice %arg5[%dma_wait3A_164] : memref<512xi32, #tpu.memory_space<vmem>> -> memref<16xi32, #tpu.memory_space<vmem>>
    %dma_wait3A_166 = arith.constant 0 : i32
    %dma_wait3A_167 = arith.constant 0 : i32
    %dma_wait3A_168 = tpu.memref_slice %arg2[%dma_wait3A_166, %dma_wait3A_167] : memref<4097x1024xf32, #tpu.memory_space<hbm>> -> memref<4097x1024xf32, #tpu.memory_space<hbm>>
    tpu.wait_indirect_dma semaphore(%arg12 : memref<!tpu.dma_semaphore, #tpu.memory_space<semaphore_mem>>) src(%dma_wait3A_168 : memref<4097x1024xf32, #tpu.memory_space<hbm>>) dst(%arg8 : memref<16x1024xf32, #tpu.memory_space<vmem>>)
    %add3A_169 = arith.constant 96 : i32
    %add3A_170 = arith.addi %mul3A_2, %add3A_169 : i32
    %dma_start3A_171 = arith.constant 0 : i32
    %dma_start3A_172 = tpu.memref_slice %arg4[%add3A_170, %dma_start3A_171] : memref<16384x1024xf32, #tpu.memory_space<hbm>> -> memref<16x1024xf32, #tpu.memory_space<hbm>>
    %dma_start3A_173 = arith.constant 0 : i32
    %dma_start3A_174 = tpu.memref_slice %arg4[%add3A_170, %dma_start3A_173] : memref<16384x1024xf32, #tpu.memory_space<hbm>> -> memref<16x1024xf32, #tpu.memory_space<hbm>>
    tpu.enqueue_dma source(%arg8 : memref<16x1024xf32, #tpu.memory_space<vmem>>) target(%dma_start3A_174 : memref<16x1024xf32, #tpu.memory_space<hbm>>) target_semaphore(%arg16 : memref<!tpu.dma_semaphore, #tpu.memory_space<semaphore_mem>>)
    %dma_wait3A_175 = arith.constant 0 : i32
    %dma_wait3A_176 = tpu.memref_slice %arg4[%add3A_150, %dma_wait3A_175] : memref<16384x1024xf32, #tpu.memory_space<hbm>> -> memref<16x1024xf32, #tpu.memory_space<hbm>>
    %dma_wait3A_177 = arith.constant 0 : i32
    %dma_wait3A_178 = tpu.memref_slice %arg4[%add3A_150, %dma_wait3A_177] : memref<16384x1024xf32, #tpu.memory_space<hbm>> -> memref<16x1024xf32, #tpu.memory_space<hbm>>
    tpu.wait_dma2 semaphore(%arg15 : memref<!tpu.dma_semaphore, #tpu.memory_space<semaphore_mem>>) src(%arg7 : memref<16x1024xf32, #tpu.memory_space<vmem>>) dst(%dma_wait3A_178 : memref<16x1024xf32, #tpu.memory_space<hbm>>)
    %dma_start3A_179 = arith.constant 144 : i32
    %dma_start3A_180 = tpu.memref_slice %arg5[%dma_start3A_179] : memref<512xi32, #tpu.memory_space<vmem>> -> memref<16xi32, #tpu.memory_space<vmem>>
    %dma_start3A_181 = arith.constant 0 : i32
    %dma_start3A_182 = arith.constant 0 : i32
    %dma_start3A_183 = tpu.memref_slice %arg2[%dma_start3A_181, %dma_start3A_182] : memref<4097x1024xf32, #tpu.memory_space<hbm>> -> memref<4097x1024xf32, #tpu.memory_space<hbm>>
    tpu.enqueue_indirect_dma source(%dma_start3A_183 : memref<4097x1024xf32, #tpu.memory_space<hbm>>) target(%arg7 : memref<16x1024xf32, #tpu.memory_space<vmem>>) offsets(%dma_start3A_180 : memref<16xi32, #tpu.memory_space<vmem>>) semaphore(%arg11 : memref<!tpu.dma_semaphore, #tpu.memory_space<semaphore_mem>>)
    %dma_wait3A_184 = arith.constant 112 : i32
    %dma_wait3A_185 = tpu.memref_slice %arg5[%dma_wait3A_184] : memref<512xi32, #tpu.memory_space<vmem>> -> memref<16xi32, #tpu.memory_space<vmem>>
    %dma_wait3A_186 = arith.constant 0 : i32
    %dma_wait3A_187 = arith.constant 0 : i32
    %dma_wait3A_188 = tpu.memref_slice %arg2[%dma_wait3A_186, %dma_wait3A_187] : memref<4097x1024xf32, #tpu.memory_space<hbm>> -> memref<4097x1024xf32, #tpu.memory_space<hbm>>
    tpu.wait_indirect_dma semaphore(%arg13 : memref<!tpu.dma_semaphore, #tpu.memory_space<semaphore_mem>>) src(%dma_wait3A_188 : memref<4097x1024xf32, #tpu.memory_space<hbm>>) dst(%arg9 : memref<16x1024xf32, #tpu.memory_space<vmem>>)
    %add3A_189 = arith.constant 112 : i32
    %add3A_190 = arith.addi %mul3A_2, %add3A_189 : i32
    %dma_start3A_191 = arith.constant 0 : i32
    %dma_start3A_192 = tpu.memref_slice %arg4[%add3A_190, %dma_start3A_191] : memref<16384x1024xf32, #tpu.memory_space<hbm>> -> memref<16x1024xf32, #tpu.memory_space<hbm>>
    %dma_start3A_193 = arith.constant 0 : i32
    %dma_start3A_194 = tpu.memref_slice %arg4[%add3A_190, %dma_start3A_193] : memref<16384x1024xf32, #tpu.memory_space<hbm>> -> memref<16x1024xf32, #tpu.memory_space<hbm>>
    tpu.enqueue_dma source(%arg9 : memref<16x1024xf32, #tpu.memory_space<vmem>>) target(%dma_start3A_194 : memref<16x1024xf32, #tpu.memory_space<hbm>>) target_semaphore(%arg17 : memref<!tpu.dma_semaphore, #tpu.memory_space<semaphore_mem>>)
    %dma_wait3A_195 = arith.constant 0 : i32
    %dma_wait3A_196 = tpu.memref_slice %arg4[%add3A_170, %dma_wait3A_195] : memref<16384x1024xf32, #tpu.memory_space<hbm>> -> memref<16x1024xf32, #tpu.memory_space<hbm>>
    %dma_wait3A_197 = arith.constant 0 : i32
    %dma_wait3A_198 = tpu.memref_slice %arg4[%add3A_170, %dma_wait3A_197] : memref<16384x1024xf32, #tpu.memory_space<hbm>> -> memref<16x1024xf32, #tpu.memory_space<hbm>>
    tpu.wait_dma2 semaphore(%arg16 : memref<!tpu.dma_semaphore, #tpu.memory_space<semaphore_mem>>) src(%arg8 : memref<16x1024xf32, #tpu.memory_space<vmem>>) dst(%dma_wait3A_198 : memref<16x1024xf32, #tpu.memory_space<hbm>>)
    %dma_start3A_199 = arith.constant 160 : i32
    %dma_start3A_200 = tpu.memref_slice %arg5[%dma_start3A_199] : memref<512xi32, #tpu.memory_space<vmem>> -> memref<16xi32, #tpu.memory_space<vmem>>
    %dma_start3A_201 = arith.constant 0 : i32
    %dma_start3A_202 = arith.constant 0 : i32
    %dma_start3A_203 = tpu.memref_slice %arg2[%dma_start3A_201, %dma_start3A_202] : memref<4097x1024xf32, #tpu.memory_space<hbm>> -> memref<4097x1024xf32, #tpu.memory_space<hbm>>
    tpu.enqueue_indirect_dma source(%dma_start3A_203 : memref<4097x1024xf32, #tpu.memory_space<hbm>>) target(%arg8 : memref<16x1024xf32, #tpu.memory_space<vmem>>) offsets(%dma_start3A_200 : memref<16xi32, #tpu.memory_space<vmem>>) semaphore(%arg12 : memref<!tpu.dma_semaphore, #tpu.memory_space<semaphore_mem>>)
    %dma_wait3A_204 = arith.constant 128 : i32
    %dma_wait3A_205 = tpu.memref_slice %arg5[%dma_wait3A_204] : memref<512xi32, #tpu.memory_space<vmem>> -> memref<16xi32, #tpu.memory_space<vmem>>
    %dma_wait3A_206 = arith.constant 0 : i32
    %dma_wait3A_207 = arith.constant 0 : i32
    %dma_wait3A_208 = tpu.memref_slice %arg2[%dma_wait3A_206, %dma_wait3A_207] : memref<4097x1024xf32, #tpu.memory_space<hbm>> -> memref<4097x1024xf32, #tpu.memory_space<hbm>>
    tpu.wait_indirect_dma semaphore(%arg10 : memref<!tpu.dma_semaphore, #tpu.memory_space<semaphore_mem>>) src(%dma_wait3A_208 : memref<4097x1024xf32, #tpu.memory_space<hbm>>) dst(%arg6 : memref<16x1024xf32, #tpu.memory_space<vmem>>)
    %add3A_209 = arith.constant 128 : i32
    %add3A_210 = arith.addi %mul3A_2, %add3A_209 : i32
    %dma_start3A_211 = arith.constant 0 : i32
    %dma_start3A_212 = tpu.memref_slice %arg4[%add3A_210, %dma_start3A_211] : memref<16384x1024xf32, #tpu.memory_space<hbm>> -> memref<16x1024xf32, #tpu.memory_space<hbm>>
    %dma_start3A_213 = arith.constant 0 : i32
    %dma_start3A_214 = tpu.memref_slice %arg4[%add3A_210, %dma_start3A_213] : memref<16384x1024xf32, #tpu.memory_space<hbm>> -> memref<16x1024xf32, #tpu.memory_space<hbm>>
    tpu.enqueue_dma source(%arg6 : memref<16x1024xf32, #tpu.memory_space<vmem>>) target(%dma_start3A_214 : memref<16x1024xf32, #tpu.memory_space<hbm>>) target_semaphore(%arg14 : memref<!tpu.dma_semaphore, #tpu.memory_space<semaphore_mem>>)
    %dma_wait3A_215 = arith.constant 0 : i32
    %dma_wait3A_216 = tpu.memref_slice %arg4[%add3A_190, %dma_wait3A_215] : memref<16384x1024xf32, #tpu.memory_space<hbm>> -> memref<16x1024xf32, #tpu.memory_space<hbm>>
    %dma_wait3A_217 = arith.constant 0 : i32
    %dma_wait3A_218 = tpu.memref_slice %arg4[%add3A_190, %dma_wait3A_217] : memref<16384x1024xf32, #tpu.memory_space<hbm>> -> memref<16x1024xf32, #tpu.memory_space<hbm>>
    tpu.wait_dma2 semaphore(%arg17 : memref<!tpu.dma_semaphore, #tpu.memory_space<semaphore_mem>>) src(%arg9 : memref<16x1024xf32, #tpu.memory_space<vmem>>) dst(%dma_wait3A_218 : memref<16x1024xf32, #tpu.memory_space<hbm>>)
    %dma_start3A_219 = arith.constant 176 : i32
    %dma_start3A_220 = tpu.memref_slice %arg5[%dma_start3A_219] : memref<512xi32, #tpu.memory_space<vmem>> -> memref<16xi32, #tpu.memory_space<vmem>>
    %dma_start3A_221 = arith.constant 0 : i32
    %dma_start3A_222 = arith.constant 0 : i32
    %dma_start3A_223 = tpu.memref_slice %arg2[%dma_start3A_221, %dma_start3A_222] : memref<4097x1024xf32, #tpu.memory_space<hbm>> -> memref<4097x1024xf32, #tpu.memory_space<hbm>>
    tpu.enqueue_indirect_dma source(%dma_start3A_223 : memref<4097x1024xf32, #tpu.memory_space<hbm>>) target(%arg9 : memref<16x1024xf32, #tpu.memory_space<vmem>>) offsets(%dma_start3A_220 : memref<16xi32, #tpu.memory_space<vmem>>) semaphore(%arg13 : memref<!tpu.dma_semaphore, #tpu.memory_space<semaphore_mem>>)
    %dma_wait3A_224 = arith.constant 144 : i32
    %dma_wait3A_225 = tpu.memref_slice %arg5[%dma_wait3A_224] : memref<512xi32, #tpu.memory_space<vmem>> -> memref<16xi32, #tpu.memory_space<vmem>>
    %dma_wait3A_226 = arith.constant 0 : i32
    %dma_wait3A_227 = arith.constant 0 : i32
    %dma_wait3A_228 = tpu.memref_slice %arg2[%dma_wait3A_226, %dma_wait3A_227] : memref<4097x1024xf32, #tpu.memory_space<hbm>> -> memref<4097x1024xf32, #tpu.memory_space<hbm>>
    tpu.wait_indirect_dma semaphore(%arg11 : memref<!tpu.dma_semaphore, #tpu.memory_space<semaphore_mem>>) src(%dma_wait3A_228 : memref<4097x1024xf32, #tpu.memory_space<hbm>>) dst(%arg7 : memref<16x1024xf32, #tpu.memory_space<vmem>>)
    %add3A_229 = arith.constant 144 : i32
    %add3A_230 = arith.addi %mul3A_2, %add3A_229 : i32
    %dma_start3A_231 = arith.constant 0 : i32
    %dma_start3A_232 = tpu.memref_slice %arg4[%add3A_230, %dma_start3A_231] : memref<16384x1024xf32, #tpu.memory_space<hbm>> -> memref<16x1024xf32, #tpu.memory_space<hbm>>
    %dma_start3A_233 = arith.constant 0 : i32
    %dma_start3A_234 = tpu.memref_slice %arg4[%add3A_230, %dma_start3A_233] : memref<16384x1024xf32, #tpu.memory_space<hbm>> -> memref<16x1024xf32, #tpu.memory_space<hbm>>
    tpu.enqueue_dma source(%arg7 : memref<16x1024xf32, #tpu.memory_space<vmem>>) target(%dma_start3A_234 : memref<16x1024xf32, #tpu.memory_space<hbm>>) target_semaphore(%arg15 : memref<!tpu.dma_semaphore, #tpu.memory_space<semaphore_mem>>)
    %dma_wait3A_235 = arith.constant 0 : i32
    %dma_wait3A_236 = tpu.memref_slice %arg4[%add3A_210, %dma_wait3A_235] : memref<16384x1024xf32, #tpu.memory_space<hbm>> -> memref<16x1024xf32, #tpu.memory_space<hbm>>
    %dma_wait3A_237 = arith.constant 0 : i32
    %dma_wait3A_238 = tpu.memref_slice %arg4[%add3A_210, %dma_wait3A_237] : memref<16384x1024xf32, #tpu.memory_space<hbm>> -> memref<16x1024xf32, #tpu.memory_space<hbm>>
    tpu.wait_dma2 semaphore(%arg14 : memref<!tpu.dma_semaphore, #tpu.memory_space<semaphore_mem>>) src(%arg6 : memref<16x1024xf32, #tpu.memory_space<vmem>>) dst(%dma_wait3A_238 : memref<16x1024xf32, #tpu.memory_space<hbm>>)
    %dma_start3A_239 = arith.constant 192 : i32
    %dma_start3A_240 = tpu.memref_slice %arg5[%dma_start3A_239] : memref<512xi32, #tpu.memory_space<vmem>> -> memref<16xi32, #tpu.memory_space<vmem>>
    %dma_start3A_241 = arith.constant 0 : i32
    %dma_start3A_242 = arith.constant 0 : i32
    %dma_start3A_243 = tpu.memref_slice %arg2[%dma_start3A_241, %dma_start3A_242] : memref<4097x1024xf32, #tpu.memory_space<hbm>> -> memref<4097x1024xf32, #tpu.memory_space<hbm>>
    tpu.enqueue_indirect_dma source(%dma_start3A_243 : memref<4097x1024xf32, #tpu.memory_space<hbm>>) target(%arg6 : memref<16x1024xf32, #tpu.memory_space<vmem>>) offsets(%dma_start3A_240 : memref<16xi32, #tpu.memory_space<vmem>>) semaphore(%arg10 : memref<!tpu.dma_semaphore, #tpu.memory_space<semaphore_mem>>)
    %dma_wait3A_244 = arith.constant 160 : i32
    %dma_wait3A_245 = tpu.memref_slice %arg5[%dma_wait3A_244] : memref<512xi32, #tpu.memory_space<vmem>> -> memref<16xi32, #tpu.memory_space<vmem>>
    %dma_wait3A_246 = arith.constant 0 : i32
    %dma_wait3A_247 = arith.constant 0 : i32
    %dma_wait3A_248 = tpu.memref_slice %arg2[%dma_wait3A_246, %dma_wait3A_247] : memref<4097x1024xf32, #tpu.memory_space<hbm>> -> memref<4097x1024xf32, #tpu.memory_space<hbm>>
    tpu.wait_indirect_dma semaphore(%arg12 : memref<!tpu.dma_semaphore, #tpu.memory_space<semaphore_mem>>) src(%dma_wait3A_248 : memref<4097x1024xf32, #tpu.memory_space<hbm>>) dst(%arg8 : memref<16x1024xf32, #tpu.memory_space<vmem>>)
    %add3A_249 = arith.constant 160 : i32
    %add3A_250 = arith.addi %mul3A_2, %add3A_249 : i32
    %dma_start3A_251 = arith.constant 0 : i32
    %dma_start3A_252 = tpu.memref_slice %arg4[%add3A_250, %dma_start3A_251] : memref<16384x1024xf32, #tpu.memory_space<hbm>> -> memref<16x1024xf32, #tpu.memory_space<hbm>>
    %dma_start3A_253 = arith.constant 0 : i32
    %dma_start3A_254 = tpu.memref_slice %arg4[%add3A_250, %dma_start3A_253] : memref<16384x1024xf32, #tpu.memory_space<hbm>> -> memref<16x1024xf32, #tpu.memory_space<hbm>>
    tpu.enqueue_dma source(%arg8 : memref<16x1024xf32, #tpu.memory_space<vmem>>) target(%dma_start3A_254 : memref<16x1024xf32, #tpu.memory_space<hbm>>) target_semaphore(%arg16 : memref<!tpu.dma_semaphore, #tpu.memory_space<semaphore_mem>>)
    %dma_wait3A_255 = arith.constant 0 : i32
    %dma_wait3A_256 = tpu.memref_slice %arg4[%add3A_230, %dma_wait3A_255] : memref<16384x1024xf32, #tpu.memory_space<hbm>> -> memref<16x1024xf32, #tpu.memory_space<hbm>>
    %dma_wait3A_257 = arith.constant 0 : i32
    %dma_wait3A_258 = tpu.memref_slice %arg4[%add3A_230, %dma_wait3A_257] : memref<16384x1024xf32, #tpu.memory_space<hbm>> -> memref<16x1024xf32, #tpu.memory_space<hbm>>
    tpu.wait_dma2 semaphore(%arg15 : memref<!tpu.dma_semaphore, #tpu.memory_space<semaphore_mem>>) src(%arg7 : memref<16x1024xf32, #tpu.memory_space<vmem>>) dst(%dma_wait3A_258 : memref<16x1024xf32, #tpu.memory_space<hbm>>)
    %dma_start3A_259 = arith.constant 208 : i32
    %dma_start3A_260 = tpu.memref_slice %arg5[%dma_start3A_259] : memref<512xi32, #tpu.memory_space<vmem>> -> memref<16xi32, #tpu.memory_space<vmem>>
    %dma_start3A_261 = arith.constant 0 : i32
    %dma_start3A_262 = arith.constant 0 : i32
    %dma_start3A_263 = tpu.memref_slice %arg2[%dma_start3A_261, %dma_start3A_262] : memref<4097x1024xf32, #tpu.memory_space<hbm>> -> memref<4097x1024xf32, #tpu.memory_space<hbm>>
    tpu.enqueue_indirect_dma source(%dma_start3A_263 : memref<4097x1024xf32, #tpu.memory_space<hbm>>) target(%arg7 : memref<16x1024xf32, #tpu.memory_space<vmem>>) offsets(%dma_start3A_260 : memref<16xi32, #tpu.memory_space<vmem>>) semaphore(%arg11 : memref<!tpu.dma_semaphore, #tpu.memory_space<semaphore_mem>>)
    %dma_wait3A_264 = arith.constant 176 : i32
    %dma_wait3A_265 = tpu.memref_slice %arg5[%dma_wait3A_264] : memref<512xi32, #tpu.memory_space<vmem>> -> memref<16xi32, #tpu.memory_space<vmem>>
    %dma_wait3A_266 = arith.constant 0 : i32
    %dma_wait3A_267 = arith.constant 0 : i32
    %dma_wait3A_268 = tpu.memref_slice %arg2[%dma_wait3A_266, %dma_wait3A_267] : memref<4097x1024xf32, #tpu.memory_space<hbm>> -> memref<4097x1024xf32, #tpu.memory_space<hbm>>
    tpu.wait_indirect_dma semaphore(%arg13 : memref<!tpu.dma_semaphore, #tpu.memory_space<semaphore_mem>>) src(%dma_wait3A_268 : memref<4097x1024xf32, #tpu.memory_space<hbm>>) dst(%arg9 : memref<16x1024xf32, #tpu.memory_space<vmem>>)
    %add3A_269 = arith.constant 176 : i32
    %add3A_270 = arith.addi %mul3A_2, %add3A_269 : i32
    %dma_start3A_271 = arith.constant 0 : i32
    %dma_start3A_272 = tpu.memref_slice %arg4[%add3A_270, %dma_start3A_271] : memref<16384x1024xf32, #tpu.memory_space<hbm>> -> memref<16x1024xf32, #tpu.memory_space<hbm>>
    %dma_start3A_273 = arith.constant 0 : i32
    %dma_start3A_274 = tpu.memref_slice %arg4[%add3A_270, %dma_start3A_273] : memref<16384x1024xf32, #tpu.memory_space<hbm>> -> memref<16x1024xf32, #tpu.memory_space<hbm>>
    tpu.enqueue_dma source(%arg9 : memref<16x1024xf32, #tpu.memory_space<vmem>>) target(%dma_start3A_274 : memref<16x1024xf32, #tpu.memory_space<hbm>>) target_semaphore(%arg17 : memref<!tpu.dma_semaphore, #tpu.memory_space<semaphore_mem>>)
    %dma_wait3A_275 = arith.constant 0 : i32
    %dma_wait3A_276 = tpu.memref_slice %arg4[%add3A_250, %dma_wait3A_275] : memref<16384x1024xf32, #tpu.memory_space<hbm>> -> memref<16x1024xf32, #tpu.memory_space<hbm>>
    %dma_wait3A_277 = arith.constant 0 : i32
    %dma_wait3A_278 = tpu.memref_slice %arg4[%add3A_250, %dma_wait3A_277] : memref<16384x1024xf32, #tpu.memory_space<hbm>> -> memref<16x1024xf32, #tpu.memory_space<hbm>>
    tpu.wait_dma2 semaphore(%arg16 : memref<!tpu.dma_semaphore, #tpu.memory_space<semaphore_mem>>) src(%arg8 : memref<16x1024xf32, #tpu.memory_space<vmem>>) dst(%dma_wait3A_278 : memref<16x1024xf32, #tpu.memory_space<hbm>>)
    %dma_start3A_279 = arith.constant 224 : i32
    %dma_start3A_280 = tpu.memref_slice %arg5[%dma_start3A_279] : memref<512xi32, #tpu.memory_space<vmem>> -> memref<16xi32, #tpu.memory_space<vmem>>
    %dma_start3A_281 = arith.constant 0 : i32
    %dma_start3A_282 = arith.constant 0 : i32
    %dma_start3A_283 = tpu.memref_slice %arg2[%dma_start3A_281, %dma_start3A_282] : memref<4097x1024xf32, #tpu.memory_space<hbm>> -> memref<4097x1024xf32, #tpu.memory_space<hbm>>
    tpu.enqueue_indirect_dma source(%dma_start3A_283 : memref<4097x1024xf32, #tpu.memory_space<hbm>>) target(%arg8 : memref<16x1024xf32, #tpu.memory_space<vmem>>) offsets(%dma_start3A_280 : memref<16xi32, #tpu.memory_space<vmem>>) semaphore(%arg12 : memref<!tpu.dma_semaphore, #tpu.memory_space<semaphore_mem>>)
    %dma_wait3A_284 = arith.constant 192 : i32
    %dma_wait3A_285 = tpu.memref_slice %arg5[%dma_wait3A_284] : memref<512xi32, #tpu.memory_space<vmem>> -> memref<16xi32, #tpu.memory_space<vmem>>
    %dma_wait3A_286 = arith.constant 0 : i32
    %dma_wait3A_287 = arith.constant 0 : i32
    %dma_wait3A_288 = tpu.memref_slice %arg2[%dma_wait3A_286, %dma_wait3A_287] : memref<4097x1024xf32, #tpu.memory_space<hbm>> -> memref<4097x1024xf32, #tpu.memory_space<hbm>>
    tpu.wait_indirect_dma semaphore(%arg10 : memref<!tpu.dma_semaphore, #tpu.memory_space<semaphore_mem>>) src(%dma_wait3A_288 : memref<4097x1024xf32, #tpu.memory_space<hbm>>) dst(%arg6 : memref<16x1024xf32, #tpu.memory_space<vmem>>)
    %add3A_289 = arith.constant 192 : i32
    %add3A_290 = arith.addi %mul3A_2, %add3A_289 : i32
    %dma_start3A_291 = arith.constant 0 : i32
    %dma_start3A_292 = tpu.memref_slice %arg4[%add3A_290, %dma_start3A_291] : memref<16384x1024xf32, #tpu.memory_space<hbm>> -> memref<16x1024xf32, #tpu.memory_space<hbm>>
    %dma_start3A_293 = arith.constant 0 : i32
    %dma_start3A_294 = tpu.memref_slice %arg4[%add3A_290, %dma_start3A_293] : memref<16384x1024xf32, #tpu.memory_space<hbm>> -> memref<16x1024xf32, #tpu.memory_space<hbm>>
    tpu.enqueue_dma source(%arg6 : memref<16x1024xf32, #tpu.memory_space<vmem>>) target(%dma_start3A_294 : memref<16x1024xf32, #tpu.memory_space<hbm>>) target_semaphore(%arg14 : memref<!tpu.dma_semaphore, #tpu.memory_space<semaphore_mem>>)
    %dma_wait3A_295 = arith.constant 0 : i32
    %dma_wait3A_296 = tpu.memref_slice %arg4[%add3A_270, %dma_wait3A_295] : memref<16384x1024xf32, #tpu.memory_space<hbm>> -> memref<16x1024xf32, #tpu.memory_space<hbm>>
    %dma_wait3A_297 = arith.constant 0 : i32
    %dma_wait3A_298 = tpu.memref_slice %arg4[%add3A_270, %dma_wait3A_297] : memref<16384x1024xf32, #tpu.memory_space<hbm>> -> memref<16x1024xf32, #tpu.memory_space<hbm>>
    tpu.wait_dma2 semaphore(%arg17 : memref<!tpu.dma_semaphore, #tpu.memory_space<semaphore_mem>>) src(%arg9 : memref<16x1024xf32, #tpu.memory_space<vmem>>) dst(%dma_wait3A_298 : memref<16x1024xf32, #tpu.memory_space<hbm>>)
    %dma_start3A_299 = arith.constant 240 : i32
    %dma_start3A_300 = tpu.memref_slice %arg5[%dma_start3A_299] : memref<512xi32, #tpu.memory_space<vmem>> -> memref<16xi32, #tpu.memory_space<vmem>>
    %dma_start3A_301 = arith.constant 0 : i32
    %dma_start3A_302 = arith.constant 0 : i32
    %dma_start3A_303 = tpu.memref_slice %arg2[%dma_start3A_301, %dma_start3A_302] : memref<4097x1024xf32, #tpu.memory_space<hbm>> -> memref<4097x1024xf32, #tpu.memory_space<hbm>>
    tpu.enqueue_indirect_dma source(%dma_start3A_303 : memref<4097x1024xf32, #tpu.memory_space<hbm>>) target(%arg9 : memref<16x1024xf32, #tpu.memory_space<vmem>>) offsets(%dma_start3A_300 : memref<16xi32, #tpu.memory_space<vmem>>) semaphore(%arg13 : memref<!tpu.dma_semaphore, #tpu.memory_space<semaphore_mem>>)
    %dma_wait3A_304 = arith.constant 208 : i32
    %dma_wait3A_305 = tpu.memref_slice %arg5[%dma_wait3A_304] : memref<512xi32, #tpu.memory_space<vmem>> -> memref<16xi32, #tpu.memory_space<vmem>>
    %dma_wait3A_306 = arith.constant 0 : i32
    %dma_wait3A_307 = arith.constant 0 : i32
    %dma_wait3A_308 = tpu.memref_slice %arg2[%dma_wait3A_306, %dma_wait3A_307] : memref<4097x1024xf32, #tpu.memory_space<hbm>> -> memref<4097x1024xf32, #tpu.memory_space<hbm>>
    tpu.wait_indirect_dma semaphore(%arg11 : memref<!tpu.dma_semaphore, #tpu.memory_space<semaphore_mem>>) src(%dma_wait3A_308 : memref<4097x1024xf32, #tpu.memory_space<hbm>>) dst(%arg7 : memref<16x1024xf32, #tpu.memory_space<vmem>>)
    %add3A_309 = arith.constant 208 : i32
    %add3A_310 = arith.addi %mul3A_2, %add3A_309 : i32
    %dma_start3A_311 = arith.constant 0 : i32
    %dma_start3A_312 = tpu.memref_slice %arg4[%add3A_310, %dma_start3A_311] : memref<16384x1024xf32, #tpu.memory_space<hbm>> -> memref<16x1024xf32, #tpu.memory_space<hbm>>
    %dma_start3A_313 = arith.constant 0 : i32
    %dma_start3A_314 = tpu.memref_slice %arg4[%add3A_310, %dma_start3A_313] : memref<16384x1024xf32, #tpu.memory_space<hbm>> -> memref<16x1024xf32, #tpu.memory_space<hbm>>
    tpu.enqueue_dma source(%arg7 : memref<16x1024xf32, #tpu.memory_space<vmem>>) target(%dma_start3A_314 : memref<16x1024xf32, #tpu.memory_space<hbm>>) target_semaphore(%arg15 : memref<!tpu.dma_semaphore, #tpu.memory_space<semaphore_mem>>)
    %dma_wait3A_315 = arith.constant 0 : i32
    %dma_wait3A_316 = tpu.memref_slice %arg4[%add3A_290, %dma_wait3A_315] : memref<16384x1024xf32, #tpu.memory_space<hbm>> -> memref<16x1024xf32, #tpu.memory_space<hbm>>
    %dma_wait3A_317 = arith.constant 0 : i32
    %dma_wait3A_318 = tpu.memref_slice %arg4[%add3A_290, %dma_wait3A_317] : memref<16384x1024xf32, #tpu.memory_space<hbm>> -> memref<16x1024xf32, #tpu.memory_space<hbm>>
    tpu.wait_dma2 semaphore(%arg14 : memref<!tpu.dma_semaphore, #tpu.memory_space<semaphore_mem>>) src(%arg6 : memref<16x1024xf32, #tpu.memory_space<vmem>>) dst(%dma_wait3A_318 : memref<16x1024xf32, #tpu.memory_space<hbm>>)
    %dma_start3A_319 = arith.constant 256 : i32
    %dma_start3A_320 = tpu.memref_slice %arg5[%dma_start3A_319] : memref<512xi32, #tpu.memory_space<vmem>> -> memref<16xi32, #tpu.memory_space<vmem>>
    %dma_start3A_321 = arith.constant 0 : i32
    %dma_start3A_322 = arith.constant 0 : i32
    %dma_start3A_323 = tpu.memref_slice %arg2[%dma_start3A_321, %dma_start3A_322] : memref<4097x1024xf32, #tpu.memory_space<hbm>> -> memref<4097x1024xf32, #tpu.memory_space<hbm>>
    tpu.enqueue_indirect_dma source(%dma_start3A_323 : memref<4097x1024xf32, #tpu.memory_space<hbm>>) target(%arg6 : memref<16x1024xf32, #tpu.memory_space<vmem>>) offsets(%dma_start3A_320 : memref<16xi32, #tpu.memory_space<vmem>>) semaphore(%arg10 : memref<!tpu.dma_semaphore, #tpu.memory_space<semaphore_mem>>)
    %dma_wait3A_324 = arith.constant 224 : i32
    %dma_wait3A_325 = tpu.memref_slice %arg5[%dma_wait3A_324] : memref<512xi32, #tpu.memory_space<vmem>> -> memref<16xi32, #tpu.memory_space<vmem>>
    %dma_wait3A_326 = arith.constant 0 : i32
    %dma_wait3A_327 = arith.constant 0 : i32
    %dma_wait3A_328 = tpu.memref_slice %arg2[%dma_wait3A_326, %dma_wait3A_327] : memref<4097x1024xf32, #tpu.memory_space<hbm>> -> memref<4097x1024xf32, #tpu.memory_space<hbm>>
    tpu.wait_indirect_dma semaphore(%arg12 : memref<!tpu.dma_semaphore, #tpu.memory_space<semaphore_mem>>) src(%dma_wait3A_328 : memref<4097x1024xf32, #tpu.memory_space<hbm>>) dst(%arg8 : memref<16x1024xf32, #tpu.memory_space<vmem>>)
    %add3A_329 = arith.constant 224 : i32
    %add3A_330 = arith.addi %mul3A_2, %add3A_329 : i32
    %dma_start3A_331 = arith.constant 0 : i32
    %dma_start3A_332 = tpu.memref_slice %arg4[%add3A_330, %dma_start3A_331] : memref<16384x1024xf32, #tpu.memory_space<hbm>> -> memref<16x1024xf32, #tpu.memory_space<hbm>>
    %dma_start3A_333 = arith.constant 0 : i32
    %dma_start3A_334 = tpu.memref_slice %arg4[%add3A_330, %dma_start3A_333] : memref<16384x1024xf32, #tpu.memory_space<hbm>> -> memref<16x1024xf32, #tpu.memory_space<hbm>>
    tpu.enqueue_dma source(%arg8 : memref<16x1024xf32, #tpu.memory_space<vmem>>) target(%dma_start3A_334 : memref<16x1024xf32, #tpu.memory_space<hbm>>) target_semaphore(%arg16 : memref<!tpu.dma_semaphore, #tpu.memory_space<semaphore_mem>>)
    %dma_wait3A_335 = arith.constant 0 : i32
    %dma_wait3A_336 = tpu.memref_slice %arg4[%add3A_310, %dma_wait3A_335] : memref<16384x1024xf32, #tpu.memory_space<hbm>> -> memref<16x1024xf32, #tpu.memory_space<hbm>>
    %dma_wait3A_337 = arith.constant 0 : i32
    %dma_wait3A_338 = tpu.memref_slice %arg4[%add3A_310, %dma_wait3A_337] : memref<16384x1024xf32, #tpu.memory_space<hbm>> -> memref<16x1024xf32, #tpu.memory_space<hbm>>
    tpu.wait_dma2 semaphore(%arg15 : memref<!tpu.dma_semaphore, #tpu.memory_space<semaphore_mem>>) src(%arg7 : memref<16x1024xf32, #tpu.memory_space<vmem>>) dst(%dma_wait3A_338 : memref<16x1024xf32, #tpu.memory_space<hbm>>)
    %dma_start3A_339 = arith.constant 272 : i32
    %dma_start3A_340 = tpu.memref_slice %arg5[%dma_start3A_339] : memref<512xi32, #tpu.memory_space<vmem>> -> memref<16xi32, #tpu.memory_space<vmem>>
    %dma_start3A_341 = arith.constant 0 : i32
    %dma_start3A_342 = arith.constant 0 : i32
    %dma_start3A_343 = tpu.memref_slice %arg2[%dma_start3A_341, %dma_start3A_342] : memref<4097x1024xf32, #tpu.memory_space<hbm>> -> memref<4097x1024xf32, #tpu.memory_space<hbm>>
    tpu.enqueue_indirect_dma source(%dma_start3A_343 : memref<4097x1024xf32, #tpu.memory_space<hbm>>) target(%arg7 : memref<16x1024xf32, #tpu.memory_space<vmem>>) offsets(%dma_start3A_340 : memref<16xi32, #tpu.memory_space<vmem>>) semaphore(%arg11 : memref<!tpu.dma_semaphore, #tpu.memory_space<semaphore_mem>>)
    %dma_wait3A_344 = arith.constant 240 : i32
    %dma_wait3A_345 = tpu.memref_slice %arg5[%dma_wait3A_344] : memref<512xi32, #tpu.memory_space<vmem>> -> memref<16xi32, #tpu.memory_space<vmem>>
    %dma_wait3A_346 = arith.constant 0 : i32
    %dma_wait3A_347 = arith.constant 0 : i32
    %dma_wait3A_348 = tpu.memref_slice %arg2[%dma_wait3A_346, %dma_wait3A_347] : memref<4097x1024xf32, #tpu.memory_space<hbm>> -> memref<4097x1024xf32, #tpu.memory_space<hbm>>
    tpu.wait_indirect_dma semaphore(%arg13 : memref<!tpu.dma_semaphore, #tpu.memory_space<semaphore_mem>>) src(%dma_wait3A_348 : memref<4097x1024xf32, #tpu.memory_space<hbm>>) dst(%arg9 : memref<16x1024xf32, #tpu.memory_space<vmem>>)
    %add3A_349 = arith.constant 240 : i32
    %add3A_350 = arith.addi %mul3A_2, %add3A_349 : i32
    %dma_start3A_351 = arith.constant 0 : i32
    %dma_start3A_352 = tpu.memref_slice %arg4[%add3A_350, %dma_start3A_351] : memref<16384x1024xf32, #tpu.memory_space<hbm>> -> memref<16x1024xf32, #tpu.memory_space<hbm>>
    %dma_start3A_353 = arith.constant 0 : i32
    %dma_start3A_354 = tpu.memref_slice %arg4[%add3A_350, %dma_start3A_353] : memref<16384x1024xf32, #tpu.memory_space<hbm>> -> memref<16x1024xf32, #tpu.memory_space<hbm>>
    tpu.enqueue_dma source(%arg9 : memref<16x1024xf32, #tpu.memory_space<vmem>>) target(%dma_start3A_354 : memref<16x1024xf32, #tpu.memory_space<hbm>>) target_semaphore(%arg17 : memref<!tpu.dma_semaphore, #tpu.memory_space<semaphore_mem>>)
    %dma_wait3A_355 = arith.constant 0 : i32
    %dma_wait3A_356 = tpu.memref_slice %arg4[%add3A_330, %dma_wait3A_355] : memref<16384x1024xf32, #tpu.memory_space<hbm>> -> memref<16x1024xf32, #tpu.memory_space<hbm>>
    %dma_wait3A_357 = arith.constant 0 : i32
    %dma_wait3A_358 = tpu.memref_slice %arg4[%add3A_330, %dma_wait3A_357] : memref<16384x1024xf32, #tpu.memory_space<hbm>> -> memref<16x1024xf32, #tpu.memory_space<hbm>>
    tpu.wait_dma2 semaphore(%arg16 : memref<!tpu.dma_semaphore, #tpu.memory_space<semaphore_mem>>) src(%arg8 : memref<16x1024xf32, #tpu.memory_space<vmem>>) dst(%dma_wait3A_358 : memref<16x1024xf32, #tpu.memory_space<hbm>>)
    %dma_start3A_359 = arith.constant 288 : i32
    %dma_start3A_360 = tpu.memref_slice %arg5[%dma_start3A_359] : memref<512xi32, #tpu.memory_space<vmem>> -> memref<16xi32, #tpu.memory_space<vmem>>
    %dma_start3A_361 = arith.constant 0 : i32
    %dma_start3A_362 = arith.constant 0 : i32
    %dma_start3A_363 = tpu.memref_slice %arg2[%dma_start3A_361, %dma_start3A_362] : memref<4097x1024xf32, #tpu.memory_space<hbm>> -> memref<4097x1024xf32, #tpu.memory_space<hbm>>
    tpu.enqueue_indirect_dma source(%dma_start3A_363 : memref<4097x1024xf32, #tpu.memory_space<hbm>>) target(%arg8 : memref<16x1024xf32, #tpu.memory_space<vmem>>) offsets(%dma_start3A_360 : memref<16xi32, #tpu.memory_space<vmem>>) semaphore(%arg12 : memref<!tpu.dma_semaphore, #tpu.memory_space<semaphore_mem>>)
    %dma_wait3A_364 = arith.constant 256 : i32
    %dma_wait3A_365 = tpu.memref_slice %arg5[%dma_wait3A_364] : memref<512xi32, #tpu.memory_space<vmem>> -> memref<16xi32, #tpu.memory_space<vmem>>
    %dma_wait3A_366 = arith.constant 0 : i32
    %dma_wait3A_367 = arith.constant 0 : i32
    %dma_wait3A_368 = tpu.memref_slice %arg2[%dma_wait3A_366, %dma_wait3A_367] : memref<4097x1024xf32, #tpu.memory_space<hbm>> -> memref<4097x1024xf32, #tpu.memory_space<hbm>>
    tpu.wait_indirect_dma semaphore(%arg10 : memref<!tpu.dma_semaphore, #tpu.memory_space<semaphore_mem>>) src(%dma_wait3A_368 : memref<4097x1024xf32, #tpu.memory_space<hbm>>) dst(%arg6 : memref<16x1024xf32, #tpu.memory_space<vmem>>)
    %add3A_369 = arith.constant 256 : i32
    %add3A_370 = arith.addi %mul3A_2, %add3A_369 : i32
    %dma_start3A_371 = arith.constant 0 : i32
    %dma_start3A_372 = tpu.memref_slice %arg4[%add3A_370, %dma_start3A_371] : memref<16384x1024xf32, #tpu.memory_space<hbm>> -> memref<16x1024xf32, #tpu.memory_space<hbm>>
    %dma_start3A_373 = arith.constant 0 : i32
    %dma_start3A_374 = tpu.memref_slice %arg4[%add3A_370, %dma_start3A_373] : memref<16384x1024xf32, #tpu.memory_space<hbm>> -> memref<16x1024xf32, #tpu.memory_space<hbm>>
    tpu.enqueue_dma source(%arg6 : memref<16x1024xf32, #tpu.memory_space<vmem>>) target(%dma_start3A_374 : memref<16x1024xf32, #tpu.memory_space<hbm>>) target_semaphore(%arg14 : memref<!tpu.dma_semaphore, #tpu.memory_space<semaphore_mem>>)
    %dma_wait3A_375 = arith.constant 0 : i32
    %dma_wait3A_376 = tpu.memref_slice %arg4[%add3A_350, %dma_wait3A_375] : memref<16384x1024xf32, #tpu.memory_space<hbm>> -> memref<16x1024xf32, #tpu.memory_space<hbm>>
    %dma_wait3A_377 = arith.constant 0 : i32
    %dma_wait3A_378 = tpu.memref_slice %arg4[%add3A_350, %dma_wait3A_377] : memref<16384x1024xf32, #tpu.memory_space<hbm>> -> memref<16x1024xf32, #tpu.memory_space<hbm>>
    tpu.wait_dma2 semaphore(%arg17 : memref<!tpu.dma_semaphore, #tpu.memory_space<semaphore_mem>>) src(%arg9 : memref<16x1024xf32, #tpu.memory_space<vmem>>) dst(%dma_wait3A_378 : memref<16x1024xf32, #tpu.memory_space<hbm>>)
    %dma_start3A_379 = arith.constant 304 : i32
    %dma_start3A_380 = tpu.memref_slice %arg5[%dma_start3A_379] : memref<512xi32, #tpu.memory_space<vmem>> -> memref<16xi32, #tpu.memory_space<vmem>>
    %dma_start3A_381 = arith.constant 0 : i32
    %dma_start3A_382 = arith.constant 0 : i32
    %dma_start3A_383 = tpu.memref_slice %arg2[%dma_start3A_381, %dma_start3A_382] : memref<4097x1024xf32, #tpu.memory_space<hbm>> -> memref<4097x1024xf32, #tpu.memory_space<hbm>>
    tpu.enqueue_indirect_dma source(%dma_start3A_383 : memref<4097x1024xf32, #tpu.memory_space<hbm>>) target(%arg9 : memref<16x1024xf32, #tpu.memory_space<vmem>>) offsets(%dma_start3A_380 : memref<16xi32, #tpu.memory_space<vmem>>) semaphore(%arg13 : memref<!tpu.dma_semaphore, #tpu.memory_space<semaphore_mem>>)
    %dma_wait3A_384 = arith.constant 272 : i32
    %dma_wait3A_385 = tpu.memref_slice %arg5[%dma_wait3A_384] : memref<512xi32, #tpu.memory_space<vmem>> -> memref<16xi32, #tpu.memory_space<vmem>>
    %dma_wait3A_386 = arith.constant 0 : i32
    %dma_wait3A_387 = arith.constant 0 : i32
    %dma_wait3A_388 = tpu.memref_slice %arg2[%dma_wait3A_386, %dma_wait3A_387] : memref<4097x1024xf32, #tpu.memory_space<hbm>> -> memref<4097x1024xf32, #tpu.memory_space<hbm>>
    tpu.wait_indirect_dma semaphore(%arg11 : memref<!tpu.dma_semaphore, #tpu.memory_space<semaphore_mem>>) src(%dma_wait3A_388 : memref<4097x1024xf32, #tpu.memory_space<hbm>>) dst(%arg7 : memref<16x1024xf32, #tpu.memory_space<vmem>>)
    %add3A_389 = arith.constant 272 : i32
    %add3A_390 = arith.addi %mul3A_2, %add3A_389 : i32
    %dma_start3A_391 = arith.constant 0 : i32
    %dma_start3A_392 = tpu.memref_slice %arg4[%add3A_390, %dma_start3A_391] : memref<16384x1024xf32, #tpu.memory_space<hbm>> -> memref<16x1024xf32, #tpu.memory_space<hbm>>
    %dma_start3A_393 = arith.constant 0 : i32
    %dma_start3A_394 = tpu.memref_slice %arg4[%add3A_390, %dma_start3A_393] : memref<16384x1024xf32, #tpu.memory_space<hbm>> -> memref<16x1024xf32, #tpu.memory_space<hbm>>
    tpu.enqueue_dma source(%arg7 : memref<16x1024xf32, #tpu.memory_space<vmem>>) target(%dma_start3A_394 : memref<16x1024xf32, #tpu.memory_space<hbm>>) target_semaphore(%arg15 : memref<!tpu.dma_semaphore, #tpu.memory_space<semaphore_mem>>)
    %dma_wait3A_395 = arith.constant 0 : i32
    %dma_wait3A_396 = tpu.memref_slice %arg4[%add3A_370, %dma_wait3A_395] : memref<16384x1024xf32, #tpu.memory_space<hbm>> -> memref<16x1024xf32, #tpu.memory_space<hbm>>
    %dma_wait3A_397 = arith.constant 0 : i32
    %dma_wait3A_398 = tpu.memref_slice %arg4[%add3A_370, %dma_wait3A_397] : memref<16384x1024xf32, #tpu.memory_space<hbm>> -> memref<16x1024xf32, #tpu.memory_space<hbm>>
    tpu.wait_dma2 semaphore(%arg14 : memref<!tpu.dma_semaphore, #tpu.memory_space<semaphore_mem>>) src(%arg6 : memref<16x1024xf32, #tpu.memory_space<vmem>>) dst(%dma_wait3A_398 : memref<16x1024xf32, #tpu.memory_space<hbm>>)
    %dma_start3A_399 = arith.constant 320 : i32
    %dma_start3A_400 = tpu.memref_slice %arg5[%dma_start3A_399] : memref<512xi32, #tpu.memory_space<vmem>> -> memref<16xi32, #tpu.memory_space<vmem>>
    %dma_start3A_401 = arith.constant 0 : i32
    %dma_start3A_402 = arith.constant 0 : i32
    %dma_start3A_403 = tpu.memref_slice %arg2[%dma_start3A_401, %dma_start3A_402] : memref<4097x1024xf32, #tpu.memory_space<hbm>> -> memref<4097x1024xf32, #tpu.memory_space<hbm>>
    tpu.enqueue_indirect_dma source(%dma_start3A_403 : memref<4097x1024xf32, #tpu.memory_space<hbm>>) target(%arg6 : memref<16x1024xf32, #tpu.memory_space<vmem>>) offsets(%dma_start3A_400 : memref<16xi32, #tpu.memory_space<vmem>>) semaphore(%arg10 : memref<!tpu.dma_semaphore, #tpu.memory_space<semaphore_mem>>)
    %dma_wait3A_404 = arith.constant 288 : i32
    %dma_wait3A_405 = tpu.memref_slice %arg5[%dma_wait3A_404] : memref<512xi32, #tpu.memory_space<vmem>> -> memref<16xi32, #tpu.memory_space<vmem>>
    %dma_wait3A_406 = arith.constant 0 : i32
    %dma_wait3A_407 = arith.constant 0 : i32
    %dma_wait3A_408 = tpu.memref_slice %arg2[%dma_wait3A_406, %dma_wait3A_407] : memref<4097x1024xf32, #tpu.memory_space<hbm>> -> memref<4097x1024xf32, #tpu.memory_space<hbm>>
    tpu.wait_indirect_dma semaphore(%arg12 : memref<!tpu.dma_semaphore, #tpu.memory_space<semaphore_mem>>) src(%dma_wait3A_408 : memref<4097x1024xf32, #tpu.memory_space<hbm>>) dst(%arg8 : memref<16x1024xf32, #tpu.memory_space<vmem>>)
    %add3A_409 = arith.constant 288 : i32
    %add3A_410 = arith.addi %mul3A_2, %add3A_409 : i32
    %dma_start3A_411 = arith.constant 0 : i32
    %dma_start3A_412 = tpu.memref_slice %arg4[%add3A_410, %dma_start3A_411] : memref<16384x1024xf32, #tpu.memory_space<hbm>> -> memref<16x1024xf32, #tpu.memory_space<hbm>>
    %dma_start3A_413 = arith.constant 0 : i32
    %dma_start3A_414 = tpu.memref_slice %arg4[%add3A_410, %dma_start3A_413] : memref<16384x1024xf32, #tpu.memory_space<hbm>> -> memref<16x1024xf32, #tpu.memory_space<hbm>>
    tpu.enqueue_dma source(%arg8 : memref<16x1024xf32, #tpu.memory_space<vmem>>) target(%dma_start3A_414 : memref<16x1024xf32, #tpu.memory_space<hbm>>) target_semaphore(%arg16 : memref<!tpu.dma_semaphore, #tpu.memory_space<semaphore_mem>>)
    %dma_wait3A_415 = arith.constant 0 : i32
    %dma_wait3A_416 = tpu.memref_slice %arg4[%add3A_390, %dma_wait3A_415] : memref<16384x1024xf32, #tpu.memory_space<hbm>> -> memref<16x1024xf32, #tpu.memory_space<hbm>>
    %dma_wait3A_417 = arith.constant 0 : i32
    %dma_wait3A_418 = tpu.memref_slice %arg4[%add3A_390, %dma_wait3A_417] : memref<16384x1024xf32, #tpu.memory_space<hbm>> -> memref<16x1024xf32, #tpu.memory_space<hbm>>
    tpu.wait_dma2 semaphore(%arg15 : memref<!tpu.dma_semaphore, #tpu.memory_space<semaphore_mem>>) src(%arg7 : memref<16x1024xf32, #tpu.memory_space<vmem>>) dst(%dma_wait3A_418 : memref<16x1024xf32, #tpu.memory_space<hbm>>)
    %dma_start3A_419 = arith.constant 336 : i32
    %dma_start3A_420 = tpu.memref_slice %arg5[%dma_start3A_419] : memref<512xi32, #tpu.memory_space<vmem>> -> memref<16xi32, #tpu.memory_space<vmem>>
    %dma_start3A_421 = arith.constant 0 : i32
    %dma_start3A_422 = arith.constant 0 : i32
    %dma_start3A_423 = tpu.memref_slice %arg2[%dma_start3A_421, %dma_start3A_422] : memref<4097x1024xf32, #tpu.memory_space<hbm>> -> memref<4097x1024xf32, #tpu.memory_space<hbm>>
    tpu.enqueue_indirect_dma source(%dma_start3A_423 : memref<4097x1024xf32, #tpu.memory_space<hbm>>) target(%arg7 : memref<16x1024xf32, #tpu.memory_space<vmem>>) offsets(%dma_start3A_420 : memref<16xi32, #tpu.memory_space<vmem>>) semaphore(%arg11 : memref<!tpu.dma_semaphore, #tpu.memory_space<semaphore_mem>>)
    %dma_wait3A_424 = arith.constant 304 : i32
    %dma_wait3A_425 = tpu.memref_slice %arg5[%dma_wait3A_424] : memref<512xi32, #tpu.memory_space<vmem>> -> memref<16xi32, #tpu.memory_space<vmem>>
    %dma_wait3A_426 = arith.constant 0 : i32
    %dma_wait3A_427 = arith.constant 0 : i32
    %dma_wait3A_428 = tpu.memref_slice %arg2[%dma_wait3A_426, %dma_wait3A_427] : memref<4097x1024xf32, #tpu.memory_space<hbm>> -> memref<4097x1024xf32, #tpu.memory_space<hbm>>
    tpu.wait_indirect_dma semaphore(%arg13 : memref<!tpu.dma_semaphore, #tpu.memory_space<semaphore_mem>>) src(%dma_wait3A_428 : memref<4097x1024xf32, #tpu.memory_space<hbm>>) dst(%arg9 : memref<16x1024xf32, #tpu.memory_space<vmem>>)
    %add3A_429 = arith.constant 304 : i32
    %add3A_430 = arith.addi %mul3A_2, %add3A_429 : i32
    %dma_start3A_431 = arith.constant 0 : i32
    %dma_start3A_432 = tpu.memref_slice %arg4[%add3A_430, %dma_start3A_431] : memref<16384x1024xf32, #tpu.memory_space<hbm>> -> memref<16x1024xf32, #tpu.memory_space<hbm>>
    %dma_start3A_433 = arith.constant 0 : i32
    %dma_start3A_434 = tpu.memref_slice %arg4[%add3A_430, %dma_start3A_433] : memref<16384x1024xf32, #tpu.memory_space<hbm>> -> memref<16x1024xf32, #tpu.memory_space<hbm>>
    tpu.enqueue_dma source(%arg9 : memref<16x1024xf32, #tpu.memory_space<vmem>>) target(%dma_start3A_434 : memref<16x1024xf32, #tpu.memory_space<hbm>>) target_semaphore(%arg17 : memref<!tpu.dma_semaphore, #tpu.memory_space<semaphore_mem>>)
    %dma_wait3A_435 = arith.constant 0 : i32
    %dma_wait3A_436 = tpu.memref_slice %arg4[%add3A_410, %dma_wait3A_435] : memref<16384x1024xf32, #tpu.memory_space<hbm>> -> memref<16x1024xf32, #tpu.memory_space<hbm>>
    %dma_wait3A_437 = arith.constant 0 : i32
    %dma_wait3A_438 = tpu.memref_slice %arg4[%add3A_410, %dma_wait3A_437] : memref<16384x1024xf32, #tpu.memory_space<hbm>> -> memref<16x1024xf32, #tpu.memory_space<hbm>>
    tpu.wait_dma2 semaphore(%arg16 : memref<!tpu.dma_semaphore, #tpu.memory_space<semaphore_mem>>) src(%arg8 : memref<16x1024xf32, #tpu.memory_space<vmem>>) dst(%dma_wait3A_438 : memref<16x1024xf32, #tpu.memory_space<hbm>>)
    %dma_start3A_439 = arith.constant 352 : i32
    %dma_start3A_440 = tpu.memref_slice %arg5[%dma_start3A_439] : memref<512xi32, #tpu.memory_space<vmem>> -> memref<16xi32, #tpu.memory_space<vmem>>
    %dma_start3A_441 = arith.constant 0 : i32
    %dma_start3A_442 = arith.constant 0 : i32
    %dma_start3A_443 = tpu.memref_slice %arg2[%dma_start3A_441, %dma_start3A_442] : memref<4097x1024xf32, #tpu.memory_space<hbm>> -> memref<4097x1024xf32, #tpu.memory_space<hbm>>
    tpu.enqueue_indirect_dma source(%dma_start3A_443 : memref<4097x1024xf32, #tpu.memory_space<hbm>>) target(%arg8 : memref<16x1024xf32, #tpu.memory_space<vmem>>) offsets(%dma_start3A_440 : memref<16xi32, #tpu.memory_space<vmem>>) semaphore(%arg12 : memref<!tpu.dma_semaphore, #tpu.memory_space<semaphore_mem>>)
    %dma_wait3A_444 = arith.constant 320 : i32
    %dma_wait3A_445 = tpu.memref_slice %arg5[%dma_wait3A_444] : memref<512xi32, #tpu.memory_space<vmem>> -> memref<16xi32, #tpu.memory_space<vmem>>
    %dma_wait3A_446 = arith.constant 0 : i32
    %dma_wait3A_447 = arith.constant 0 : i32
    %dma_wait3A_448 = tpu.memref_slice %arg2[%dma_wait3A_446, %dma_wait3A_447] : memref<4097x1024xf32, #tpu.memory_space<hbm>> -> memref<4097x1024xf32, #tpu.memory_space<hbm>>
    tpu.wait_indirect_dma semaphore(%arg10 : memref<!tpu.dma_semaphore, #tpu.memory_space<semaphore_mem>>) src(%dma_wait3A_448 : memref<4097x1024xf32, #tpu.memory_space<hbm>>) dst(%arg6 : memref<16x1024xf32, #tpu.memory_space<vmem>>)
    %add3A_449 = arith.constant 320 : i32
    %add3A_450 = arith.addi %mul3A_2, %add3A_449 : i32
    %dma_start3A_451 = arith.constant 0 : i32
    %dma_start3A_452 = tpu.memref_slice %arg4[%add3A_450, %dma_start3A_451] : memref<16384x1024xf32, #tpu.memory_space<hbm>> -> memref<16x1024xf32, #tpu.memory_space<hbm>>
    %dma_start3A_453 = arith.constant 0 : i32
    %dma_start3A_454 = tpu.memref_slice %arg4[%add3A_450, %dma_start3A_453] : memref<16384x1024xf32, #tpu.memory_space<hbm>> -> memref<16x1024xf32, #tpu.memory_space<hbm>>
    tpu.enqueue_dma source(%arg6 : memref<16x1024xf32, #tpu.memory_space<vmem>>) target(%dma_start3A_454 : memref<16x1024xf32, #tpu.memory_space<hbm>>) target_semaphore(%arg14 : memref<!tpu.dma_semaphore, #tpu.memory_space<semaphore_mem>>)
    %dma_wait3A_455 = arith.constant 0 : i32
    %dma_wait3A_456 = tpu.memref_slice %arg4[%add3A_430, %dma_wait3A_455] : memref<16384x1024xf32, #tpu.memory_space<hbm>> -> memref<16x1024xf32, #tpu.memory_space<hbm>>
    %dma_wait3A_457 = arith.constant 0 : i32
    %dma_wait3A_458 = tpu.memref_slice %arg4[%add3A_430, %dma_wait3A_457] : memref<16384x1024xf32, #tpu.memory_space<hbm>> -> memref<16x1024xf32, #tpu.memory_space<hbm>>
    tpu.wait_dma2 semaphore(%arg17 : memref<!tpu.dma_semaphore, #tpu.memory_space<semaphore_mem>>) src(%arg9 : memref<16x1024xf32, #tpu.memory_space<vmem>>) dst(%dma_wait3A_458 : memref<16x1024xf32, #tpu.memory_space<hbm>>)
    %dma_start3A_459 = arith.constant 368 : i32
    %dma_start3A_460 = tpu.memref_slice %arg5[%dma_start3A_459] : memref<512xi32, #tpu.memory_space<vmem>> -> memref<16xi32, #tpu.memory_space<vmem>>
    %dma_start3A_461 = arith.constant 0 : i32
    %dma_start3A_462 = arith.constant 0 : i32
    %dma_start3A_463 = tpu.memref_slice %arg2[%dma_start3A_461, %dma_start3A_462] : memref<4097x1024xf32, #tpu.memory_space<hbm>> -> memref<4097x1024xf32, #tpu.memory_space<hbm>>
    tpu.enqueue_indirect_dma source(%dma_start3A_463 : memref<4097x1024xf32, #tpu.memory_space<hbm>>) target(%arg9 : memref<16x1024xf32, #tpu.memory_space<vmem>>) offsets(%dma_start3A_460 : memref<16xi32, #tpu.memory_space<vmem>>) semaphore(%arg13 : memref<!tpu.dma_semaphore, #tpu.memory_space<semaphore_mem>>)
    %dma_wait3A_464 = arith.constant 336 : i32
    %dma_wait3A_465 = tpu.memref_slice %arg5[%dma_wait3A_464] : memref<512xi32, #tpu.memory_space<vmem>> -> memref<16xi32, #tpu.memory_space<vmem>>
    %dma_wait3A_466 = arith.constant 0 : i32
    %dma_wait3A_467 = arith.constant 0 : i32
    %dma_wait3A_468 = tpu.memref_slice %arg2[%dma_wait3A_466, %dma_wait3A_467] : memref<4097x1024xf32, #tpu.memory_space<hbm>> -> memref<4097x1024xf32, #tpu.memory_space<hbm>>
    tpu.wait_indirect_dma semaphore(%arg11 : memref<!tpu.dma_semaphore, #tpu.memory_space<semaphore_mem>>) src(%dma_wait3A_468 : memref<4097x1024xf32, #tpu.memory_space<hbm>>) dst(%arg7 : memref<16x1024xf32, #tpu.memory_space<vmem>>)
    %add3A_469 = arith.constant 336 : i32
    %add3A_470 = arith.addi %mul3A_2, %add3A_469 : i32
    %dma_start3A_471 = arith.constant 0 : i32
    %dma_start3A_472 = tpu.memref_slice %arg4[%add3A_470, %dma_start3A_471] : memref<16384x1024xf32, #tpu.memory_space<hbm>> -> memref<16x1024xf32, #tpu.memory_space<hbm>>
    %dma_start3A_473 = arith.constant 0 : i32
    %dma_start3A_474 = tpu.memref_slice %arg4[%add3A_470, %dma_start3A_473] : memref<16384x1024xf32, #tpu.memory_space<hbm>> -> memref<16x1024xf32, #tpu.memory_space<hbm>>
    tpu.enqueue_dma source(%arg7 : memref<16x1024xf32, #tpu.memory_space<vmem>>) target(%dma_start3A_474 : memref<16x1024xf32, #tpu.memory_space<hbm>>) target_semaphore(%arg15 : memref<!tpu.dma_semaphore, #tpu.memory_space<semaphore_mem>>)
    %dma_wait3A_475 = arith.constant 0 : i32
    %dma_wait3A_476 = tpu.memref_slice %arg4[%add3A_450, %dma_wait3A_475] : memref<16384x1024xf32, #tpu.memory_space<hbm>> -> memref<16x1024xf32, #tpu.memory_space<hbm>>
    %dma_wait3A_477 = arith.constant 0 : i32
    %dma_wait3A_478 = tpu.memref_slice %arg4[%add3A_450, %dma_wait3A_477] : memref<16384x1024xf32, #tpu.memory_space<hbm>> -> memref<16x1024xf32, #tpu.memory_space<hbm>>
    tpu.wait_dma2 semaphore(%arg14 : memref<!tpu.dma_semaphore, #tpu.memory_space<semaphore_mem>>) src(%arg6 : memref<16x1024xf32, #tpu.memory_space<vmem>>) dst(%dma_wait3A_478 : memref<16x1024xf32, #tpu.memory_space<hbm>>)
    %dma_start3A_479 = arith.constant 384 : i32
    %dma_start3A_480 = tpu.memref_slice %arg5[%dma_start3A_479] : memref<512xi32, #tpu.memory_space<vmem>> -> memref<16xi32, #tpu.memory_space<vmem>>
    %dma_start3A_481 = arith.constant 0 : i32
    %dma_start3A_482 = arith.constant 0 : i32
    %dma_start3A_483 = tpu.memref_slice %arg2[%dma_start3A_481, %dma_start3A_482] : memref<4097x1024xf32, #tpu.memory_space<hbm>> -> memref<4097x1024xf32, #tpu.memory_space<hbm>>
    tpu.enqueue_indirect_dma source(%dma_start3A_483 : memref<4097x1024xf32, #tpu.memory_space<hbm>>) target(%arg6 : memref<16x1024xf32, #tpu.memory_space<vmem>>) offsets(%dma_start3A_480 : memref<16xi32, #tpu.memory_space<vmem>>) semaphore(%arg10 : memref<!tpu.dma_semaphore, #tpu.memory_space<semaphore_mem>>)
    %dma_wait3A_484 = arith.constant 352 : i32
    %dma_wait3A_485 = tpu.memref_slice %arg5[%dma_wait3A_484] : memref<512xi32, #tpu.memory_space<vmem>> -> memref<16xi32, #tpu.memory_space<vmem>>
    %dma_wait3A_486 = arith.constant 0 : i32
    %dma_wait3A_487 = arith.constant 0 : i32
    %dma_wait3A_488 = tpu.memref_slice %arg2[%dma_wait3A_486, %dma_wait3A_487] : memref<4097x1024xf32, #tpu.memory_space<hbm>> -> memref<4097x1024xf32, #tpu.memory_space<hbm>>
    tpu.wait_indirect_dma semaphore(%arg12 : memref<!tpu.dma_semaphore, #tpu.memory_space<semaphore_mem>>) src(%dma_wait3A_488 : memref<4097x1024xf32, #tpu.memory_space<hbm>>) dst(%arg8 : memref<16x1024xf32, #tpu.memory_space<vmem>>)
    %add3A_489 = arith.constant 352 : i32
    %add3A_490 = arith.addi %mul3A_2, %add3A_489 : i32
    %dma_start3A_491 = arith.constant 0 : i32
    %dma_start3A_492 = tpu.memref_slice %arg4[%add3A_490, %dma_start3A_491] : memref<16384x1024xf32, #tpu.memory_space<hbm>> -> memref<16x1024xf32, #tpu.memory_space<hbm>>
    %dma_start3A_493 = arith.constant 0 : i32
    %dma_start3A_494 = tpu.memref_slice %arg4[%add3A_490, %dma_start3A_493] : memref<16384x1024xf32, #tpu.memory_space<hbm>> -> memref<16x1024xf32, #tpu.memory_space<hbm>>
    tpu.enqueue_dma source(%arg8 : memref<16x1024xf32, #tpu.memory_space<vmem>>) target(%dma_start3A_494 : memref<16x1024xf32, #tpu.memory_space<hbm>>) target_semaphore(%arg16 : memref<!tpu.dma_semaphore, #tpu.memory_space<semaphore_mem>>)
    %dma_wait3A_495 = arith.constant 0 : i32
    %dma_wait3A_496 = tpu.memref_slice %arg4[%add3A_470, %dma_wait3A_495] : memref<16384x1024xf32, #tpu.memory_space<hbm>> -> memref<16x1024xf32, #tpu.memory_space<hbm>>
    %dma_wait3A_497 = arith.constant 0 : i32
    %dma_wait3A_498 = tpu.memref_slice %arg4[%add3A_470, %dma_wait3A_497] : memref<16384x1024xf32, #tpu.memory_space<hbm>> -> memref<16x1024xf32, #tpu.memory_space<hbm>>
    tpu.wait_dma2 semaphore(%arg15 : memref<!tpu.dma_semaphore, #tpu.memory_space<semaphore_mem>>) src(%arg7 : memref<16x1024xf32, #tpu.memory_space<vmem>>) dst(%dma_wait3A_498 : memref<16x1024xf32, #tpu.memory_space<hbm>>)
    %dma_start3A_499 = arith.constant 400 : i32
    %dma_start3A_500 = tpu.memref_slice %arg5[%dma_start3A_499] : memref<512xi32, #tpu.memory_space<vmem>> -> memref<16xi32, #tpu.memory_space<vmem>>
    %dma_start3A_501 = arith.constant 0 : i32
    %dma_start3A_502 = arith.constant 0 : i32
    %dma_start3A_503 = tpu.memref_slice %arg2[%dma_start3A_501, %dma_start3A_502] : memref<4097x1024xf32, #tpu.memory_space<hbm>> -> memref<4097x1024xf32, #tpu.memory_space<hbm>>
    tpu.enqueue_indirect_dma source(%dma_start3A_503 : memref<4097x1024xf32, #tpu.memory_space<hbm>>) target(%arg7 : memref<16x1024xf32, #tpu.memory_space<vmem>>) offsets(%dma_start3A_500 : memref<16xi32, #tpu.memory_space<vmem>>) semaphore(%arg11 : memref<!tpu.dma_semaphore, #tpu.memory_space<semaphore_mem>>)
    %dma_wait3A_504 = arith.constant 368 : i32
    %dma_wait3A_505 = tpu.memref_slice %arg5[%dma_wait3A_504] : memref<512xi32, #tpu.memory_space<vmem>> -> memref<16xi32, #tpu.memory_space<vmem>>
    %dma_wait3A_506 = arith.constant 0 : i32
    %dma_wait3A_507 = arith.constant 0 : i32
    %dma_wait3A_508 = tpu.memref_slice %arg2[%dma_wait3A_506, %dma_wait3A_507] : memref<4097x1024xf32, #tpu.memory_space<hbm>> -> memref<4097x1024xf32, #tpu.memory_space<hbm>>
    tpu.wait_indirect_dma semaphore(%arg13 : memref<!tpu.dma_semaphore, #tpu.memory_space<semaphore_mem>>) src(%dma_wait3A_508 : memref<4097x1024xf32, #tpu.memory_space<hbm>>) dst(%arg9 : memref<16x1024xf32, #tpu.memory_space<vmem>>)
    %add3A_509 = arith.constant 368 : i32
    %add3A_510 = arith.addi %mul3A_2, %add3A_509 : i32
    %dma_start3A_511 = arith.constant 0 : i32
    %dma_start3A_512 = tpu.memref_slice %arg4[%add3A_510, %dma_start3A_511] : memref<16384x1024xf32, #tpu.memory_space<hbm>> -> memref<16x1024xf32, #tpu.memory_space<hbm>>
    %dma_start3A_513 = arith.constant 0 : i32
    %dma_start3A_514 = tpu.memref_slice %arg4[%add3A_510, %dma_start3A_513] : memref<16384x1024xf32, #tpu.memory_space<hbm>> -> memref<16x1024xf32, #tpu.memory_space<hbm>>
    tpu.enqueue_dma source(%arg9 : memref<16x1024xf32, #tpu.memory_space<vmem>>) target(%dma_start3A_514 : memref<16x1024xf32, #tpu.memory_space<hbm>>) target_semaphore(%arg17 : memref<!tpu.dma_semaphore, #tpu.memory_space<semaphore_mem>>)
    %dma_wait3A_515 = arith.constant 0 : i32
    %dma_wait3A_516 = tpu.memref_slice %arg4[%add3A_490, %dma_wait3A_515] : memref<16384x1024xf32, #tpu.memory_space<hbm>> -> memref<16x1024xf32, #tpu.memory_space<hbm>>
    %dma_wait3A_517 = arith.constant 0 : i32
    %dma_wait3A_518 = tpu.memref_slice %arg4[%add3A_490, %dma_wait3A_517] : memref<16384x1024xf32, #tpu.memory_space<hbm>> -> memref<16x1024xf32, #tpu.memory_space<hbm>>
    tpu.wait_dma2 semaphore(%arg16 : memref<!tpu.dma_semaphore, #tpu.memory_space<semaphore_mem>>) src(%arg8 : memref<16x1024xf32, #tpu.memory_space<vmem>>) dst(%dma_wait3A_518 : memref<16x1024xf32, #tpu.memory_space<hbm>>)
    %dma_start3A_519 = arith.constant 416 : i32
    %dma_start3A_520 = tpu.memref_slice %arg5[%dma_start3A_519] : memref<512xi32, #tpu.memory_space<vmem>> -> memref<16xi32, #tpu.memory_space<vmem>>
    %dma_start3A_521 = arith.constant 0 : i32
    %dma_start3A_522 = arith.constant 0 : i32
    %dma_start3A_523 = tpu.memref_slice %arg2[%dma_start3A_521, %dma_start3A_522] : memref<4097x1024xf32, #tpu.memory_space<hbm>> -> memref<4097x1024xf32, #tpu.memory_space<hbm>>
    tpu.enqueue_indirect_dma source(%dma_start3A_523 : memref<4097x1024xf32, #tpu.memory_space<hbm>>) target(%arg8 : memref<16x1024xf32, #tpu.memory_space<vmem>>) offsets(%dma_start3A_520 : memref<16xi32, #tpu.memory_space<vmem>>) semaphore(%arg12 : memref<!tpu.dma_semaphore, #tpu.memory_space<semaphore_mem>>)
    %dma_wait3A_524 = arith.constant 384 : i32
    %dma_wait3A_525 = tpu.memref_slice %arg5[%dma_wait3A_524] : memref<512xi32, #tpu.memory_space<vmem>> -> memref<16xi32, #tpu.memory_space<vmem>>
    %dma_wait3A_526 = arith.constant 0 : i32
    %dma_wait3A_527 = arith.constant 0 : i32
    %dma_wait3A_528 = tpu.memref_slice %arg2[%dma_wait3A_526, %dma_wait3A_527] : memref<4097x1024xf32, #tpu.memory_space<hbm>> -> memref<4097x1024xf32, #tpu.memory_space<hbm>>
    tpu.wait_indirect_dma semaphore(%arg10 : memref<!tpu.dma_semaphore, #tpu.memory_space<semaphore_mem>>) src(%dma_wait3A_528 : memref<4097x1024xf32, #tpu.memory_space<hbm>>) dst(%arg6 : memref<16x1024xf32, #tpu.memory_space<vmem>>)
    %add3A_529 = arith.constant 384 : i32
    %add3A_530 = arith.addi %mul3A_2, %add3A_529 : i32
    %dma_start3A_531 = arith.constant 0 : i32
    %dma_start3A_532 = tpu.memref_slice %arg4[%add3A_530, %dma_start3A_531] : memref<16384x1024xf32, #tpu.memory_space<hbm>> -> memref<16x1024xf32, #tpu.memory_space<hbm>>
    %dma_start3A_533 = arith.constant 0 : i32
    %dma_start3A_534 = tpu.memref_slice %arg4[%add3A_530, %dma_start3A_533] : memref<16384x1024xf32, #tpu.memory_space<hbm>> -> memref<16x1024xf32, #tpu.memory_space<hbm>>
    tpu.enqueue_dma source(%arg6 : memref<16x1024xf32, #tpu.memory_space<vmem>>) target(%dma_start3A_534 : memref<16x1024xf32, #tpu.memory_space<hbm>>) target_semaphore(%arg14 : memref<!tpu.dma_semaphore, #tpu.memory_space<semaphore_mem>>)
    %dma_wait3A_535 = arith.constant 0 : i32
    %dma_wait3A_536 = tpu.memref_slice %arg4[%add3A_510, %dma_wait3A_535] : memref<16384x1024xf32, #tpu.memory_space<hbm>> -> memref<16x1024xf32, #tpu.memory_space<hbm>>
    %dma_wait3A_537 = arith.constant 0 : i32
    %dma_wait3A_538 = tpu.memref_slice %arg4[%add3A_510, %dma_wait3A_537] : memref<16384x1024xf32, #tpu.memory_space<hbm>> -> memref<16x1024xf32, #tpu.memory_space<hbm>>
    tpu.wait_dma2 semaphore(%arg17 : memref<!tpu.dma_semaphore, #tpu.memory_space<semaphore_mem>>) src(%arg9 : memref<16x1024xf32, #tpu.memory_space<vmem>>) dst(%dma_wait3A_538 : memref<16x1024xf32, #tpu.memory_space<hbm>>)
    %dma_start3A_539 = arith.constant 432 : i32
    %dma_start3A_540 = tpu.memref_slice %arg5[%dma_start3A_539] : memref<512xi32, #tpu.memory_space<vmem>> -> memref<16xi32, #tpu.memory_space<vmem>>
    %dma_start3A_541 = arith.constant 0 : i32
    %dma_start3A_542 = arith.constant 0 : i32
    %dma_start3A_543 = tpu.memref_slice %arg2[%dma_start3A_541, %dma_start3A_542] : memref<4097x1024xf32, #tpu.memory_space<hbm>> -> memref<4097x1024xf32, #tpu.memory_space<hbm>>
    tpu.enqueue_indirect_dma source(%dma_start3A_543 : memref<4097x1024xf32, #tpu.memory_space<hbm>>) target(%arg9 : memref<16x1024xf32, #tpu.memory_space<vmem>>) offsets(%dma_start3A_540 : memref<16xi32, #tpu.memory_space<vmem>>) semaphore(%arg13 : memref<!tpu.dma_semaphore, #tpu.memory_space<semaphore_mem>>)
    %dma_wait3A_544 = arith.constant 400 : i32
    %dma_wait3A_545 = tpu.memref_slice %arg5[%dma_wait3A_544] : memref<512xi32, #tpu.memory_space<vmem>> -> memref<16xi32, #tpu.memory_space<vmem>>
    %dma_wait3A_546 = arith.constant 0 : i32
    %dma_wait3A_547 = arith.constant 0 : i32
    %dma_wait3A_548 = tpu.memref_slice %arg2[%dma_wait3A_546, %dma_wait3A_547] : memref<4097x1024xf32, #tpu.memory_space<hbm>> -> memref<4097x1024xf32, #tpu.memory_space<hbm>>
    tpu.wait_indirect_dma semaphore(%arg11 : memref<!tpu.dma_semaphore, #tpu.memory_space<semaphore_mem>>) src(%dma_wait3A_548 : memref<4097x1024xf32, #tpu.memory_space<hbm>>) dst(%arg7 : memref<16x1024xf32, #tpu.memory_space<vmem>>)
    %add3A_549 = arith.constant 400 : i32
    %add3A_550 = arith.addi %mul3A_2, %add3A_549 : i32
    %dma_start3A_551 = arith.constant 0 : i32
    %dma_start3A_552 = tpu.memref_slice %arg4[%add3A_550, %dma_start3A_551] : memref<16384x1024xf32, #tpu.memory_space<hbm>> -> memref<16x1024xf32, #tpu.memory_space<hbm>>
    %dma_start3A_553 = arith.constant 0 : i32
    %dma_start3A_554 = tpu.memref_slice %arg4[%add3A_550, %dma_start3A_553] : memref<16384x1024xf32, #tpu.memory_space<hbm>> -> memref<16x1024xf32, #tpu.memory_space<hbm>>
    tpu.enqueue_dma source(%arg7 : memref<16x1024xf32, #tpu.memory_space<vmem>>) target(%dma_start3A_554 : memref<16x1024xf32, #tpu.memory_space<hbm>>) target_semaphore(%arg15 : memref<!tpu.dma_semaphore, #tpu.memory_space<semaphore_mem>>)
    %dma_wait3A_555 = arith.constant 0 : i32
    %dma_wait3A_556 = tpu.memref_slice %arg4[%add3A_530, %dma_wait3A_555] : memref<16384x1024xf32, #tpu.memory_space<hbm>> -> memref<16x1024xf32, #tpu.memory_space<hbm>>
    %dma_wait3A_557 = arith.constant 0 : i32
    %dma_wait3A_558 = tpu.memref_slice %arg4[%add3A_530, %dma_wait3A_557] : memref<16384x1024xf32, #tpu.memory_space<hbm>> -> memref<16x1024xf32, #tpu.memory_space<hbm>>
    tpu.wait_dma2 semaphore(%arg14 : memref<!tpu.dma_semaphore, #tpu.memory_space<semaphore_mem>>) src(%arg6 : memref<16x1024xf32, #tpu.memory_space<vmem>>) dst(%dma_wait3A_558 : memref<16x1024xf32, #tpu.memory_space<hbm>>)
    %dma_start3A_559 = arith.constant 448 : i32
    %dma_start3A_560 = tpu.memref_slice %arg5[%dma_start3A_559] : memref<512xi32, #tpu.memory_space<vmem>> -> memref<16xi32, #tpu.memory_space<vmem>>
    %dma_start3A_561 = arith.constant 0 : i32
    %dma_start3A_562 = arith.constant 0 : i32
    %dma_start3A_563 = tpu.memref_slice %arg2[%dma_start3A_561, %dma_start3A_562] : memref<4097x1024xf32, #tpu.memory_space<hbm>> -> memref<4097x1024xf32, #tpu.memory_space<hbm>>
    tpu.enqueue_indirect_dma source(%dma_start3A_563 : memref<4097x1024xf32, #tpu.memory_space<hbm>>) target(%arg6 : memref<16x1024xf32, #tpu.memory_space<vmem>>) offsets(%dma_start3A_560 : memref<16xi32, #tpu.memory_space<vmem>>) semaphore(%arg10 : memref<!tpu.dma_semaphore, #tpu.memory_space<semaphore_mem>>)
    %dma_wait3A_564 = arith.constant 416 : i32
    %dma_wait3A_565 = tpu.memref_slice %arg5[%dma_wait3A_564] : memref<512xi32, #tpu.memory_space<vmem>> -> memref<16xi32, #tpu.memory_space<vmem>>
    %dma_wait3A_566 = arith.constant 0 : i32
    %dma_wait3A_567 = arith.constant 0 : i32
    %dma_wait3A_568 = tpu.memref_slice %arg2[%dma_wait3A_566, %dma_wait3A_567] : memref<4097x1024xf32, #tpu.memory_space<hbm>> -> memref<4097x1024xf32, #tpu.memory_space<hbm>>
    tpu.wait_indirect_dma semaphore(%arg12 : memref<!tpu.dma_semaphore, #tpu.memory_space<semaphore_mem>>) src(%dma_wait3A_568 : memref<4097x1024xf32, #tpu.memory_space<hbm>>) dst(%arg8 : memref<16x1024xf32, #tpu.memory_space<vmem>>)
    %add3A_569 = arith.constant 416 : i32
    %add3A_570 = arith.addi %mul3A_2, %add3A_569 : i32
    %dma_start3A_571 = arith.constant 0 : i32
    %dma_start3A_572 = tpu.memref_slice %arg4[%add3A_570, %dma_start3A_571] : memref<16384x1024xf32, #tpu.memory_space<hbm>> -> memref<16x1024xf32, #tpu.memory_space<hbm>>
    %dma_start3A_573 = arith.constant 0 : i32
    %dma_start3A_574 = tpu.memref_slice %arg4[%add3A_570, %dma_start3A_573] : memref<16384x1024xf32, #tpu.memory_space<hbm>> -> memref<16x1024xf32, #tpu.memory_space<hbm>>
    tpu.enqueue_dma source(%arg8 : memref<16x1024xf32, #tpu.memory_space<vmem>>) target(%dma_start3A_574 : memref<16x1024xf32, #tpu.memory_space<hbm>>) target_semaphore(%arg16 : memref<!tpu.dma_semaphore, #tpu.memory_space<semaphore_mem>>)
    %dma_wait3A_575 = arith.constant 0 : i32
    %dma_wait3A_576 = tpu.memref_slice %arg4[%add3A_550, %dma_wait3A_575] : memref<16384x1024xf32, #tpu.memory_space<hbm>> -> memref<16x1024xf32, #tpu.memory_space<hbm>>
    %dma_wait3A_577 = arith.constant 0 : i32
    %dma_wait3A_578 = tpu.memref_slice %arg4[%add3A_550, %dma_wait3A_577] : memref<16384x1024xf32, #tpu.memory_space<hbm>> -> memref<16x1024xf32, #tpu.memory_space<hbm>>
    tpu.wait_dma2 semaphore(%arg15 : memref<!tpu.dma_semaphore, #tpu.memory_space<semaphore_mem>>) src(%arg7 : memref<16x1024xf32, #tpu.memory_space<vmem>>) dst(%dma_wait3A_578 : memref<16x1024xf32, #tpu.memory_space<hbm>>)
    %dma_start3A_579 = arith.constant 464 : i32
    %dma_start3A_580 = tpu.memref_slice %arg5[%dma_start3A_579] : memref<512xi32, #tpu.memory_space<vmem>> -> memref<16xi32, #tpu.memory_space<vmem>>
    %dma_start3A_581 = arith.constant 0 : i32
    %dma_start3A_582 = arith.constant 0 : i32
    %dma_start3A_583 = tpu.memref_slice %arg2[%dma_start3A_581, %dma_start3A_582] : memref<4097x1024xf32, #tpu.memory_space<hbm>> -> memref<4097x1024xf32, #tpu.memory_space<hbm>>
    tpu.enqueue_indirect_dma source(%dma_start3A_583 : memref<4097x1024xf32, #tpu.memory_space<hbm>>) target(%arg7 : memref<16x1024xf32, #tpu.memory_space<vmem>>) offsets(%dma_start3A_580 : memref<16xi32, #tpu.memory_space<vmem>>) semaphore(%arg11 : memref<!tpu.dma_semaphore, #tpu.memory_space<semaphore_mem>>)
    %dma_wait3A_584 = arith.constant 432 : i32
    %dma_wait3A_585 = tpu.memref_slice %arg5[%dma_wait3A_584] : memref<512xi32, #tpu.memory_space<vmem>> -> memref<16xi32, #tpu.memory_space<vmem>>
    %dma_wait3A_586 = arith.constant 0 : i32
    %dma_wait3A_587 = arith.constant 0 : i32
    %dma_wait3A_588 = tpu.memref_slice %arg2[%dma_wait3A_586, %dma_wait3A_587] : memref<4097x1024xf32, #tpu.memory_space<hbm>> -> memref<4097x1024xf32, #tpu.memory_space<hbm>>
    tpu.wait_indirect_dma semaphore(%arg13 : memref<!tpu.dma_semaphore, #tpu.memory_space<semaphore_mem>>) src(%dma_wait3A_588 : memref<4097x1024xf32, #tpu.memory_space<hbm>>) dst(%arg9 : memref<16x1024xf32, #tpu.memory_space<vmem>>)
    %add3A_589 = arith.constant 432 : i32
    %add3A_590 = arith.addi %mul3A_2, %add3A_589 : i32
    %dma_start3A_591 = arith.constant 0 : i32
    %dma_start3A_592 = tpu.memref_slice %arg4[%add3A_590, %dma_start3A_591] : memref<16384x1024xf32, #tpu.memory_space<hbm>> -> memref<16x1024xf32, #tpu.memory_space<hbm>>
    %dma_start3A_593 = arith.constant 0 : i32
    %dma_start3A_594 = tpu.memref_slice %arg4[%add3A_590, %dma_start3A_593] : memref<16384x1024xf32, #tpu.memory_space<hbm>> -> memref<16x1024xf32, #tpu.memory_space<hbm>>
    tpu.enqueue_dma source(%arg9 : memref<16x1024xf32, #tpu.memory_space<vmem>>) target(%dma_start3A_594 : memref<16x1024xf32, #tpu.memory_space<hbm>>) target_semaphore(%arg17 : memref<!tpu.dma_semaphore, #tpu.memory_space<semaphore_mem>>)
    %dma_wait3A_595 = arith.constant 0 : i32
    %dma_wait3A_596 = tpu.memref_slice %arg4[%add3A_570, %dma_wait3A_595] : memref<16384x1024xf32, #tpu.memory_space<hbm>> -> memref<16x1024xf32, #tpu.memory_space<hbm>>
    %dma_wait3A_597 = arith.constant 0 : i32
    %dma_wait3A_598 = tpu.memref_slice %arg4[%add3A_570, %dma_wait3A_597] : memref<16384x1024xf32, #tpu.memory_space<hbm>> -> memref<16x1024xf32, #tpu.memory_space<hbm>>
    tpu.wait_dma2 semaphore(%arg16 : memref<!tpu.dma_semaphore, #tpu.memory_space<semaphore_mem>>) src(%arg8 : memref<16x1024xf32, #tpu.memory_space<vmem>>) dst(%dma_wait3A_598 : memref<16x1024xf32, #tpu.memory_space<hbm>>)
    %dma_start3A_599 = arith.constant 480 : i32
    %dma_start3A_600 = tpu.memref_slice %arg5[%dma_start3A_599] : memref<512xi32, #tpu.memory_space<vmem>> -> memref<16xi32, #tpu.memory_space<vmem>>
    %dma_start3A_601 = arith.constant 0 : i32
    %dma_start3A_602 = arith.constant 0 : i32
    %dma_start3A_603 = tpu.memref_slice %arg2[%dma_start3A_601, %dma_start3A_602] : memref<4097x1024xf32, #tpu.memory_space<hbm>> -> memref<4097x1024xf32, #tpu.memory_space<hbm>>
    tpu.enqueue_indirect_dma source(%dma_start3A_603 : memref<4097x1024xf32, #tpu.memory_space<hbm>>) target(%arg8 : memref<16x1024xf32, #tpu.memory_space<vmem>>) offsets(%dma_start3A_600 : memref<16xi32, #tpu.memory_space<vmem>>) semaphore(%arg12 : memref<!tpu.dma_semaphore, #tpu.memory_space<semaphore_mem>>)
    %dma_wait3A_604 = arith.constant 448 : i32
    %dma_wait3A_605 = tpu.memref_slice %arg5[%dma_wait3A_604] : memref<512xi32, #tpu.memory_space<vmem>> -> memref<16xi32, #tpu.memory_space<vmem>>
    %dma_wait3A_606 = arith.constant 0 : i32
    %dma_wait3A_607 = arith.constant 0 : i32
    %dma_wait3A_608 = tpu.memref_slice %arg2[%dma_wait3A_606, %dma_wait3A_607] : memref<4097x1024xf32, #tpu.memory_space<hbm>> -> memref<4097x1024xf32, #tpu.memory_space<hbm>>
    tpu.wait_indirect_dma semaphore(%arg10 : memref<!tpu.dma_semaphore, #tpu.memory_space<semaphore_mem>>) src(%dma_wait3A_608 : memref<4097x1024xf32, #tpu.memory_space<hbm>>) dst(%arg6 : memref<16x1024xf32, #tpu.memory_space<vmem>>)
    %add3A_609 = arith.constant 448 : i32
    %add3A_610 = arith.addi %mul3A_2, %add3A_609 : i32
    %dma_start3A_611 = arith.constant 0 : i32
    %dma_start3A_612 = tpu.memref_slice %arg4[%add3A_610, %dma_start3A_611] : memref<16384x1024xf32, #tpu.memory_space<hbm>> -> memref<16x1024xf32, #tpu.memory_space<hbm>>
    %dma_start3A_613 = arith.constant 0 : i32
    %dma_start3A_614 = tpu.memref_slice %arg4[%add3A_610, %dma_start3A_613] : memref<16384x1024xf32, #tpu.memory_space<hbm>> -> memref<16x1024xf32, #tpu.memory_space<hbm>>
    tpu.enqueue_dma source(%arg6 : memref<16x1024xf32, #tpu.memory_space<vmem>>) target(%dma_start3A_614 : memref<16x1024xf32, #tpu.memory_space<hbm>>) target_semaphore(%arg14 : memref<!tpu.dma_semaphore, #tpu.memory_space<semaphore_mem>>)
    %dma_wait3A_615 = arith.constant 0 : i32
    %dma_wait3A_616 = tpu.memref_slice %arg4[%add3A_590, %dma_wait3A_615] : memref<16384x1024xf32, #tpu.memory_space<hbm>> -> memref<16x1024xf32, #tpu.memory_space<hbm>>
    %dma_wait3A_617 = arith.constant 0 : i32
    %dma_wait3A_618 = tpu.memref_slice %arg4[%add3A_590, %dma_wait3A_617] : memref<16384x1024xf32, #tpu.memory_space<hbm>> -> memref<16x1024xf32, #tpu.memory_space<hbm>>
    tpu.wait_dma2 semaphore(%arg17 : memref<!tpu.dma_semaphore, #tpu.memory_space<semaphore_mem>>) src(%arg9 : memref<16x1024xf32, #tpu.memory_space<vmem>>) dst(%dma_wait3A_618 : memref<16x1024xf32, #tpu.memory_space<hbm>>)
    %dma_start3A_619 = arith.constant 496 : i32
    %dma_start3A_620 = tpu.memref_slice %arg5[%dma_start3A_619] : memref<512xi32, #tpu.memory_space<vmem>> -> memref<16xi32, #tpu.memory_space<vmem>>
    %dma_start3A_621 = arith.constant 0 : i32
    %dma_start3A_622 = arith.constant 0 : i32
    %dma_start3A_623 = tpu.memref_slice %arg2[%dma_start3A_621, %dma_start3A_622] : memref<4097x1024xf32, #tpu.memory_space<hbm>> -> memref<4097x1024xf32, #tpu.memory_space<hbm>>
    tpu.enqueue_indirect_dma source(%dma_start3A_623 : memref<4097x1024xf32, #tpu.memory_space<hbm>>) target(%arg9 : memref<16x1024xf32, #tpu.memory_space<vmem>>) offsets(%dma_start3A_620 : memref<16xi32, #tpu.memory_space<vmem>>) semaphore(%arg13 : memref<!tpu.dma_semaphore, #tpu.memory_space<semaphore_mem>>)
    %dma_wait3A_624 = arith.constant 464 : i32
    %dma_wait3A_625 = tpu.memref_slice %arg5[%dma_wait3A_624] : memref<512xi32, #tpu.memory_space<vmem>> -> memref<16xi32, #tpu.memory_space<vmem>>
    %dma_wait3A_626 = arith.constant 0 : i32
    %dma_wait3A_627 = arith.constant 0 : i32
    %dma_wait3A_628 = tpu.memref_slice %arg2[%dma_wait3A_626, %dma_wait3A_627] : memref<4097x1024xf32, #tpu.memory_space<hbm>> -> memref<4097x1024xf32, #tpu.memory_space<hbm>>
    tpu.wait_indirect_dma semaphore(%arg11 : memref<!tpu.dma_semaphore, #tpu.memory_space<semaphore_mem>>) src(%dma_wait3A_628 : memref<4097x1024xf32, #tpu.memory_space<hbm>>) dst(%arg7 : memref<16x1024xf32, #tpu.memory_space<vmem>>)
    %add3A_629 = arith.constant 464 : i32
    %add3A_630 = arith.addi %mul3A_2, %add3A_629 : i32
    %dma_start3A_631 = arith.constant 0 : i32
    %dma_start3A_632 = tpu.memref_slice %arg4[%add3A_630, %dma_start3A_631] : memref<16384x1024xf32, #tpu.memory_space<hbm>> -> memref<16x1024xf32, #tpu.memory_space<hbm>>
    %dma_start3A_633 = arith.constant 0 : i32
    %dma_start3A_634 = tpu.memref_slice %arg4[%add3A_630, %dma_start3A_633] : memref<16384x1024xf32, #tpu.memory_space<hbm>> -> memref<16x1024xf32, #tpu.memory_space<hbm>>
    tpu.enqueue_dma source(%arg7 : memref<16x1024xf32, #tpu.memory_space<vmem>>) target(%dma_start3A_634 : memref<16x1024xf32, #tpu.memory_space<hbm>>) target_semaphore(%arg15 : memref<!tpu.dma_semaphore, #tpu.memory_space<semaphore_mem>>)
    %dma_wait3A_635 = arith.constant 480 : i32
    %dma_wait3A_636 = tpu.memref_slice %arg5[%dma_wait3A_635] : memref<512xi32, #tpu.memory_space<vmem>> -> memref<16xi32, #tpu.memory_space<vmem>>
    %dma_wait3A_637 = arith.constant 0 : i32
    %dma_wait3A_638 = arith.constant 0 : i32
    %dma_wait3A_639 = tpu.memref_slice %arg2[%dma_wait3A_637, %dma_wait3A_638] : memref<4097x1024xf32, #tpu.memory_space<hbm>> -> memref<4097x1024xf32, #tpu.memory_space<hbm>>
    tpu.wait_indirect_dma semaphore(%arg12 : memref<!tpu.dma_semaphore, #tpu.memory_space<semaphore_mem>>) src(%dma_wait3A_639 : memref<4097x1024xf32, #tpu.memory_space<hbm>>) dst(%arg8 : memref<16x1024xf32, #tpu.memory_space<vmem>>)
    %add3A_640 = arith.constant 480 : i32
    %add3A_641 = arith.addi %mul3A_2, %add3A_640 : i32
    %dma_start3A_642 = arith.constant 0 : i32
    %dma_start3A_643 = tpu.memref_slice %arg4[%add3A_641, %dma_start3A_642] : memref<16384x1024xf32, #tpu.memory_space<hbm>> -> memref<16x1024xf32, #tpu.memory_space<hbm>>
    %dma_start3A_644 = arith.constant 0 : i32
    %dma_start3A_645 = tpu.memref_slice %arg4[%add3A_641, %dma_start3A_644] : memref<16384x1024xf32, #tpu.memory_space<hbm>> -> memref<16x1024xf32, #tpu.memory_space<hbm>>
    tpu.enqueue_dma source(%arg8 : memref<16x1024xf32, #tpu.memory_space<vmem>>) target(%dma_start3A_645 : memref<16x1024xf32, #tpu.memory_space<hbm>>) target_semaphore(%arg16 : memref<!tpu.dma_semaphore, #tpu.memory_space<semaphore_mem>>)
    %dma_wait3A_646 = arith.constant 496 : i32
    %dma_wait3A_647 = tpu.memref_slice %arg5[%dma_wait3A_646] : memref<512xi32, #tpu.memory_space<vmem>> -> memref<16xi32, #tpu.memory_space<vmem>>
    %dma_wait3A_648 = arith.constant 0 : i32
    %dma_wait3A_649 = arith.constant 0 : i32
    %dma_wait3A_650 = tpu.memref_slice %arg2[%dma_wait3A_648, %dma_wait3A_649] : memref<4097x1024xf32, #tpu.memory_space<hbm>> -> memref<4097x1024xf32, #tpu.memory_space<hbm>>
    tpu.wait_indirect_dma semaphore(%arg13 : memref<!tpu.dma_semaphore, #tpu.memory_space<semaphore_mem>>) src(%dma_wait3A_650 : memref<4097x1024xf32, #tpu.memory_space<hbm>>) dst(%arg9 : memref<16x1024xf32, #tpu.memory_space<vmem>>)
    %add3A_651 = arith.constant 496 : i32
    %add3A_652 = arith.addi %mul3A_2, %add3A_651 : i32
    %dma_start3A_653 = arith.constant 0 : i32
    %dma_start3A_654 = tpu.memref_slice %arg4[%add3A_652, %dma_start3A_653] : memref<16384x1024xf32, #tpu.memory_space<hbm>> -> memref<16x1024xf32, #tpu.memory_space<hbm>>
    %dma_start3A_655 = arith.constant 0 : i32
    %dma_start3A_656 = tpu.memref_slice %arg4[%add3A_652, %dma_start3A_655] : memref<16384x1024xf32, #tpu.memory_space<hbm>> -> memref<16x1024xf32, #tpu.memory_space<hbm>>
    tpu.enqueue_dma source(%arg9 : memref<16x1024xf32, #tpu.memory_space<vmem>>) target(%dma_start3A_656 : memref<16x1024xf32, #tpu.memory_space<hbm>>) target_semaphore(%arg17 : memref<!tpu.dma_semaphore, #tpu.memory_space<semaphore_mem>>)
    %dma_wait3A_657 = arith.constant 0 : i32
    %dma_wait3A_658 = tpu.memref_slice %arg4[%add3A_610, %dma_wait3A_657] : memref<16384x1024xf32, #tpu.memory_space<hbm>> -> memref<16x1024xf32, #tpu.memory_space<hbm>>
    %dma_wait3A_659 = arith.constant 0 : i32
    %dma_wait3A_660 = tpu.memref_slice %arg4[%add3A_610, %dma_wait3A_659] : memref<16384x1024xf32, #tpu.memory_space<hbm>> -> memref<16x1024xf32, #tpu.memory_space<hbm>>
    tpu.wait_dma2 semaphore(%arg14 : memref<!tpu.dma_semaphore, #tpu.memory_space<semaphore_mem>>) src(%arg6 : memref<16x1024xf32, #tpu.memory_space<vmem>>) dst(%dma_wait3A_660 : memref<16x1024xf32, #tpu.memory_space<hbm>>)
    %dma_wait3A_661 = arith.constant 0 : i32
    %dma_wait3A_662 = tpu.memref_slice %arg4[%add3A_630, %dma_wait3A_661] : memref<16384x1024xf32, #tpu.memory_space<hbm>> -> memref<16x1024xf32, #tpu.memory_space<hbm>>
    %dma_wait3A_663 = arith.constant 0 : i32
    %dma_wait3A_664 = tpu.memref_slice %arg4[%add3A_630, %dma_wait3A_663] : memref<16384x1024xf32, #tpu.memory_space<hbm>> -> memref<16x1024xf32, #tpu.memory_space<hbm>>
    tpu.wait_dma2 semaphore(%arg15 : memref<!tpu.dma_semaphore, #tpu.memory_space<semaphore_mem>>) src(%arg7 : memref<16x1024xf32, #tpu.memory_space<vmem>>) dst(%dma_wait3A_664 : memref<16x1024xf32, #tpu.memory_space<hbm>>)
    %dma_wait3A_665 = arith.constant 0 : i32
    %dma_wait3A_666 = tpu.memref_slice %arg4[%add3A_641, %dma_wait3A_665] : memref<16384x1024xf32, #tpu.memory_space<hbm>> -> memref<16x1024xf32, #tpu.memory_space<hbm>>
    %dma_wait3A_667 = arith.constant 0 : i32
    %dma_wait3A_668 = tpu.memref_slice %arg4[%add3A_641, %dma_wait3A_667] : memref<16384x1024xf32, #tpu.memory_space<hbm>> -> memref<16x1024xf32, #tpu.memory_space<hbm>>
    tpu.wait_dma2 semaphore(%arg16 : memref<!tpu.dma_semaphore, #tpu.memory_space<semaphore_mem>>) src(%arg8 : memref<16x1024xf32, #tpu.memory_space<vmem>>) dst(%dma_wait3A_668 : memref<16x1024xf32, #tpu.memory_space<hbm>>)
    %dma_wait3A_669 = arith.constant 0 : i32
    %dma_wait3A_670 = tpu.memref_slice %arg4[%add3A_652, %dma_wait3A_669] : memref<16384x1024xf32, #tpu.memory_space<hbm>> -> memref<16x1024xf32, #tpu.memory_space<hbm>>
    %dma_wait3A_671 = arith.constant 0 : i32
    %dma_wait3A_672 = tpu.memref_slice %arg4[%add3A_652, %dma_wait3A_671] : memref<16384x1024xf32, #tpu.memory_space<hbm>> -> memref<16x1024xf32, #tpu.memory_space<hbm>>
    tpu.wait_dma2 semaphore(%arg17 : memref<!tpu.dma_semaphore, #tpu.memory_space<semaphore_mem>>) src(%arg9 : memref<16x1024xf32, #tpu.memory_space<vmem>>) dst(%dma_wait3A_672 : memref<16x1024xf32, #tpu.memory_space<hbm>>)
    return
  }
}

module attributes {stable_mosaic.version = 14 : i64} {
  func.func @_tc_body(%arg0: i32, %arg1: memref<1x1x256xi32, #tpu.memory_space<vmem>>, %arg2: memref<128x1024xbf16, #tpu.memory_space<vmem>>, %arg3: memref<128x1024xbf16, #tpu.memory_space<vmem>>, %arg4: memref<128x1024xbf16, #tpu.memory_space<vmem>>, %arg5: memref<128x1024xbf16, #tpu.memory_space<vmem>>, %arg6: memref<256x1024xf32, #tpu.memory_space<vmem>>) attributes {dimension_semantics = [#tpu.dimension_semantics<arbitrary>], iteration_bounds = array<i64: 16>, scalar_prefetch = 0 : i64, scratch_operands = 0 : i64, tpu.core_type = #tpu.core_type<tc>, window_params = [{transform_indices = @transform_0, window_bounds = array<i64: 1, 1, 256>}, {pipeline_mode = #tpu.pipeline_mode<synchronous>, transform_indices = @transform_1, window_bounds = array<i64: 128, 1024>}, {pipeline_mode = #tpu.pipeline_mode<synchronous>, transform_indices = @transform_2, window_bounds = array<i64: 128, 1024>}, {pipeline_mode = #tpu.pipeline_mode<synchronous>, transform_indices = @transform_3, window_bounds = array<i64: 128, 1024>}, {pipeline_mode = #tpu.pipeline_mode<synchronous>, transform_indices = @transform_4, window_bounds = array<i64: 128, 1024>}, {transform_indices = @transform_5, window_bounds = array<i64: 256, 1024>}]} {
    %get3A = arith.constant 0 : index
    %get3A_0 = arith.constant 0 : index
    %get3A_1 = arith.constant 0 : index
    %get3A_2 = vector.load %arg1[%get3A, %get3A_0, %get3A_1] : memref<1x1x256xi32, #tpu.memory_space<vmem>>, vector<1x1x256xi32>
    %get3A_3 = vector.shape_cast %get3A_2 : vector<1x1x256xi32> to vector<256xi32>
    %reshape3A = vector.shape_cast %get3A_3 : vector<256xi32> to vector<256x1xi32>
    %shift_right_arithmetic3A = arith.constant 6 : i32
    %shift_right_arithmetic3A_4 = vector.broadcast %shift_right_arithmetic3A : i32 to vector<256x1xi32>
    %shift_right_arithmetic3A_5 = arith.shrsi %reshape3A, %shift_right_arithmetic3A_4 : vector<256x1xi32>
    %and3A = arith.constant 63 : i32
    %and3A_6 = vector.broadcast %and3A : i32 to vector<256x1xi32>
    %and3A_7 = arith.andi %reshape3A, %and3A_6 : vector<256x1xi32>
    %iota3A = tpu.iota {dimensions = array<i32: 1>} : vector<256x128xi32>
    %eq3A = vector.broadcast %shift_right_arithmetic3A_5 : vector<256x1xi32> to vector<256x128xi32>
    %eq3A_8 = arith.cmpi eq, %eq3A, %iota3A : vector<256x128xi32>
    %convert_element_type3A = arith.extui %eq3A_8 : vector<256x128xi1> to vector<256x128xi32>
    %convert_element_type3A_9 = arith.sitofp %convert_element_type3A : vector<256x128xi32> to vector<256x128xf32>
    %convert_element_type3A_10 = arith.truncf %convert_element_type3A_9 : vector<256x128xf32> to vector<256x128xbf16>
    %eq3A_11 = vector.broadcast %and3A_7 : vector<256x1xi32> to vector<256x128xi32>
    %eq3A_12 = arith.cmpi eq, %eq3A_11, %iota3A : vector<256x128xi32>
    %convert_element_type3A_13 = arith.extui %eq3A_12 : vector<256x128xi1> to vector<256x128xi32>
    %convert_element_type3A_14 = arith.sitofp %convert_element_type3A_13 : vector<256x128xi32> to vector<256x128xf32>
    %convert_element_type3A_15 = arith.truncf %convert_element_type3A_14 : vector<256x128xf32> to vector<256x128xbf16>
    %get3A_16 = arith.constant 0 : index
    %get3A_17 = arith.constant 0 : index
    %get3A_18 = vector.load %arg2[%get3A_16, %get3A_17] : memref<128x1024xbf16, #tpu.memory_space<vmem>>, vector<128x1024xbf16>
    %dot_general3A = arith.constant dense<0.000000e+00> : vector<256x1024xf32>
    %dot_general3A_19 = tpu.matmul %convert_element_type3A_10, %get3A_18, %dot_general3A {dimension_numbers = #tpu.dot_dimension_numbers<[1], [0], [0], [1], [0, 0, 1, 1], [], []>, transpose_lhs_hint = false} : vector<256x128xbf16>, vector<128x1024xbf16>, vector<256x1024xf32> -> vector<256x1024xf32>
    %get3A_20 = arith.constant 0 : index
    %get3A_21 = arith.constant 0 : index
    %get3A_22 = vector.load %arg3[%get3A_20, %get3A_21] : memref<128x1024xbf16, #tpu.memory_space<vmem>>, vector<128x1024xbf16>
    %dot_general3A_23 = arith.constant dense<0.000000e+00> : vector<256x1024xf32>
    %dot_general3A_24 = tpu.matmul %convert_element_type3A_10, %get3A_22, %dot_general3A_23 {dimension_numbers = #tpu.dot_dimension_numbers<[1], [0], [0], [1], [0, 0, 1, 1], [], []>, transpose_lhs_hint = false} : vector<256x128xbf16>, vector<128x1024xbf16>, vector<256x1024xf32> -> vector<256x1024xf32>
    %get3A_25 = arith.constant 0 : index
    %get3A_26 = arith.constant 0 : index
    %get3A_27 = vector.load %arg4[%get3A_25, %get3A_26] : memref<128x1024xbf16, #tpu.memory_space<vmem>>, vector<128x1024xbf16>
    %dot_general3A_28 = arith.constant dense<0.000000e+00> : vector<256x1024xf32>
    %dot_general3A_29 = tpu.matmul %convert_element_type3A_15, %get3A_27, %dot_general3A_28 {dimension_numbers = #tpu.dot_dimension_numbers<[1], [0], [0], [1], [0, 0, 1, 1], [], []>, transpose_lhs_hint = false} : vector<256x128xbf16>, vector<128x1024xbf16>, vector<256x1024xf32> -> vector<256x1024xf32>
    %get3A_30 = arith.constant 0 : index
    %get3A_31 = arith.constant 0 : index
    %get3A_32 = vector.load %arg5[%get3A_30, %get3A_31] : memref<128x1024xbf16, #tpu.memory_space<vmem>>, vector<128x1024xbf16>
    %dot_general3A_33 = arith.constant dense<0.000000e+00> : vector<256x1024xf32>
    %dot_general3A_34 = tpu.matmul %convert_element_type3A_15, %get3A_32, %dot_general3A_33 {dimension_numbers = #tpu.dot_dimension_numbers<[1], [0], [0], [1], [0, 0, 1, 1], [], []>, transpose_lhs_hint = false} : vector<256x128xbf16>, vector<128x1024xbf16>, vector<256x1024xf32> -> vector<256x1024xf32>
    %mul3A = arith.mulf %dot_general3A_19, %dot_general3A_34 : vector<256x1024xf32>
    %mul3A_35 = arith.mulf %dot_general3A_24, %dot_general3A_29 : vector<256x1024xf32>
    %add3A = arith.addf %mul3A, %mul3A_35 : vector<256x1024xf32>
    %eq3A_36 = arith.constant 0 : i32
    %eq3A_37 = vector.broadcast %eq3A_36 : i32 to vector<256x1xi32>
    %eq3A_38 = arith.cmpi eq, %reshape3A, %eq3A_37 : vector<256x1xi32>
    %jit3A = arith.constant 0.000000e+00 : f32
    %broadcast_in_dim3A = vector.shape_cast %eq3A_38 : vector<256x1xi1> to vector<256x1xi1>
    %broadcast_in_dim3A_39 = vector.broadcast %broadcast_in_dim3A : vector<256x1xi1> to vector<256x1024xi1>
    %broadcast_in_dim3A_40 = vector.broadcast %jit3A : f32 to vector<256x1024xf32>
    %select_n3A = arith.select %broadcast_in_dim3A_39, %broadcast_in_dim3A_40, %add3A : vector<256x1024xi1>, vector<256x1024xf32>
    %swap3A = arith.constant 0 : index
    %swap3A_41 = arith.constant 0 : index
    %swap3A_42 = vector.load %arg6[%swap3A, %swap3A_41] : memref<256x1024xf32, #tpu.memory_space<vmem>>, vector<256x1024xf32>
    tpu.vector_store %arg6[%swap3A, %swap3A_41], %select_n3A {strides = array<i32>} : memref<256x1024xf32, #tpu.memory_space<vmem>>, vector<256x1024xf32>,
    return
  }
  func.func @transform_0(%arg0: i32) -> (i32, i32, i32) {
    %c0_i32 = arith.constant 0 : i32
    %c0_i32_0 = arith.constant 0 : i32
    %c0_i32_1 = arith.constant 0 : i32
    return %arg0, %c0_i32, %c0_i32_0 : i32, i32, i32
  }
  func.func @transform_1(%arg0: i32) -> (i32, i32) {
    %c0_i32 = arith.constant 0 : i32
    %c0_i32_0 = arith.constant 0 : i32
    %c0_i32_1 = arith.constant 0 : i32
    return %c0_i32, %c0_i32_0 : i32, i32
  }
  func.func @transform_2(%arg0: i32) -> (i32, i32) {
    %c0_i32 = arith.constant 0 : i32
    %c0_i32_0 = arith.constant 0 : i32
    %c0_i32_1 = arith.constant 0 : i32
    return %c0_i32, %c0_i32_0 : i32, i32
  }
  func.func @transform_3(%arg0: i32) -> (i32, i32) {
    %c0_i32 = arith.constant 0 : i32
    %c0_i32_0 = arith.constant 0 : i32
    %c0_i32_1 = arith.constant 0 : i32
    return %c0_i32, %c0_i32_0 : i32, i32
  }
  func.func @transform_4(%arg0: i32) -> (i32, i32) {
    %c0_i32 = arith.constant 0 : i32
    %c0_i32_0 = arith.constant 0 : i32
    %c0_i32_1 = arith.constant 0 : i32
    return %c0_i32, %c0_i32_0 : i32, i32
  }
  func.func @transform_5(%arg0: i32) -> (i32, i32) {
    %c0_i32 = arith.constant 0 : i32
    %c0_i32_0 = arith.constant 0 : i32
    return %arg0, %c0_i32 : i32, i32
  }
}

</mosaic_0001>

<sc_bundles>
// kernel: kernel.4.cloned.1.call-start
scs
__scs_entry_jumppad:
0x0: {  	(pc) =	sbr.rel $0x88, $3  }
0x1: {  	(tag) =	ssettag $0x0;
	lr =	simm.s32 $0x1  }
0x2: {  	[smem:$0x3F9F] =	sst lr;
	_ =	strace $0xD0000000  }
0x3: {  	_ = 	snop  }
0x4: {  	_ = 	snop  }
0x5: {  	_ = 	snop  }
0x6: {  	_ = 	snop  }
0x7: {  	_ = 	snop  }
__scs_overlays_trampoline_lowered:
0x8: {  	[smem:$0x3FAE] =	sst s0  }
0x9: {  	[smem:$0x3FAF] =	sst s1  }
0xa: {  	[smem:$0x3FB0] =	sst s2  }
0xb: {  	[smem:$0x3FB1] =	sst s3  }
0xc: {  	[smem:$0x3FB2] =	sst s4  }
0xd: {  	[smem:$0x3FB3] =	sst s5  }
0xe: {  	[smem:$0x3FB4] =	sst s6  }
0xf: {  	[smem:$0x3FB5] =	sst s7  }
0x10: {  	[smem:$0x3FB6] =	sst s8  }
0x11: {  	[smem:$0x3FB7] =	sst s9;
	s0 =	simm.s32 @!p0 $0x0  }
0x12: {  	s1 =	sld [smem:$0x3F9D];
	s0 =	simm.s32 @p0 $0x1  }
0x13: {  	[smem:$0x3FB8] =	sst s0;
	s0 =	simm.s32 @!p1 $0x0  }
0x14: {  	s2 =	sld [smem:$0x3F9C];
	s0 =	simm.s32 @p1 $0x1  }
0x15: {  	[smem:$0x3FB9] =	sst s0;
	s0 =	simm.s32 @!p2 $0x0  }
0x16: {  	s3 =	sld [smem:$0x3FDB];
	s0 =	simm.s32 @p2 $0x1  }
0x17: {  	s4 =	simm.s32 $0x1BF5;
	[smem:$0x3FBB] =	sst s0  }
0x18: {  	s0 =	sld [smem:$0x3F9E];
	_ =	swait.ge [sflag:s4], $0x0  }
0x19: {  	s7 =	sld [smem:$0x3F9F]  }
0x1a: {  	s8 =	sadd.s32 $0xFFFFE003, lr  }
0x1b: {  	s9 =	sadd.s32 $0xFFFFFEF7, lr;
	s5 =	simm.s32 $0xFFFFFFFF;
	p2 =	slt.u32 s8, $0xFFFFF086  }
0x1c: {  	p1 =	slt.u32 s9, $0xF7A;
	s5 =	simm.s32 @!p2 $0x0  }
0x1d: {  	s5 =	simm.s32 @p1 $0x1;
	p0 =	seq.s32 s7, s2  }
0x1e: {  	s7 =	smul.u32 @!p0 $0xF7A, s2;
	p2 =	seq.s32 @!p0 s5, $0x0  }
0x1f: {  	s9 =	smul.u32 $0xF7A, s1;
	s8 =	simm.s32 @!p0 $0x1BF5;
	p2 =	por !p2, p0  }
0x20: {  	[sflag:s8] =	ssyncset.s32 @!p0 $0xFFFFF086;
	s6 =	sadd.s32 @!p0 s3, s7;
	s7 =	simm.s32 @!p0 $0x108  }
0x21: {  	s3 =	sadd.s32 s3, s9;
	s6 =	sadd.s32 @!p0 $0x88, s6;
	s7 =	simm.s32 @p2 $0x1082  }
0x22: {  	[simem:s7], [sflag:s8] =	dma.local @!p0 [hbm:s6], $0xF7A  }
0x23: {  	s9 =	sor.u32 $0xD0000000, s2;
	s6 =	simm.s32 $0x108;
	_ =	swait.ge @!p0 [sflag:s8], $0x0  }
0x24: {  	s3 =	sadd.s32 $0x88, s3;
	s6 =	simm.s32 @!p1 $0x1082;
	[sflag:s4] =	ssyncset.s32 $0xFFFFF086  }
0x25: {  	[simem:s6], [sflag:s4] =	dma.local [hbm:s3], $0xF7A  }
0x26: {  	[smem:$0x3F9F] =	sst s1;
	(tag) =	ssettag s2;
	_ =	strace s9  }
0x27: {  	s1 =	sld [smem:$0x3FAF]  }
0x28: {  	s2 =	sld [smem:$0x3FB0]  }
0x29: {  	s4 =	sld [smem:$0x3FB2]  }
0x2a: {  	p0 =	seq.s32 s5, $0x0;
	s5 =	sld [smem:$0x3FB3]  }
0x2b: {  	s6 =	sld [smem:$0x3FB4]  }
0x2c: {  	s7 =	sld [smem:$0x3FB5]  }
0x2d: {  	s3 =	simm.s32 $0x108;
	s8 =	sld [smem:$0x3FB6]  }
0x2e: {  	s3 =	simm.s32 @!p0 $0x1082;
	s9 =	sld [smem:$0x3FB7]  }
0x2f: {  	lr =	sadd.s32 s0, s3;
	s0 =	sld [smem:$0x3FAE]  }
0x30: {  	s3 =	sld [smem:$0x3FB1]  }
0x31: {  	[smem:$0x3FBA] =	sst s10  }
0x32: {  	s10 =	sld [smem:$0x3FB8];
	_ =	sdelay $0x3  }
0x33: {  	p0 =	seq.s32 s10, $0x1;
	s10 =	sld [smem:$0x3FBA];
	_ =	sdelay $0x3  }
0x34: {  	[smem:$0x3FBA] =	sst s10  }
0x35: {  	s10 =	sld [smem:$0x3FB9];
	_ =	sdelay $0x3  }
0x36: {  	p1 =	seq.s32 s10, $0x1;
	s10 =	sld [smem:$0x3FBA];
	_ =	sdelay $0x3  }
0x37: {  	[smem:$0x3FBA] =	sst s10  }
0x38: {  	s10 =	sld [smem:$0x3FBB]  }
0x39: {  	_ = 	snop;
	(pc) =	sbr.ind lr, $3  }
0x3a: {  	_ = 	snop  }
0x3b: {  	_ = 	snop  }
0x3c: {  	p2 =	seq.s32 s10, $0x1;
	s10 =	sld [smem:$0x3FBA]  }
0x3d: {  	_ =	shalt  }
0x3e: {  	_ =	shalt  }
0x3f: {  	_ =	shalt  }
0x40: {  	_ =	shalt  }
0x41: {  	_ =	shalt  }
0x42: {  	_ =	shalt  }
0x43: {  	_ =	shalt  }
0x44: {  	_ =	shalt  }
0x45: {  	_ =	shalt  }
0x46: {  	_ =	shalt  }
0x47: {  	_ =	shalt  }
0x48: {  	_ =	shalt  }
0x49: {  	_ =	shalt  }
0x4a: {  	_ =	shalt  }
0x4b: {  	_ =	shalt  }
0x4c: {  	_ =	shalt  }
0x4d: {  	_ =	shalt  }
0x4e: {  	_ =	shalt  }
0x4f: {  	_ =	shalt  }
0x50: {  	_ =	shalt  }
0x51: {  	_ =	shalt  }
0x52: {  	_ =	shalt  }
0x53: {  	_ =	shalt  }
0x54: {  	_ =	shalt  }
0x55: {  	_ =	shalt  }
0x56: {  	_ =	shalt  }
0x57: {  	_ =	shalt  }
0x58: {  	_ =	shalt  }
0x59: {  	_ =	shalt  }
0x5a: {  	_ =	shalt  }
0x5b: {  	_ =	shalt  }
0x5c: {  	_ =	shalt  }
0x5d: {  	_ =	shalt  }
0x5e: {  	_ =	shalt  }
0x5f: {  	_ =	shalt  }
0x60: {  	_ =	shalt  }
0x61: {  	_ =	shalt  }
0x62: {  	_ =	shalt  }
0x63: {  	_ =	shalt  }
0x64: {  	_ =	shalt  }
0x65: {  	_ =	shalt  }
0x66: {  	_ =	shalt  }
0x67: {  	_ =	shalt  }
0x68: {  	_ =	shalt  }
0x69: {  	_ =	shalt  }
0x6a: {  	_ =	shalt  }
0x6b: {  	_ =	shalt  }
0x6c: {  	_ =	shalt  }
0x6d: {  	_ =	shalt  }
0x6e: {  	_ =	shalt  }
0x6f: {  	_ =	shalt  }
0x70: {  	_ =	shalt  }
0x71: {  	_ =	shalt  }
0x72: {  	_ =	shalt  }
0x73: {  	_ =	shalt  }
0x74: {  	_ =	shalt  }
0x75: {  	_ =	shalt  }
0x76: {  	_ =	shalt  }
0x77: {  	_ =	shalt  }
0x78: {  	_ =	shalt  }
0x79: {  	_ =	shalt  }
0x7a: {  	_ =	shalt  }
0x7b: {  	_ =	shalt  }
0x7c: {  	_ =	shalt  }
0x7d: {  	_ =	shalt  }
0x7e: {  	_ =	shalt  }
0x7f: {  	_ =	shalt  }
0x80: {  	_ =	shalt  }
0x81: {  	_ =	shalt  }
0x82: {  	_ =	shalt  }
0x83: {  	_ =	shalt  }
0x84: {  	_ =	shalt  }
0x85: {  	_ =	shalt  }
0x86: {  	_ =	shalt  }
0x87: {  	_ =	shalt  }
.Lfunc_end0:
.L_simem_size_0:
called_computation_lowered:
.L_overlay_start_0:
0x88: {  	s2 =	sld [smem:$0x3FD9]  }
0x89: {  	s3 =	sld [smem:$0x3FFE];
	_ =	sdelay $0x1  }
0x8a: {  	s1 =	srdreg.scid  }
0x8b: {  	s0 =	sand.u32 $0x1, s1  }
0x8c: {  	s18 =	sshll.u32 s0, $0xA;
	s2 =	sadd.s32 s3, s2  }
0x8d: {  	s2 =	sadd.s32 s2, s18  }
0x8e: {  	[smem:$0x3FC6] =	sst s2  }
0x8f: {  	_ = 	snop  }
0x90: {  	s2 =	sld [smem:$0x3FC9]  }
0x91: {  	s19 =	sld [smem:$0x3FC8]  }
0x92: {  	s4 =	sld [smem:$0x3FD0];
	(tm) =	ssettm $0x1  }
0x93: {  	s5 =	sld [smem:$0x3FFB];
	_ =	sdelay $0x3  }
0x94: {  	_ =	strace s5  }
0x95: {  	s5 =	sld [smem:$0x3FFC];
	_ =	sdelay $0x3  }
0x96: {  	_ =	strace s5  }
0x97: {  	s5 =	sld [smem:$0x3FFD];
	_ =	sdelay $0x3  }
0x98: {  	_ =	strace s5  }
0x99: {  	_ =	strace $0x8FFFFFFF  }
0x9a: {  	s20 =	sld [smem:$0x3FDB];
	_ =	sdelay $0x1  }
0x9b: {  	s6 =	simm.s32 $_scs_section_size  }
0x9c: {  	s7 =	simm.s32 $_size__tile_overlayer_lowered;
	s8 =	simm.s32 $_tile_overlayer_lowered  }
0x9d: {  	s23 =	simm.s32 $0x1BFF;
	s22 =	sshll.u32 s8, $0x1;
	s5 =	sadd.s32 s6, s20  }
0x9e: {  	s9 =	simm.s32 $0x0;
	s21 =	sshll.u32 s7, $0x1;
	s7 =	sadd.s32 s22, s5  }
0x9f: {  	[timem:s9], [sflag:s23] =	dma.local [hbm:s7], s21  }
0xa0: {  	_ =	swait.ge [sflag:s23], s21  }
0xa1: {  	s6 =	ssub.s32 $0x0, s21;
	[sflag:s23] =	ssyncset.done $0x0  }
0xa2: {  	[sflag:s23] =	ssyncadd.s32 s6;
	_ =	sdelay $0x1  }
0xa3: {  	s24 =	simm.s32 $0x1B8B  }
0xa4: {  	_ =	swait.ge [sflag:s24], $0x1  }
0xa5: {  	[sflag:s24] =	ssyncset.done $0x0  }
0xa6: {  	s25 =	simm.s32 $0x1B8E;
	[sflag:s24] =	ssyncadd.s32 $0xFFFFFFFF  }
0xa7: {  	s26 =	simm.s32 $execute0_lowered;
	[smem:$0x3FD2] =	sst s25  }
0xa8: {  	s6 =	sshll.u32 s26, $0x1;
	_ =	strace $0x80000046;
	[dreg:$0x1] =	wrdreg $0xFFFFFFFF  }
0xa9: {  	s28 =	simm.s32 $_size_execute0_lowered;
	s5 =	sadd.s32 s5, s6;
	[dreg:$0x0] =	wrdreg $0x0  }
0xaa: {  	s6 =	sshll.u32 s28, $0x1;
	[dreg:$0x2] =	wrdreg s5  }
0xab: {  	[dreg:$0x3] =	wrdreg s6  }
0xac: {  	[dreg:$0x4] =	wrdreg $0xC0  }
0xad: {  	_ =	task [dreg:s9], $0x5FFFF  }
0xae: {  	[dreg:$0x1] =	wrdreg $0xFFFFFFFF  }
0xaf: {  	[dreg:$0x0] =	wrdreg $0x60  }
0xb0: {  	[dreg:$0x2] =	wrdreg s19  }
0xb1: {  	[dreg:$0x3] =	wrdreg s2  }
0xb2: {  	[dreg:$0x4] =	wrdreg s4  }
0xb3: {  	[dreg:$0x5] =	wrdreg $0x9  }
0xb4: {  	_ =	task.clear_ibuf [dreg:s9], $0x6FFFF;
	_ =	strace $0x90000046  }
0xb5: {  	s29 =	simm.s32 $0x9;
	_ =	strace $0x80000048  }
0xb6: {  	_ =	swait.ge [sflag:s29], $0x1  }
0xb7: {  	[sflag:s29] =	ssyncadd.s32 $0xFFFFFFFF  }
0xb8: {  	_ =	strace $0x90000048  }
0xb9: {  	_ =	sfence  }
0xba: {  	s30 =	sld [smem:$0x0];
	_ =	sdelay $0x2  }
0xbb: {  	s31 =	sshll.u32 s1, $0xD;
	s1 =	sshrl.u32 s1, $0x2  }
0xbc: {  	s3 =	sand.u32 $0x4000, s31;
	s1 =	sadd.s32 s1, s30  }
0xbd: {  	s0 =	sor.u32 s3, s0;
	s1 =	sshll.u32 s1, $0x11  }
0xbe: {  	s0 =	sor.u32 s1, s0  }
0xbf: {  	s0 =	sadd.s32 $0x8F2B, s0  }
0xc0: {  	[sflag:s0] =	ssyncadd.remote.s32 $0x1  }
0xc1: {  	_ =	sfence.sel $0xFFFF  }
0xc2: {  	[dreg:$0x0] =	wrdreg $0xFFFFFFFF;
	(pc) =	sbr.abs _section_cstart, $3  }
0xc3: {  	[dreg:$0x1] =	wrdreg $0xFFFFFFFF  }
0xc4: {  	_ =	task.clear_ibuf [dreg:s9], $0x2FFFF;
	_ =	strace $0x9FFFFFFF  }
0xc5: {  	(tm) =	ssettm $0x7FFFFFFF  }
tec
execute0_lowered:
.L_overlay_start_1:
0x0: {  	(tag) =	ssettag $0x1  }
0x1: {  	s2 =	rddreg [dreg:$0x0]  }
0x2: {  	s1 =	rddreg [dreg:$0x1]  }
0x3: {  	s4 =	rddreg [dreg:$0x2]  }
0x4: {  	s0 =	srdreg.scid;
	s6 =	stileid.u32  }
0x5: {  	s3 =	simm.s32 $0x0;
	s0 =	sand.u32 $0x1, s0;
	s5 =	sshll.u32 s6, $0x1  }
0x6: {  	s6 =	sshll.u32 s6, $0x2;
	[smem:$0x7FF] =	sst s3;
	s5 =	sor.u32 s0, s5  }
0x7: {  	s6 =	sand.u32 $0x30, s6;
	s7 =	sshll.u32 s5, $0x8;
	s5 =	sshll.u32 s5, $0x10  }
0x8: {  	s1 =	sadd.s32 s1, s6;
	s7 =	sand.u32 $0x700, s7;
	s8 =	sadd.s32 s4, s5  }
0x9: {  	_ =	strace $0x80000047;
	s1 =	sadd.s32 s7, s1;
	[smem:$0x7FB] =	sst s8  }
0xa: {  	s22 =	sadd.s32 $0x800, s8;
	[dreg:$0x4] =	wrdreg s1  }
0xb: {  	s23 =	sadd.s32 $0x1000, s8;
	[dreg:$0x5] =	wrdreg s22  }
0xc: {  	s24 =	sadd.s32 $0x1800, s8;
	[dreg:$0x6] =	wrdreg s23  }
0xd: {  	s25 =	sadd.s32 $0x2000, s8;
	[dreg:$0x7] =	wrdreg s24  }
0xe: {  	s26 =	sadd.s32 $0x2800, s8;
	[dreg:$0x8] =	wrdreg s25  }
0xf: {  	s29 =	sadd.s32 $0x3000, s8;
	[dreg:$0x9] =	wrdreg s26  }
0x10: {  	s30 =	sadd.s32 $0x3800, s8;
	[dreg:$0xa] =	wrdreg s29  }
0x11: {  	s31 =	sadd.s32 $0x4000, s8;
	[dreg:$0xb] =	wrdreg s30  }
0x12: {  	s4 =	sadd.s32 $0x4800, s8;
	[dreg:$0xc] =	wrdreg s31  }
0x13: {  	s5 =	sadd.s32 $0x5000, s8;
	[dreg:$0xd] =	wrdreg s4  }
0x14: {  	s6 =	sadd.s32 $0x5800, s8;
	[dreg:$0xe] =	wrdreg s5  }
0x15: {  	s7 =	sadd.s32 $0x6000, s8;
	[dreg:$0xf] =	wrdreg s6  }
0x16: {  	s9 =	sadd.s32 $0x6800, s8;
	[dreg:$0x10] =	wrdreg s7  }
0x17: {  	s10 =	sadd.s32 $0x7000, s8;
	[dreg:$0x11] =	wrdreg s9  }
0x18: {  	s11 =	sadd.s32 $0x7800, s8;
	[dreg:$0x12] =	wrdreg s10  }
0x19: {  	s12 =	sadd.s32 $0x8000, s8;
	[dreg:$0x13] =	wrdreg s11  }
0x1a: {  	s13 =	sadd.s32 $0x8800, s8;
	[dreg:$0x14] =	wrdreg s12  }
0x1b: {  	s14 =	sadd.s32 $0x9000, s8;
	[dreg:$0x15] =	wrdreg s13  }
0x1c: {  	s15 =	sadd.s32 $0x9800, s8;
	[dreg:$0x16] =	wrdreg s14  }
0x1d: {  	s16 =	sadd.s32 $0xA000, s8;
	[dreg:$0x17] =	wrdreg s15  }
0x1e: {  	s17 =	sadd.s32 $0xA800, s8;
	[dreg:$0x18] =	wrdreg s16  }
0x1f: {  	s18 =	sadd.s32 $0xB000, s8;
	[dreg:$0x19] =	wrdreg s17  }
0x20: {  	s19 =	sadd.s32 $0xB800, s8;
	[dreg:$0x1a] =	wrdreg s18  }
0x21: {  	s20 =	sadd.s32 $0xC000, s8;
	[dreg:$0x1b] =	wrdreg s19  }
0x22: {  	s28 =	simm.s32 $0x8;
	s21 =	sadd.s32 $0xC800, s8;
	[dreg:$0x1c] =	wrdreg s20  }
0x23: {  	s0 =	ssub.s32 $0x2, s0;
	[dreg:$0x1d] =	wrdreg s21;
	s22 =	sadd.s32 $0xD000, s8  }
0x24: {  	s23 =	sshrl.u32 s0, $0x1;
	s24 =	sadd.s32 $0xD800, s8;
	s25 =	sadd.s32 $0xE000, s8  }
0x25: {  	s5 =	sadd.s32 $0x100, s2;
	s26 =	sadd.s32 $0xE800, s8;
	[dreg:$0x1e] =	wrdreg s22  }
0x26: {  	s6 =	sadd.s32 $0x200, s2;
	s29 =	sadd.s32 $0xF000, s8;
	[dreg:$0x1f] =	wrdreg s24  }
0x27: {  	s7 =	sadd.s32 $0x300, s2;
	s30 =	sadd.s32 $0xF800, s8;
	[smem:$0x7F8] =	sst s25  }
0x28: {  	s31 =	simm.s32 $0x80;
	s10 =	simm.s32 $0x200;
	[smem:$0x7F9] =	sst s26  }
0x29: {  	s4 =	simm.s32 $0x1;
	s20 =	simm.s32 $0x2;
	[smem:$0x7FA] =	sst s29  }
0x2a: {  	s21 =	simm.s32 $0x5;
	s11 =	simm.s32 $0x8200;
	[smem:$0x7FC] =	sst s30  }
0x2b: {  	v2 =	vlaneseq.u32;
	s9 =	simm.s32 $0xC200;
	s0 =	ssub.s32 s0, s23;
	[smem:$0x7FD] =	sst s31  }
0x2c: {  	vm0 =	vmmov $0xffff;
	v1 =	vshrl.u32 v2, $0x3;
	s22 =	simm.s32 $0x3;
	s23 =	simm.s32 $0x6;
	s24 =	simm.s32 $0x4  }
0x2d: {  	v0 =	vand.u32 $0x7, v2;
	v2 =	vor.u32 $0x8, v2;
	v1 =	vmul.u32 $0x8, v1;
	s25 =	simm.s32 $0x7;
	s26 =	simm.s32 $0x4200;
	s1 =	smax.u32 s0, $0x1  }
.LBB2_1:
0x2e: {  	s30 =	sld [smem:$0x7FD]  }
0x2f: {  	[smem:$0x7F7] =	sst s1  }
0x30: {  	s29 =	rddreg [dreg:$0x4];
	s14 =	simm.s32 $0x9  }
0x31: {  	[tilespmem:s3], [sflag:$0x9] =	stream.strided.gather [hbm4b:s29+s30], $0x200, s10, s30, $0x38;
	[tilespmem:$0x10200] =	vst v63  }
0x32: {  	_ =	swait.ge [sflag:s14], $0x200  }
0x33: {  	[sflag:s14] =	ssyncset.done $0x0  }
0x34: {  	[sflag:s14] =	ssyncadd.s32 $0xFFFFFE00  }
0x35: {  	v3 =	vld [tilespmem:$0x0];
	_ =	sdelay $0x4  }
0x36: {  	v4 =	vshll.u32 v3, $0x3  }
0x37: {  	v3 =	vand.u32 $0x7, v3;
	v4 =	vand.u32 $0xFFFFFFC0, v4  }
0x38: {  	v3 =	vor.u32 v3, v4  }
0x39: {  	v4 =	vperm.xlane v3, v0;
	_ =	sdelay $0x1  }
0x3a: {  	v4 =	vadd.s32 v1, v4;
	_ =	sdelay $0x4  }
0x3b: {  	[tilespmem:s10], [sflag:$0x1] =	stream.indirect_vreg.gather [hbm4b:s2+s3], $0x80, v4, vm0, $0xb8;
	[tilespmem:$0x10200] =	vst v63  }
0x3c: {  	s0 =	simm.s32 $0xA00;
	v3 =	vperm.xlane v3, v2  }
0x3d: {  	[tilespmem:s0], [sflag:$0x1] =	stream.indirect_vreg.gather [hbm4b:s5+s3], $0x80, v4, vm0, $0xb8;
	[tilespmem:$0x10200] =	vst v63  }
0x3e: {  	s15 =	simm.s32 $0x1200;
	v3 =	vadd.s32 v1, v3  }
0x3f: {  	[tilespmem:s15], [sflag:$0x1] =	stream.indirect_vreg.gather [hbm4b:s6+s3], $0x80, v4, vm0, $0xb8;
	[tilespmem:$0x10200] =	vst v63  }
0x40: {  	s17 =	simm.s32 $0x1A00  }
0x41: {  	[tilespmem:s17], [sflag:$0x1] =	stream.indirect_vreg.gather [hbm4b:s7+s3], $0x80, v4, vm0, $0xb8;
	[tilespmem:$0x10200] =	vst v63  }
0x42: {  	s18 =	simm.s32 $0x2200  }
0x43: {  	[tilespmem:s18], [sflag:$0x1] =	stream.indirect_vreg.gather [hbm4b:s2+s3], $0x80, v3, vm0, $0xb8;
	[tilespmem:$0x10200] =	vst v63  }
0x44: {  	s19 =	simm.s32 $0x2A00  }
0x45: {  	[tilespmem:s19], [sflag:$0x1] =	stream.indirect_vreg.gather [hbm4b:s5+s3], $0x80, v3, vm0, $0xb8;
	[tilespmem:$0x10200] =	vst v63  }
0x46: {  	s29 =	simm.s32 $0x3200  }
0x47: {  	[tilespmem:s29], [sflag:$0x1] =	stream.indirect_vreg.gather [hbm4b:s6+s3], $0x80, v3, vm0, $0xb8;
	[tilespmem:$0x10200] =	vst v63  }
0x48: {  	s30 =	simm.s32 $0x3A00  }
0x49: {  	[tilespmem:s30], [sflag:$0x1] =	stream.indirect_vreg.gather [hbm4b:s7+s3], $0x80, v3, vm0, $0xb8;
	[tilespmem:$0x10200] =	vst v63  }
0x4a: {  	v3 =	vld [tilespmem:$0x10];
	_ =	sdelay $0x4  }
0x4b: {  	v33 =	vshll.u32 v3, $0x3  }
0x4c: {  	v3 =	vand.u32 $0x7, v3;
	v4 =	vand.u32 $0xFFFFFFC0, v33  }
0x4d: {  	v3 =	vor.u32 v3, v4  }
0x4e: {  	v4 =	vperm.xlane v3, v0;
	_ =	sdelay $0x1  }
0x4f: {  	v4 =	vadd.s32 v1, v4;
	_ =	sdelay $0x4  }
0x50: {  	[tilespmem:s26], [sflag:$0x2] =	stream.indirect_vreg.gather [hbm4b:s2+s3], $0x80, v4, vm0, $0xb8;
	[tilespmem:$0x10200] =	vst v63  }
0x51: {  	s31 =	simm.s32 $0x4A00;
	v3 =	vperm.xlane v3, v2  }
0x52: {  	[tilespmem:s31], [sflag:$0x2] =	stream.indirect_vreg.gather [hbm4b:s5+s3], $0x80, v4, vm0, $0xb8;
	[tilespmem:$0x10200] =	vst v63  }
0x53: {  	s15 =	simm.s32 $0x5200;
	v3 =	vadd.s32 v1, v3  }
0x54: {  	[tilespmem:s15], [sflag:$0x2] =	stream.indirect_vreg.gather [hbm4b:s6+s3], $0x80, v4, vm0, $0xb8;
	[tilespmem:$0x10200] =	vst v63  }
0x55: {  	s17 =	simm.s32 $0x5A00  }
0x56: {  	[tilespmem:s17], [sflag:$0x2] =	stream.indirect_vreg.gather [hbm4b:s7+s3], $0x80, v4, vm0, $0xb8;
	[tilespmem:$0x10200] =	vst v63  }
0x57: {  	s19 =	simm.s32 $0x6200  }
0x58: {  	[tilespmem:s19], [sflag:$0x2] =	stream.indirect_vreg.gather [hbm4b:s2+s3], $0x80, v3, vm0, $0xb8;
	[tilespmem:$0x10200] =	vst v63  }
0x59: {  	s29 =	simm.s32 $0x6A00  }
0x5a: {  	[tilespmem:s29], [sflag:$0x2] =	stream.indirect_vreg.gather [hbm4b:s5+s3], $0x80, v3, vm0, $0xb8;
	[tilespmem:$0x10200] =	vst v63  }
0x5b: {  	s30 =	simm.s32 $0x7200  }
0x5c: {  	[tilespmem:s30], [sflag:$0x2] =	stream.indirect_vreg.gather [hbm4b:s6+s3], $0x80, v3, vm0, $0xb8;
	[tilespmem:$0x10200] =	vst v63  }
0x5d: {  	s29 =	simm.s32 $0x7A00  }
0x5e: {  	[tilespmem:s29], [sflag:$0x2] =	stream.indirect_vreg.gather [hbm4b:s7+s3], $0x80, v3, vm0, $0xb8;
	[tilespmem:$0x10200] =	vst v63  }
0x5f: {  	v3 =	vld [tilespmem:$0x20];
	_ =	sdelay $0x4  }
0x60: {  	v34 =	vshll.u32 v3, $0x3  }
0x61: {  	v3 =	vand.u32 $0x7, v3;
	v4 =	vand.u32 $0xFFFFFFC0, v34  }
0x62: {  	v3 =	vor.u32 v3, v4  }
0x63: {  	v4 =	vperm.xlane v3, v0;
	_ =	sdelay $0x1  }
0x64: {  	v4 =	vadd.s32 v1, v4;
	_ =	sdelay $0x4  }
0x65: {  	[tilespmem:s11], [sflag:$0x3] =	stream.indirect_vreg.gather [hbm4b:s2+s3], $0x80, v4, vm0, $0xb8;
	[tilespmem:$0x10200] =	vst v63  }
0x66: {  	s30 =	simm.s32 $0x8A00;
	v3 =	vperm.xlane v3, v2  }
0x67: {  	[tilespmem:s30], [sflag:$0x3] =	stream.indirect_vreg.gather [hbm4b:s5+s3], $0x80, v4, vm0, $0xb8;
	[tilespmem:$0x10200] =	vst v63  }
0x68: {  	s29 =	simm.s32 $0x9200;
	v3 =	vadd.s32 v1, v3  }
0x69: {  	[tilespmem:s29], [sflag:$0x3] =	stream.indirect_vreg.gather [hbm4b:s6+s3], $0x80, v4, vm0, $0xb8;
	[tilespmem:$0x10200] =	vst v63  }
0x6a: {  	s30 =	simm.s32 $0x9A00  }
0x6b: {  	[tilespmem:s30], [sflag:$0x3] =	stream.indirect_vreg.gather [hbm4b:s7+s3], $0x80, v4, vm0, $0xb8;
	[tilespmem:$0x10200] =	vst v63  }
0x6c: {  	s29 =	simm.s32 $0xA200  }
0x6d: {  	[tilespmem:s29], [sflag:$0x3] =	stream.indirect_vreg.gather [hbm4b:s2+s3], $0x80, v3, vm0, $0xb8;
	[tilespmem:$0x10200] =	vst v63  }
0x6e: {  	s30 =	simm.s32 $0xAA00  }
0x6f: {  	[tilespmem:s30], [sflag:$0x3] =	stream.indirect_vreg.gather [hbm4b:s5+s3], $0x80, v3, vm0, $0xb8;
	[tilespmem:$0x10200] =	vst v63  }
0x70: {  	s29 =	simm.s32 $0xB200  }
0x71: {  	[tilespmem:s29], [sflag:$0x3] =	stream.indirect_vreg.gather [hbm4b:s6+s3], $0x80, v3, vm0, $0xb8;
	[tilespmem:$0x10200] =	vst v63  }
0x72: {  	s30 =	simm.s32 $0xBA00  }
0x73: {  	[tilespmem:s30], [sflag:$0x3] =	stream.indirect_vreg.gather [hbm4b:s7+s3], $0x80, v3, vm0, $0xb8;
	[tilespmem:$0x10200] =	vst v63  }
0x74: {  	_ =	swait.ge [sflag:s4], $0x4000  }
0x75: {  	s0 =	sld [smem:$0x7FB]  }
0x76: {  	[sflag:s4] =	ssyncset.done $0x0  }
0x77: {  	[sflag:s4] =	ssyncadd.s32 $0xFFFFC000  }
0x78: {  	[hbm4b:s0+s3] =	stream.linear.scatter [tilespmem:s10], [sflag:$0x5], $0x4000, $0x38;
	[tilespmem:$0x10200] =	vst v63  }
0x79: {  	v3 =	vld [tilespmem:$0x30];
	_ =	sdelay $0x4  }
0x7a: {  	v35 =	vshll.u32 v3, $0x3  }
0x7b: {  	v3 =	vand.u32 $0x7, v3;
	v4 =	vand.u32 $0xFFFFFFC0, v35  }
0x7c: {  	v3 =	vor.u32 v3, v4  }
0x7d: {  	v4 =	vperm.xlane v3, v0;
	_ =	sdelay $0x1  }
0x7e: {  	v4 =	vadd.s32 v1, v4;
	_ =	sdelay $0x4  }
0x7f: {  	[tilespmem:s9], [sflag:$0x4] =	stream.indirect_vreg.gather [hbm4b:s2+s3], $0x80, v4, vm0, $0xb8;
	[tilespmem:$0x10200] =	vst v63  }
0x80: {  	s0 =	simm.s32 $0xCA00;
	v3 =	vperm.xlane v3, v2  }
0x81: {  	[tilespmem:s0], [sflag:$0x4] =	stream.indirect_vreg.gather [hbm4b:s5+s3], $0x80, v4, vm0, $0xb8;
	[tilespmem:$0x10200] =	vst v63  }
0x82: {  	v3 =	vadd.s32 v1, v3;
	s0 =	simm.s32 $0xD200  }
0x83: {  	[tilespmem:s0], [sflag:$0x4] =	stream.indirect_vreg.gather [hbm4b:s6+s3], $0x80, v4, vm0, $0xb8;
	[tilespmem:$0x10200] =	vst v63  }
0x84: {  	s0 =	simm.s32 $0xDA00  }
0x85: {  	[tilespmem:s0], [sflag:$0x4] =	stream.indirect_vreg.gather [hbm4b:s7+s3], $0x80, v4, vm0, $0xb8;
	[tilespmem:$0x10200] =	vst v63  }
0x86: {  	s0 =	simm.s32 $0xE200  }
0x87: {  	[tilespmem:s0], [sflag:$0x4] =	stream.indirect_vreg.gather [hbm4b:s2+s3], $0x80, v3, vm0, $0xb8;
	[tilespmem:$0x10200] =	vst v63  }
0x88: {  	s0 =	simm.s32 $0xEA00  }
0x89: {  	[tilespmem:s0], [sflag:$0x4] =	stream.indirect_vreg.gather [hbm4b:s5+s3], $0x80, v3, vm0, $0xb8;
	[tilespmem:$0x10200] =	vst v63  }
0x8a: {  	s0 =	simm.s32 $0xF200  }
0x8b: {  	[tilespmem:s0], [sflag:$0x4] =	stream.indirect_vreg.gather [hbm4b:s6+s3], $0x80, v3, vm0, $0xb8;
	[tilespmem:$0x10200] =	vst v63  }
0x8c: {  	s0 =	simm.s32 $0xFA00  }
0x8d: {  	[tilespmem:s0], [sflag:$0x4] =	stream.indirect_vreg.gather [hbm4b:s7+s3], $0x80, v3, vm0, $0xb8;
	[tilespmem:$0x10200] =	vst v63  }
0x8e: {  	_ =	swait.ge [sflag:s20], $0x4000  }
0x8f: {  	[sflag:s20] =	ssyncset.done $0x0  }
0x90: {  	s0 =	rddreg [dreg:$0x5];
	[sflag:s20] =	ssyncadd.s32 $0xFFFFC000  }
0x91: {  	[hbm4b:s0+s3] =	stream.linear.scatter [tilespmem:s26], [sflag:$0x6], $0x4000, $0x38;
	[tilespmem:$0x10200] =	vst v63  }
0x92: {  	_ =	swait.ge [sflag:s21], $0x4000  }
0x93: {  	[sflag:s21] =	ssyncset.done $0x0  }
0x94: {  	[sflag:s21] =	ssyncadd.s32 $0xFFFFC000  }
0x95: {  	v3 =	vld [tilespmem:$0x40];
	_ =	sdelay $0x4  }
0x96: {  	v36 =	vshll.u32 v3, $0x3  }
0x97: {  	v3 =	vand.u32 $0x7, v3;
	v4 =	vand.u32 $0xFFFFFFC0, v36  }
0x98: {  	v3 =	vor.u32 v3, v4  }
0x99: {  	v4 =	vperm.xlane v3, v0;
	_ =	sdelay $0x1  }
0x9a: {  	v4 =	vadd.s32 v1, v4;
	_ =	sdelay $0x4  }
0x9b: {  	[tilespmem:s10], [sflag:$0x1] =	stream.indirect_vreg.gather [hbm4b:s2+s3], $0x80, v4, vm0, $0xb8;
	[tilespmem:$0x10200] =	vst v63  }
0x9c: {  	s16 =	simm.s32 $0xA00;
	v3 =	vperm.xlane v3, v2  }
0x9d: {  	[tilespmem:s16], [sflag:$0x1] =	stream.indirect_vreg.gather [hbm4b:s5+s3], $0x80, v4, vm0, $0xb8;
	[tilespmem:$0x10200] =	vst v63  }
0x9e: {  	s1 =	simm.s32 $0x1200;
	v3 =	vadd.s32 v1, v3  }
0x9f: {  	[tilespmem:s1], [sflag:$0x1] =	stream.indirect_vreg.gather [hbm4b:s6+s3], $0x80, v4, vm0, $0xb8;
	[tilespmem:$0x10200] =	vst v63  }
0xa0: {  	s8 =	simm.s32 $0x1A00  }
0xa1: {  	[tilespmem:s8], [sflag:$0x1] =	stream.indirect_vreg.gather [hbm4b:s7+s3], $0x80, v4, vm0, $0xb8;
	[tilespmem:$0x10200] =	vst v63  }
0xa2: {  	s14 =	simm.s32 $0x2200  }
0xa3: {  	[tilespmem:s14], [sflag:$0x1] =	stream.indirect_vreg.gather [hbm4b:s2+s3], $0x80, v3, vm0, $0xb8;
	[tilespmem:$0x10200] =	vst v63  }
0xa4: {  	s18 =	simm.s32 $0x2A00  }
0xa5: {  	[tilespmem:s18], [sflag:$0x1] =	stream.indirect_vreg.gather [hbm4b:s5+s3], $0x80, v3, vm0, $0xb8;
	[tilespmem:$0x10200] =	vst v63  }
0xa6: {  	s13 =	simm.s32 $0x3200  }
0xa7: {  	[tilespmem:s13], [sflag:$0x1] =	stream.indirect_vreg.gather [hbm4b:s6+s3], $0x80, v3, vm0, $0xb8;
	[tilespmem:$0x10200] =	vst v63  }
0xa8: {  	s12 =	simm.s32 $0x3A00  }
0xa9: {  	[tilespmem:s12], [sflag:$0x1] =	stream.indirect_vreg.gather [hbm4b:s7+s3], $0x80, v3, vm0, $0xb8;
	[tilespmem:$0x10200] =	vst v63  }
0xaa: {  	_ =	swait.ge [sflag:s22], $0x4000  }
0xab: {  	[sflag:s22] =	ssyncset.done $0x0  }
0xac: {  	s14 =	rddreg [dreg:$0x6];
	[sflag:s22] =	ssyncadd.s32 $0xFFFFC000  }
0xad: {  	[hbm4b:s14+s3] =	stream.linear.scatter [tilespmem:s11], [sflag:$0x7], $0x4000, $0x38;
	[tilespmem:$0x10200] =	vst v63  }
0xae: {  	_ =	swait.ge [sflag:s23], $0x4000  }
0xaf: {  	[sflag:s23] =	ssyncset.done $0x0  }
0xb0: {  	[sflag:s23] =	ssyncadd.s32 $0xFFFFC000  }
0xb1: {  	v3 =	vld [tilespmem:$0x50];
	_ =	sdelay $0x4  }
0xb2: {  	v37 =	vshll.u32 v3, $0x3  }
0xb3: {  	v3 =	vand.u32 $0x7, v3;
	v4 =	vand.u32 $0xFFFFFFC0, v37  }
0xb4: {  	v3 =	vor.u32 v3, v4  }
0xb5: {  	v4 =	vperm.xlane v3, v0;
	_ =	sdelay $0x1  }
0xb6: {  	v4 =	vadd.s32 v1, v4;
	_ =	sdelay $0x4  }
0xb7: {  	[tilespmem:s26], [sflag:$0x2] =	stream.indirect_vreg.gather [hbm4b:s2+s3], $0x80, v4, vm0, $0xb8;
	[tilespmem:$0x10200] =	vst v63  }
0xb8: {  	s1 =	simm.s32 $0x4A00;
	v3 =	vperm.xlane v3, v2  }
0xb9: {  	[tilespmem:s1], [sflag:$0x2] =	stream.indirect_vreg.gather [hbm4b:s5+s3], $0x80, v4, vm0, $0xb8;
	[tilespmem:$0x10200] =	vst v63  }
0xba: {  	s15 =	simm.s32 $0x5200;
	v3 =	vadd.s32 v1, v3  }
0xbb: {  	[tilespmem:s15], [sflag:$0x2] =	stream.indirect_vreg.gather [hbm4b:s6+s3], $0x80, v4, vm0, $0xb8;
	[tilespmem:$0x10200] =	vst v63  }
0xbc: {  	s17 =	simm.s32 $0x5A00  }
0xbd: {  	[tilespmem:s17], [sflag:$0x2] =	stream.indirect_vreg.gather [hbm4b:s7+s3], $0x80, v4, vm0, $0xb8;
	[tilespmem:$0x10200] =	vst v63  }
0xbe: {  	s19 =	simm.s32 $0x6200  }
0xbf: {  	[tilespmem:s19], [sflag:$0x2] =	stream.indirect_vreg.gather [hbm4b:s2+s3], $0x80, v3, vm0, $0xb8;
	[tilespmem:$0x10200] =	vst v63  }
0xc0: {  	s31 =	simm.s32 $0x6A00  }
0xc1: {  	[tilespmem:s31], [sflag:$0x2] =	stream.indirect_vreg.gather [hbm4b:s5+s3], $0x80, v3, vm0, $0xb8;
	[tilespmem:$0x10200] =	vst v63  }
0xc2: {  	s0 =	simm.s32 $0x7200  }
0xc3: {  	[tilespmem:s0], [sflag:$0x2] =	stream.indirect_vreg.gather [hbm4b:s6+s3], $0x80, v3, vm0, $0xb8;
	[tilespmem:$0x10200] =	vst v63  }
0xc4: {  	s8 =	simm.s32 $0x7A00  }
0xc5: {  	[tilespmem:s8], [sflag:$0x2] =	stream.indirect_vreg.gather [hbm4b:s7+s3], $0x80, v3, vm0, $0xb8;
	[tilespmem:$0x10200] =	vst v63  }
0xc6: {  	_ =	swait.ge [sflag:s24], $0x4000  }
0xc7: {  	[sflag:s24] =	ssyncset.done $0x0  }
0xc8: {  	s16 =	rddreg [dreg:$0x7];
	[sflag:s24] =	ssyncadd.s32 $0xFFFFC000  }
0xc9: {  	[hbm4b:s16+s3] =	stream.linear.scatter [tilespmem:s9], [sflag:$0x8], $0x4000, $0x38;
	[tilespmem:$0x10200] =	vst v63  }
0xca: {  	_ =	swait.ge [sflag:s25], $0x4000  }
0xcb: {  	[sflag:s25] =	ssyncset.done $0x0  }
0xcc: {  	[sflag:s25] =	ssyncadd.s32 $0xFFFFC000  }
0xcd: {  	v3 =	vld [tilespmem:$0x60];
	_ =	sdelay $0x4  }
0xce: {  	v38 =	vshll.u32 v3, $0x3  }
0xcf: {  	v3 =	vand.u32 $0x7, v3;
	v4 =	vand.u32 $0xFFFFFFC0, v38  }
0xd0: {  	v3 =	vor.u32 v3, v4  }
0xd1: {  	v4 =	vperm.xlane v3, v0;
	_ =	sdelay $0x1  }
0xd2: {  	v4 =	vadd.s32 v1, v4;
	_ =	sdelay $0x4  }
0xd3: {  	[tilespmem:s11], [sflag:$0x3] =	stream.indirect_vreg.gather [hbm4b:s2+s3], $0x80, v4, vm0, $0xb8;
	[tilespmem:$0x10200] =	vst v63  }
0xd4: {  	s17 =	simm.s32 $0x8A00;
	v3 =	vperm.xlane v3, v2  }
0xd5: {  	[tilespmem:s17], [sflag:$0x3] =	stream.indirect_vreg.gather [hbm4b:s5+s3], $0x80, v4, vm0, $0xb8;
	[tilespmem:$0x10200] =	vst v63  }
0xd6: {  	s14 =	simm.s32 $0x9200;
	v3 =	vadd.s32 v1, v3  }
0xd7: {  	[tilespmem:s14], [sflag:$0x3] =	stream.indirect_vreg.gather [hbm4b:s6+s3], $0x80, v4, vm0, $0xb8;
	[tilespmem:$0x10200] =	vst v63  }
0xd8: {  	s15 =	simm.s32 $0x9A00  }
0xd9: {  	[tilespmem:s15], [sflag:$0x3] =	stream.indirect_vreg.gather [hbm4b:s7+s3], $0x80, v4, vm0, $0xb8;
	[tilespmem:$0x10200] =	vst v63  }
0xda: {  	s17 =	simm.s32 $0xA200  }
0xdb: {  	[tilespmem:s17], [sflag:$0x3] =	stream.indirect_vreg.gather [hbm4b:s2+s3], $0x80, v3, vm0, $0xb8;
	[tilespmem:$0x10200] =	vst v63  }
0xdc: {  	s19 =	simm.s32 $0xAA00  }
0xdd: {  	[tilespmem:s19], [sflag:$0x3] =	stream.indirect_vreg.gather [hbm4b:s5+s3], $0x80, v3, vm0, $0xb8;
	[tilespmem:$0x10200] =	vst v63  }
0xde: {  	s31 =	simm.s32 $0xB200  }
0xdf: {  	[tilespmem:s31], [sflag:$0x3] =	stream.indirect_vreg.gather [hbm4b:s6+s3], $0x80, v3, vm0, $0xb8;
	[tilespmem:$0x10200] =	vst v63  }
0xe0: {  	s30 =	simm.s32 $0xBA00  }
0xe1: {  	[tilespmem:s30], [sflag:$0x3] =	stream.indirect_vreg.gather [hbm4b:s7+s3], $0x80, v3, vm0, $0xb8;
	[tilespmem:$0x10200] =	vst v63  }
0xe2: {  	_ =	swait.ge [sflag:s4], $0x4000  }
0xe3: {  	[sflag:s4] =	ssyncset.done $0x0  }
0xe4: {  	s18 =	rddreg [dreg:$0x8];
	[sflag:s4] =	ssyncadd.s32 $0xFFFFC000  }
0xe5: {  	[hbm4b:s18+s3] =	stream.linear.scatter [tilespmem:s10], [sflag:$0x5], $0x4000, $0x38;
	[tilespmem:$0x10200] =	vst v63  }
0xe6: {  	_ =	swait.ge [sflag:s28], $0x4000  }
0xe7: {  	[sflag:s28] =	ssyncset.done $0x0  }
0xe8: {  	[sflag:s28] =	ssyncadd.s32 $0xFFFFC000  }
0xe9: {  	v3 =	vld [tilespmem:$0x70];
	_ =	sdelay $0x4  }
0xea: {  	v39 =	vshll.u32 v3, $0x3  }
0xeb: {  	v3 =	vand.u32 $0x7, v3;
	v4 =	vand.u32 $0xFFFFFFC0, v39  }
0xec: {  	v3 =	vor.u32 v3, v4  }
0xed: {  	v4 =	vperm.xlane v3, v0;
	_ =	sdelay $0x1  }
0xee: {  	v4 =	vadd.s32 v1, v4;
	_ =	sdelay $0x4  }
0xef: {  	[tilespmem:s9], [sflag:$0x4] =	stream.indirect_vreg.gather [hbm4b:s2+s3], $0x80, v4, vm0, $0xb8;
	[tilespmem:$0x10200] =	vst v63  }
0xf0: {  	s30 =	simm.s32 $0xCA00;
	v3 =	vperm.xlane v3, v2  }
0xf1: {  	[tilespmem:s30], [sflag:$0x4] =	stream.indirect_vreg.gather [hbm4b:s5+s3], $0x80, v4, vm0, $0xb8;
	[tilespmem:$0x10200] =	vst v63  }
0xf2: {  	s13 =	simm.s32 $0xD200;
	v3 =	vadd.s32 v1, v3  }
0xf3: {  	[tilespmem:s13], [sflag:$0x4] =	stream.indirect_vreg.gather [hbm4b:s6+s3], $0x80, v4, vm0, $0xb8;
	[tilespmem:$0x10200] =	vst v63  }
0xf4: {  	s16 =	simm.s32 $0xDA00  }
0xf5: {  	[tilespmem:s16], [sflag:$0x4] =	stream.indirect_vreg.gather [hbm4b:s7+s3], $0x80, v4, vm0, $0xb8;
	[tilespmem:$0x10200] =	vst v63  }
0xf6: {  	s18 =	simm.s32 $0xE200  }
0xf7: {  	[tilespmem:s18], [sflag:$0x4] =	stream.indirect_vreg.gather [hbm4b:s2+s3], $0x80, v3, vm0, $0xb8;
	[tilespmem:$0x10200] =	vst v63  }
0xf8: {  	s29 =	simm.s32 $0xEA00  }
0xf9: {  	[tilespmem:s29], [sflag:$0x4] =	stream.indirect_vreg.gather [hbm4b:s5+s3], $0x80, v3, vm0, $0xb8;
	[tilespmem:$0x10200] =	vst v63  }
0xfa: {  	s30 =	simm.s32 $0xF200  }
0xfb: {  	[tilespmem:s30], [sflag:$0x4] =	stream.indirect_vreg.gather [hbm4b:s6+s3], $0x80, v3, vm0, $0xb8;
	[tilespmem:$0x10200] =	vst v63  }
0xfc: {  	s29 =	simm.s32 $0xFA00  }
0xfd: {  	[tilespmem:s29], [sflag:$0x4] =	stream.indirect_vreg.gather [hbm4b:s7+s3], $0x80, v3, vm0, $0xb8;
	[tilespmem:$0x10200] =	vst v63  }
0xfe: {  	_ =	swait.ge [sflag:s20], $0x4000  }
0xff: {  	[sflag:s20] =	ssyncset.done $0x0  }
0x100: {  	s29 =	rddreg [dreg:$0x9];
	[sflag:s20] =	ssyncadd.s32 $0xFFFFC000  }
0x101: {  	[hbm4b:s29+s3] =	stream.linear.scatter [tilespmem:s26], [sflag:$0x6], $0x4000, $0x38;
	[tilespmem:$0x10200] =	vst v63  }
0x102: {  	_ =	swait.ge [sflag:s21], $0x4000  }
0x103: {  	[sflag:s21] =	ssyncset.done $0x0  }
0x104: {  	[sflag:s21] =	ssyncadd.s32 $0xFFFFC000  }
0x105: {  	v3 =	vld [tilespmem:$0x80];
	_ =	sdelay $0x4  }
0x106: {  	v40 =	vshll.u32 v3, $0x3  }
0x107: {  	v3 =	vand.u32 $0x7, v3;
	v4 =	vand.u32 $0xFFFFFFC0, v40  }
0x108: {  	v3 =	vor.u32 v3, v4  }
0x109: {  	v4 =	vperm.xlane v3, v0;
	_ =	sdelay $0x1  }
0x10a: {  	v4 =	vadd.s32 v1, v4;
	_ =	sdelay $0x4  }
0x10b: {  	[tilespmem:s10], [sflag:$0x1] =	stream.indirect_vreg.gather [hbm4b:s2+s3], $0x80, v4, vm0, $0xb8;
	[tilespmem:$0x10200] =	vst v63  }
0x10c: {  	s29 =	simm.s32 $0xA00;
	v3 =	vperm.xlane v3, v2  }
0x10d: {  	[tilespmem:s29], [sflag:$0x1] =	stream.indirect_vreg.gather [hbm4b:s5+s3], $0x80, v4, vm0, $0xb8;
	[tilespmem:$0x10200] =	vst v63  }
0x10e: {  	v3 =	vadd.s32 v1, v3;
	s29 =	simm.s32 $0x1200  }
0x10f: {  	[tilespmem:s29], [sflag:$0x1] =	stream.indirect_vreg.gather [hbm4b:s6+s3], $0x80, v4, vm0, $0xb8;
	[tilespmem:$0x10200] =	vst v63  }
0x110: {  	s29 =	simm.s32 $0x1A00  }
0x111: {  	[tilespmem:s29], [sflag:$0x1] =	stream.indirect_vreg.gather [hbm4b:s7+s3], $0x80, v4, vm0, $0xb8;
	[tilespmem:$0x10200] =	vst v63  }
0x112: {  	s29 =	simm.s32 $0x2200  }
0x113: {  	[tilespmem:s29], [sflag:$0x1] =	stream.indirect_vreg.gather [hbm4b:s2+s3], $0x80, v3, vm0, $0xb8;
	[tilespmem:$0x10200] =	vst v63  }
0x114: {  	s29 =	simm.s32 $0x2A00  }
0x115: {  	[tilespmem:s29], [sflag:$0x1] =	stream.indirect_vreg.gather [hbm4b:s5+s3], $0x80, v3, vm0, $0xb8;
	[tilespmem:$0x10200] =	vst v63  }
0x116: {  	s29 =	simm.s32 $0x3200  }
0x117: {  	[tilespmem:s29], [sflag:$0x1] =	stream.indirect_vreg.gather [hbm4b:s6+s3], $0x80, v3, vm0, $0xb8;
	[tilespmem:$0x10200] =	vst v63  }
0x118: {  	s29 =	simm.s32 $0x3A00  }
0x119: {  	[tilespmem:s29], [sflag:$0x1] =	stream.indirect_vreg.gather [hbm4b:s7+s3], $0x80, v3, vm0, $0xb8;
	[tilespmem:$0x10200] =	vst v63  }
0x11a: {  	_ =	swait.ge [sflag:s22], $0x4000  }
0x11b: {  	[sflag:s22] =	ssyncset.done $0x0  }
0x11c: {  	s29 =	rddreg [dreg:$0xa];
	[sflag:s22] =	ssyncadd.s32 $0xFFFFC000  }
0x11d: {  	[hbm4b:s29+s3] =	stream.linear.scatter [tilespmem:s11], [sflag:$0x7], $0x4000, $0x38;
	[tilespmem:$0x10200] =	vst v63  }
0x11e: {  	_ =	swait.ge [sflag:s23], $0x4000  }
0x11f: {  	[sflag:s23] =	ssyncset.done $0x0  }
0x120: {  	[sflag:s23] =	ssyncadd.s32 $0xFFFFC000  }
0x121: {  	v3 =	vld [tilespmem:$0x90];
	_ =	sdelay $0x4  }
0x122: {  	v41 =	vshll.u32 v3, $0x3  }
0x123: {  	v3 =	vand.u32 $0x7, v3;
	v4 =	vand.u32 $0xFFFFFFC0, v41  }
0x124: {  	v3 =	vor.u32 v3, v4  }
0x125: {  	v4 =	vperm.xlane v3, v0;
	_ =	sdelay $0x1  }
0x126: {  	v4 =	vadd.s32 v1, v4;
	_ =	sdelay $0x4  }
0x127: {  	[tilespmem:s26], [sflag:$0x2] =	stream.indirect_vreg.gather [hbm4b:s2+s3], $0x80, v4, vm0, $0xb8;
	[tilespmem:$0x10200] =	vst v63  }
0x128: {  	v3 =	vperm.xlane v3, v2  }
0x129: {  	[tilespmem:s1], [sflag:$0x2] =	stream.indirect_vreg.gather [hbm4b:s5+s3], $0x80, v4, vm0, $0xb8;
	[tilespmem:$0x10200] =	vst v63  }
0x12a: {  	s29 =	simm.s32 $0x5200;
	v3 =	vadd.s32 v1, v3  }
0x12b: {  	[tilespmem:s29], [sflag:$0x2] =	stream.indirect_vreg.gather [hbm4b:s6+s3], $0x80, v4, vm0, $0xb8;
	[tilespmem:$0x10200] =	vst v63  }
0x12c: {  	s29 =	simm.s32 $0x5A00  }
0x12d: {  	[tilespmem:s29], [sflag:$0x2] =	stream.indirect_vreg.gather [hbm4b:s7+s3], $0x80, v4, vm0, $0xb8;
	[tilespmem:$0x10200] =	vst v63  }
0x12e: {  	s29 =	simm.s32 $0x6200  }
0x12f: {  	[tilespmem:s29], [sflag:$0x2] =	stream.indirect_vreg.gather [hbm4b:s2+s3], $0x80, v3, vm0, $0xb8;
	[tilespmem:$0x10200] =	vst v63  }
0x130: {  	s29 =	simm.s32 $0x6A00  }
0x131: {  	[tilespmem:s29], [sflag:$0x2] =	stream.indirect_vreg.gather [hbm4b:s5+s3], $0x80, v3, vm0, $0xb8;
	[tilespmem:$0x10200] =	vst v63  }
0x132: {  	_ = 	snop  }
0x133: {  	[tilespmem:s0], [sflag:$0x2] =	stream.indirect_vreg.gather [hbm4b:s6+s3], $0x80, v3, vm0, $0xb8;
	[tilespmem:$0x10200] =	vst v63  }
0x134: {  	_ = 	snop  }
0x135: {  	[tilespmem:s8], [sflag:$0x2] =	stream.indirect_vreg.gather [hbm4b:s7+s3], $0x80, v3, vm0, $0xb8;
	[tilespmem:$0x10200] =	vst v63  }
0x136: {  	_ =	swait.ge [sflag:s24], $0x4000  }
0x137: {  	[sflag:s24] =	ssyncset.done $0x0  }
0x138: {  	s8 =	rddreg [dreg:$0xb];
	[sflag:s24] =	ssyncadd.s32 $0xFFFFC000  }
0x139: {  	[hbm4b:s8+s3] =	stream.linear.scatter [tilespmem:s9], [sflag:$0x8], $0x4000, $0x38;
	[tilespmem:$0x10200] =	vst v63  }
0x13a: {  	_ =	swait.ge [sflag:s25], $0x4000  }
0x13b: {  	[sflag:s25] =	ssyncset.done $0x0  }
0x13c: {  	[sflag:s25] =	ssyncadd.s32 $0xFFFFC000  }
0x13d: {  	v3 =	vld [tilespmem:$0xA0];
	_ =	sdelay $0x4  }
0x13e: {  	v42 =	vshll.u32 v3, $0x3  }
0x13f: {  	v3 =	vand.u32 $0x7, v3;
	v4 =	vand.u32 $0xFFFFFFC0, v42  }
0x140: {  	v3 =	vor.u32 v3, v4  }
0x141: {  	v4 =	vperm.xlane v3, v0;
	_ =	sdelay $0x1  }
0x142: {  	v4 =	vadd.s32 v1, v4;
	_ =	sdelay $0x4  }
0x143: {  	[tilespmem:s11], [sflag:$0x3] =	stream.indirect_vreg.gather [hbm4b:s2+s3], $0x80, v4, vm0, $0xb8;
	[tilespmem:$0x10200] =	vst v63  }
0x144: {  	s29 =	simm.s32 $0x8A00;
	v3 =	vperm.xlane v3, v2  }
0x145: {  	[tilespmem:s29], [sflag:$0x3] =	stream.indirect_vreg.gather [hbm4b:s5+s3], $0x80, v4, vm0, $0xb8;
	[tilespmem:$0x10200] =	vst v63  }
0x146: {  	v3 =	vadd.s32 v1, v3  }
0x147: {  	[tilespmem:s14], [sflag:$0x3] =	stream.indirect_vreg.gather [hbm4b:s6+s3], $0x80, v4, vm0, $0xb8;
	[tilespmem:$0x10200] =	vst v63  }
0x148: {  	_ = 	snop  }
0x149: {  	[tilespmem:s15], [sflag:$0x3] =	stream.indirect_vreg.gather [hbm4b:s7+s3], $0x80, v4, vm0, $0xb8;
	[tilespmem:$0x10200] =	vst v63  }
0x14a: {  	_ = 	snop  }
0x14b: {  	[tilespmem:s17], [sflag:$0x3] =	stream.indirect_vreg.gather [hbm4b:s2+s3], $0x80, v3, vm0, $0xb8;
	[tilespmem:$0x10200] =	vst v63  }
0x14c: {  	_ = 	snop  }
0x14d: {  	[tilespmem:s19], [sflag:$0x3] =	stream.indirect_vreg.gather [hbm4b:s5+s3], $0x80, v3, vm0, $0xb8;
	[tilespmem:$0x10200] =	vst v63  }
0x14e: {  	_ = 	snop  }
0x14f: {  	[tilespmem:s31], [sflag:$0x3] =	stream.indirect_vreg.gather [hbm4b:s6+s3], $0x80, v3, vm0, $0xb8;
	[tilespmem:$0x10200] =	vst v63  }
0x150: {  	s31 =	simm.s32 $0xBA00  }
0x151: {  	[tilespmem:s31], [sflag:$0x3] =	stream.indirect_vreg.gather [hbm4b:s7+s3], $0x80, v3, vm0, $0xb8;
	[tilespmem:$0x10200] =	vst v63  }
0x152: {  	_ =	swait.ge [sflag:s4], $0x4000  }
0x153: {  	[sflag:s4] =	ssyncset.done $0x0  }
0x154: {  	s19 =	rddreg [dreg:$0xc];
	[sflag:s4] =	ssyncadd.s32 $0xFFFFC000  }
0x155: {  	[hbm4b:s19+s3] =	stream.linear.scatter [tilespmem:s10], [sflag:$0x5], $0x4000, $0x38;
	[tilespmem:$0x10200] =	vst v63  }
0x156: {  	_ =	swait.ge [sflag:s28], $0x4000  }
0x157: {  	[sflag:s28] =	ssyncset.done $0x0  }
0x158: {  	[sflag:s28] =	ssyncadd.s32 $0xFFFFC000  }
0x159: {  	v3 =	vld [tilespmem:$0xB0];
	_ =	sdelay $0x4  }
0x15a: {  	v43 =	vshll.u32 v3, $0x3  }
0x15b: {  	v3 =	vand.u32 $0x7, v3;
	v4 =	vand.u32 $0xFFFFFFC0, v43  }
0x15c: {  	v3 =	vor.u32 v3, v4  }
0x15d: {  	v4 =	vperm.xlane v3, v0;
	_ =	sdelay $0x1  }
0x15e: {  	v4 =	vadd.s32 v1, v4;
	_ =	sdelay $0x4  }
0x15f: {  	[tilespmem:s9], [sflag:$0x4] =	stream.indirect_vreg.gather [hbm4b:s2+s3], $0x80, v4, vm0, $0xb8;
	[tilespmem:$0x10200] =	vst v63  }
0x160: {  	s29 =	simm.s32 $0xCA00;
	v3 =	vperm.xlane v3, v2  }
0x161: {  	[tilespmem:s29], [sflag:$0x4] =	stream.indirect_vreg.gather [hbm4b:s5+s3], $0x80, v4, vm0, $0xb8;
	[tilespmem:$0x10200] =	vst v63  }
0x162: {  	s12 =	simm.s32 $0xD200;
	v3 =	vadd.s32 v1, v3  }
0x163: {  	[tilespmem:s12], [sflag:$0x4] =	stream.indirect_vreg.gather [hbm4b:s6+s3], $0x80, v4, vm0, $0xb8;
	[tilespmem:$0x10200] =	vst v63  }
0x164: {  	s13 =	simm.s32 $0xDA00  }
0x165: {  	[tilespmem:s13], [sflag:$0x4] =	stream.indirect_vreg.gather [hbm4b:s7+s3], $0x80, v4, vm0, $0xb8;
	[tilespmem:$0x10200] =	vst v63  }
0x166: {  	s16 =	simm.s32 $0xE200  }
0x167: {  	[tilespmem:s16], [sflag:$0x4] =	stream.indirect_vreg.gather [hbm4b:s2+s3], $0x80, v3, vm0, $0xb8;
	[tilespmem:$0x10200] =	vst v63  }
0x168: {  	s18 =	simm.s32 $0xEA00  }
0x169: {  	[tilespmem:s18], [sflag:$0x4] =	stream.indirect_vreg.gather [hbm4b:s5+s3], $0x80, v3, vm0, $0xb8;
	[tilespmem:$0x10200] =	vst v63  }
0x16a: {  	s30 =	simm.s32 $0xF200  }
0x16b: {  	[tilespmem:s30], [sflag:$0x4] =	stream.indirect_vreg.gather [hbm4b:s6+s3], $0x80, v3, vm0, $0xb8;
	[tilespmem:$0x10200] =	vst v63  }
0x16c: {  	s30 =	simm.s32 $0xFA00  }
0x16d: {  	[tilespmem:s30], [sflag:$0x4] =	stream.indirect_vreg.gather [hbm4b:s7+s3], $0x80, v3, vm0, $0xb8;
	[tilespmem:$0x10200] =	vst v63  }
0x16e: {  	_ =	swait.ge [sflag:s20], $0x4000  }
0x16f: {  	[sflag:s20] =	ssyncset.done $0x0  }
0x170: {  	s29 =	rddreg [dreg:$0xd];
	[sflag:s20] =	ssyncadd.s32 $0xFFFFC000  }
0x171: {  	[hbm4b:s29+s3] =	stream.linear.scatter [tilespmem:s26], [sflag:$0x6], $0x4000, $0x38;
	[tilespmem:$0x10200] =	vst v63  }
0x172: {  	_ =	swait.ge [sflag:s21], $0x4000  }
0x173: {  	[sflag:s21] =	ssyncset.done $0x0  }
0x174: {  	[sflag:s21] =	ssyncadd.s32 $0xFFFFC000  }
0x175: {  	v3 =	vld [tilespmem:$0xC0];
	_ =	sdelay $0x4  }
0x176: {  	v44 =	vshll.u32 v3, $0x3  }
0x177: {  	v3 =	vand.u32 $0x7, v3;
	v4 =	vand.u32 $0xFFFFFFC0, v44  }
0x178: {  	v3 =	vor.u32 v3, v4  }
0x179: {  	v4 =	vperm.xlane v3, v0;
	_ =	sdelay $0x1  }
0x17a: {  	v4 =	vadd.s32 v1, v4;
	_ =	sdelay $0x4  }
0x17b: {  	[tilespmem:s10], [sflag:$0x1] =	stream.indirect_vreg.gather [hbm4b:s2+s3], $0x80, v4, vm0, $0xb8;
	[tilespmem:$0x10200] =	vst v63  }
0x17c: {  	s29 =	simm.s32 $0xA00;
	v3 =	vperm.xlane v3, v2  }
0x17d: {  	[tilespmem:s29], [sflag:$0x1] =	stream.indirect_vreg.gather [hbm4b:s5+s3], $0x80, v4, vm0, $0xb8;
	[tilespmem:$0x10200] =	vst v63  }
0x17e: {  	v3 =	vadd.s32 v1, v3;
	s29 =	simm.s32 $0x1200  }
0x17f: {  	[tilespmem:s29], [sflag:$0x1] =	stream.indirect_vreg.gather [hbm4b:s6+s3], $0x80, v4, vm0, $0xb8;
	[tilespmem:$0x10200] =	vst v63  }
0x180: {  	s29 =	simm.s32 $0x1A00  }
0x181: {  	[tilespmem:s29], [sflag:$0x1] =	stream.indirect_vreg.gather [hbm4b:s7+s3], $0x80, v4, vm0, $0xb8;
	[tilespmem:$0x10200] =	vst v63  }
0x182: {  	s29 =	simm.s32 $0x2200  }
0x183: {  	[tilespmem:s29], [sflag:$0x1] =	stream.indirect_vreg.gather [hbm4b:s2+s3], $0x80, v3, vm0, $0xb8;
	[tilespmem:$0x10200] =	vst v63  }
0x184: {  	s29 =	simm.s32 $0x2A00  }
0x185: {  	[tilespmem:s29], [sflag:$0x1] =	stream.indirect_vreg.gather [hbm4b:s5+s3], $0x80, v3, vm0, $0xb8;
	[tilespmem:$0x10200] =	vst v63  }
0x186: {  	s29 =	simm.s32 $0x3200  }
0x187: {  	[tilespmem:s29], [sflag:$0x1] =	stream.indirect_vreg.gather [hbm4b:s6+s3], $0x80, v3, vm0, $0xb8;
	[tilespmem:$0x10200] =	vst v63  }
0x188: {  	s29 =	simm.s32 $0x3A00  }
0x189: {  	[tilespmem:s29], [sflag:$0x1] =	stream.indirect_vreg.gather [hbm4b:s7+s3], $0x80, v3, vm0, $0xb8;
	[tilespmem:$0x10200] =	vst v63  }
0x18a: {  	_ =	swait.ge [sflag:s22], $0x4000  }
0x18b: {  	[sflag:s22] =	ssyncset.done $0x0  }
0x18c: {  	s29 =	rddreg [dreg:$0xe];
	[sflag:s22] =	ssyncadd.s32 $0xFFFFC000  }
0x18d: {  	[hbm4b:s29+s3] =	stream.linear.scatter [tilespmem:s11], [sflag:$0x7], $0x4000, $0x38;
	[tilespmem:$0x10200] =	vst v63  }
0x18e: {  	_ =	swait.ge [sflag:s23], $0x4000  }
0x18f: {  	[sflag:s23] =	ssyncset.done $0x0  }
0x190: {  	[sflag:s23] =	ssyncadd.s32 $0xFFFFC000  }
0x191: {  	v3 =	vld [tilespmem:$0xD0];
	_ =	sdelay $0x4  }
0x192: {  	v45 =	vshll.u32 v3, $0x3  }
0x193: {  	v3 =	vand.u32 $0x7, v3;
	v4 =	vand.u32 $0xFFFFFFC0, v45  }
0x194: {  	v3 =	vor.u32 v3, v4  }
0x195: {  	v4 =	vperm.xlane v3, v0;
	_ =	sdelay $0x1  }
0x196: {  	v4 =	vadd.s32 v1, v4;
	_ =	sdelay $0x4  }
0x197: {  	[tilespmem:s26], [sflag:$0x2] =	stream.indirect_vreg.gather [hbm4b:s2+s3], $0x80, v4, vm0, $0xb8;
	[tilespmem:$0x10200] =	vst v63  }
0x198: {  	s29 =	simm.s32 $0x4A00;
	v3 =	vperm.xlane v3, v2  }
0x199: {  	[tilespmem:s29], [sflag:$0x2] =	stream.indirect_vreg.gather [hbm4b:s5+s3], $0x80, v4, vm0, $0xb8;
	[tilespmem:$0x10200] =	vst v63  }
0x19a: {  	v3 =	vadd.s32 v1, v3;
	s29 =	simm.s32 $0x5200  }
0x19b: {  	[tilespmem:s29], [sflag:$0x2] =	stream.indirect_vreg.gather [hbm4b:s6+s3], $0x80, v4, vm0, $0xb8;
	[tilespmem:$0x10200] =	vst v63  }
0x19c: {  	s29 =	simm.s32 $0x5A00  }
0x19d: {  	[tilespmem:s29], [sflag:$0x2] =	stream.indirect_vreg.gather [hbm4b:s7+s3], $0x80, v4, vm0, $0xb8;
	[tilespmem:$0x10200] =	vst v63  }
0x19e: {  	s29 =	simm.s32 $0x6200  }
0x19f: {  	[tilespmem:s29], [sflag:$0x2] =	stream.indirect_vreg.gather [hbm4b:s2+s3], $0x80, v3, vm0, $0xb8;
	[tilespmem:$0x10200] =	vst v63  }
0x1a0: {  	s29 =	simm.s32 $0x6A00  }
0x1a1: {  	[tilespmem:s29], [sflag:$0x2] =	stream.indirect_vreg.gather [hbm4b:s5+s3], $0x80, v3, vm0, $0xb8;
	[tilespmem:$0x10200] =	vst v63  }
0x1a2: {  	s1 =	simm.s32 $0x7200  }
0x1a3: {  	[tilespmem:s1], [sflag:$0x2] =	stream.indirect_vreg.gather [hbm4b:s6+s3], $0x80, v3, vm0, $0xb8;
	[tilespmem:$0x10200] =	vst v63  }
0x1a4: {  	s29 =	simm.s32 $0x7A00  }
0x1a5: {  	[tilespmem:s29], [sflag:$0x2] =	stream.indirect_vreg.gather [hbm4b:s7+s3], $0x80, v3, vm0, $0xb8;
	[tilespmem:$0x10200] =	vst v63  }
0x1a6: {  	_ =	swait.ge [sflag:s24], $0x4000  }
0x1a7: {  	[sflag:s24] =	ssyncset.done $0x0  }
0x1a8: {  	s1 =	rddreg [dreg:$0xf];
	[sflag:s24] =	ssyncadd.s32 $0xFFFFC000  }
0x1a9: {  	[hbm4b:s1+s3] =	stream.linear.scatter [tilespmem:s9], [sflag:$0x8], $0x4000, $0x38;
	[tilespmem:$0x10200] =	vst v63  }
0x1aa: {  	_ =	swait.ge [sflag:s25], $0x4000  }
0x1ab: {  	[sflag:s25] =	ssyncset.done $0x0  }
0x1ac: {  	[sflag:s25] =	ssyncadd.s32 $0xFFFFC000  }
0x1ad: {  	v3 =	vld [tilespmem:$0xE0];
	_ =	sdelay $0x4  }
0x1ae: {  	v46 =	vshll.u32 v3, $0x3  }
0x1af: {  	v3 =	vand.u32 $0x7, v3;
	v4 =	vand.u32 $0xFFFFFFC0, v46  }
0x1b0: {  	v3 =	vor.u32 v3, v4  }
0x1b1: {  	v4 =	vperm.xlane v3, v0;
	_ =	sdelay $0x1  }
0x1b2: {  	v4 =	vadd.s32 v1, v4;
	_ =	sdelay $0x4  }
0x1b3: {  	[tilespmem:s11], [sflag:$0x3] =	stream.indirect_vreg.gather [hbm4b:s2+s3], $0x80, v4, vm0, $0xb8;
	[tilespmem:$0x10200] =	vst v63  }
0x1b4: {  	s29 =	simm.s32 $0x8A00;
	v3 =	vperm.xlane v3, v2  }
0x1b5: {  	[tilespmem:s29], [sflag:$0x3] =	stream.indirect_vreg.gather [hbm4b:s5+s3], $0x80, v4, vm0, $0xb8;
	[tilespmem:$0x10200] =	vst v63  }
0x1b6: {  	s8 =	simm.s32 $0x9200;
	v3 =	vadd.s32 v1, v3  }
0x1b7: {  	[tilespmem:s8], [sflag:$0x3] =	stream.indirect_vreg.gather [hbm4b:s6+s3], $0x80, v4, vm0, $0xb8;
	[tilespmem:$0x10200] =	vst v63  }
0x1b8: {  	s14 =	simm.s32 $0x9A00  }
0x1b9: {  	[tilespmem:s14], [sflag:$0x3] =	stream.indirect_vreg.gather [hbm4b:s7+s3], $0x80, v4, vm0, $0xb8;
	[tilespmem:$0x10200] =	vst v63  }
0x1ba: {  	s15 =	simm.s32 $0xA200  }
0x1bb: {  	[tilespmem:s15], [sflag:$0x3] =	stream.indirect_vreg.gather [hbm4b:s2+s3], $0x80, v3, vm0, $0xb8;
	[tilespmem:$0x10200] =	vst v63  }
0x1bc: {  	s0 =	simm.s32 $0xAA00  }
0x1bd: {  	[tilespmem:s0], [sflag:$0x3] =	stream.indirect_vreg.gather [hbm4b:s5+s3], $0x80, v3, vm0, $0xb8;
	[tilespmem:$0x10200] =	vst v63  }
0x1be: {  	s17 =	simm.s32 $0xB200  }
0x1bf: {  	[tilespmem:s17], [sflag:$0x3] =	stream.indirect_vreg.gather [hbm4b:s6+s3], $0x80, v3, vm0, $0xb8;
	[tilespmem:$0x10200] =	vst v63  }
0x1c0: {  	s29 =	simm.s32 $0xBA00  }
0x1c1: {  	[tilespmem:s29], [sflag:$0x3] =	stream.indirect_vreg.gather [hbm4b:s7+s3], $0x80, v3, vm0, $0xb8;
	[tilespmem:$0x10200] =	vst v63  }
0x1c2: {  	_ =	swait.ge [sflag:s4], $0x4000  }
0x1c3: {  	[sflag:s4] =	ssyncset.done $0x0  }
0x1c4: {  	s17 =	rddreg [dreg:$0x10];
	[sflag:s4] =	ssyncadd.s32 $0xFFFFC000  }
0x1c5: {  	[hbm4b:s17+s3] =	stream.linear.scatter [tilespmem:s10], [sflag:$0x5], $0x4000, $0x38;
	[tilespmem:$0x10200] =	vst v63  }
0x1c6: {  	_ =	swait.ge [sflag:s28], $0x4000  }
0x1c7: {  	[sflag:s28] =	ssyncset.done $0x0  }
0x1c8: {  	[sflag:s28] =	ssyncadd.s32 $0xFFFFC000  }
0x1c9: {  	v3 =	vld [tilespmem:$0xF0];
	_ =	sdelay $0x4  }
0x1ca: {  	v47 =	vshll.u32 v3, $0x3  }
0x1cb: {  	v3 =	vand.u32 $0x7, v3;
	v4 =	vand.u32 $0xFFFFFFC0, v47  }
0x1cc: {  	v3 =	vor.u32 v3, v4  }
0x1cd: {  	v4 =	vperm.xlane v3, v0;
	_ =	sdelay $0x1  }
0x1ce: {  	v4 =	vadd.s32 v1, v4;
	_ =	sdelay $0x4  }
0x1cf: {  	[tilespmem:s9], [sflag:$0x4] =	stream.indirect_vreg.gather [hbm4b:s2+s3], $0x80, v4, vm0, $0xb8;
	[tilespmem:$0x10200] =	vst v63  }
0x1d0: {  	s31 =	simm.s32 $0xCA00;
	v3 =	vperm.xlane v3, v2  }
0x1d1: {  	[tilespmem:s31], [sflag:$0x4] =	stream.indirect_vreg.gather [hbm4b:s5+s3], $0x80, v4, vm0, $0xb8;
	[tilespmem:$0x10200] =	vst v63  }
0x1d2: {  	s19 =	simm.s32 $0xD200;
	v3 =	vadd.s32 v1, v3  }
0x1d3: {  	[tilespmem:s19], [sflag:$0x4] =	stream.indirect_vreg.gather [hbm4b:s6+s3], $0x80, v4, vm0, $0xb8;
	[tilespmem:$0x10200] =	vst v63  }
0x1d4: {  	s12 =	simm.s32 $0xDA00  }
0x1d5: {  	[tilespmem:s12], [sflag:$0x4] =	stream.indirect_vreg.gather [hbm4b:s7+s3], $0x80, v4, vm0, $0xb8;
	[tilespmem:$0x10200] =	vst v63  }
0x1d6: {  	s13 =	simm.s32 $0xE200  }
0x1d7: {  	[tilespmem:s13], [sflag:$0x4] =	stream.indirect_vreg.gather [hbm4b:s2+s3], $0x80, v3, vm0, $0xb8;
	[tilespmem:$0x10200] =	vst v63  }
0x1d8: {  	s16 =	simm.s32 $0xEA00  }
0x1d9: {  	[tilespmem:s16], [sflag:$0x4] =	stream.indirect_vreg.gather [hbm4b:s5+s3], $0x80, v3, vm0, $0xb8;
	[tilespmem:$0x10200] =	vst v63  }
0x1da: {  	s18 =	simm.s32 $0xF200  }
0x1db: {  	[tilespmem:s18], [sflag:$0x4] =	stream.indirect_vreg.gather [hbm4b:s6+s3], $0x80, v3, vm0, $0xb8;
	[tilespmem:$0x10200] =	vst v63  }
0x1dc: {  	s30 =	simm.s32 $0xFA00  }
0x1dd: {  	[tilespmem:s30], [sflag:$0x4] =	stream.indirect_vreg.gather [hbm4b:s7+s3], $0x80, v3, vm0, $0xb8;
	[tilespmem:$0x10200] =	vst v63  }
0x1de: {  	_ =	swait.ge [sflag:s20], $0x4000  }
0x1df: {  	[sflag:s20] =	ssyncset.done $0x0  }
0x1e0: {  	s30 =	rddreg [dreg:$0x11];
	[sflag:s20] =	ssyncadd.s32 $0xFFFFC000  }
0x1e1: {  	[hbm4b:s30+s3] =	stream.linear.scatter [tilespmem:s26], [sflag:$0x6], $0x4000, $0x38;
	[tilespmem:$0x10200] =	vst v63  }
0x1e2: {  	_ =	swait.ge [sflag:s21], $0x4000  }
0x1e3: {  	[sflag:s21] =	ssyncset.done $0x0  }
0x1e4: {  	[sflag:s21] =	ssyncadd.s32 $0xFFFFC000  }
0x1e5: {  	v3 =	vld [tilespmem:$0x100];
	_ =	sdelay $0x4  }
0x1e6: {  	v48 =	vshll.u32 v3, $0x3  }
0x1e7: {  	v3 =	vand.u32 $0x7, v3;
	v4 =	vand.u32 $0xFFFFFFC0, v48  }
0x1e8: {  	v3 =	vor.u32 v3, v4  }
0x1e9: {  	v4 =	vperm.xlane v3, v0;
	_ =	sdelay $0x1  }
0x1ea: {  	v4 =	vadd.s32 v1, v4;
	_ =	sdelay $0x4  }
0x1eb: {  	[tilespmem:s10], [sflag:$0x1] =	stream.indirect_vreg.gather [hbm4b:s2+s3], $0x80, v4, vm0, $0xb8;
	[tilespmem:$0x10200] =	vst v63  }
0x1ec: {  	s30 =	simm.s32 $0xA00;
	v3 =	vperm.xlane v3, v2  }
0x1ed: {  	[tilespmem:s30], [sflag:$0x1] =	stream.indirect_vreg.gather [hbm4b:s5+s3], $0x80, v4, vm0, $0xb8;
	[tilespmem:$0x10200] =	vst v63  }
0x1ee: {  	v3 =	vadd.s32 v1, v3;
	s30 =	simm.s32 $0x1200  }
0x1ef: {  	[tilespmem:s30], [sflag:$0x1] =	stream.indirect_vreg.gather [hbm4b:s6+s3], $0x80, v4, vm0, $0xb8;
	[tilespmem:$0x10200] =	vst v63  }
0x1f0: {  	s30 =	simm.s32 $0x1A00  }
0x1f1: {  	[tilespmem:s30], [sflag:$0x1] =	stream.indirect_vreg.gather [hbm4b:s7+s3], $0x80, v4, vm0, $0xb8;
	[tilespmem:$0x10200] =	vst v63  }
0x1f2: {  	s30 =	simm.s32 $0x2200  }
0x1f3: {  	[tilespmem:s30], [sflag:$0x1] =	stream.indirect_vreg.gather [hbm4b:s2+s3], $0x80, v3, vm0, $0xb8;
	[tilespmem:$0x10200] =	vst v63  }
0x1f4: {  	s30 =	simm.s32 $0x2A00  }
0x1f5: {  	[tilespmem:s30], [sflag:$0x1] =	stream.indirect_vreg.gather [hbm4b:s5+s3], $0x80, v3, vm0, $0xb8;
	[tilespmem:$0x10200] =	vst v63  }
0x1f6: {  	s30 =	simm.s32 $0x3200  }
0x1f7: {  	[tilespmem:s30], [sflag:$0x1] =	stream.indirect_vreg.gather [hbm4b:s6+s3], $0x80, v3, vm0, $0xb8;
	[tilespmem:$0x10200] =	vst v63  }
0x1f8: {  	s30 =	simm.s32 $0x3A00  }
0x1f9: {  	[tilespmem:s30], [sflag:$0x1] =	stream.indirect_vreg.gather [hbm4b:s7+s3], $0x80, v3, vm0, $0xb8;
	[tilespmem:$0x10200] =	vst v63  }
0x1fa: {  	_ =	swait.ge [sflag:s22], $0x4000  }
0x1fb: {  	[sflag:s22] =	ssyncset.done $0x0  }
0x1fc: {  	s30 =	rddreg [dreg:$0x12];
	[sflag:s22] =	ssyncadd.s32 $0xFFFFC000  }
0x1fd: {  	[hbm4b:s30+s3] =	stream.linear.scatter [tilespmem:s11], [sflag:$0x7], $0x4000, $0x38;
	[tilespmem:$0x10200] =	vst v63  }
0x1fe: {  	_ =	swait.ge [sflag:s23], $0x4000  }
0x1ff: {  	[sflag:s23] =	ssyncset.done $0x0  }
0x200: {  	[sflag:s23] =	ssyncadd.s32 $0xFFFFC000  }
0x201: {  	v3 =	vld [tilespmem:$0x110];
	_ =	sdelay $0x4  }
0x202: {  	v49 =	vshll.u32 v3, $0x3  }
0x203: {  	v3 =	vand.u32 $0x7, v3;
	v4 =	vand.u32 $0xFFFFFFC0, v49  }
0x204: {  	v3 =	vor.u32 v3, v4  }
0x205: {  	v4 =	vperm.xlane v3, v0;
	_ =	sdelay $0x1  }
0x206: {  	v4 =	vadd.s32 v1, v4;
	_ =	sdelay $0x4  }
0x207: {  	[tilespmem:s26], [sflag:$0x2] =	stream.indirect_vreg.gather [hbm4b:s2+s3], $0x80, v4, vm0, $0xb8;
	[tilespmem:$0x10200] =	vst v63  }
0x208: {  	s30 =	simm.s32 $0x4A00;
	v3 =	vperm.xlane v3, v2  }
0x209: {  	[tilespmem:s30], [sflag:$0x2] =	stream.indirect_vreg.gather [hbm4b:s5+s3], $0x80, v4, vm0, $0xb8;
	[tilespmem:$0x10200] =	vst v63  }
0x20a: {  	s29 =	simm.s32 $0x5200;
	v3 =	vadd.s32 v1, v3  }
0x20b: {  	[tilespmem:s29], [sflag:$0x2] =	stream.indirect_vreg.gather [hbm4b:s6+s3], $0x80, v4, vm0, $0xb8;
	[tilespmem:$0x10200] =	vst v63  }
0x20c: {  	s29 =	simm.s32 $0x5A00  }
0x20d: {  	[tilespmem:s29], [sflag:$0x2] =	stream.indirect_vreg.gather [hbm4b:s7+s3], $0x80, v4, vm0, $0xb8;
	[tilespmem:$0x10200] =	vst v63  }
0x20e: {  	s29 =	simm.s32 $0x6200  }
0x20f: {  	[tilespmem:s29], [sflag:$0x2] =	stream.indirect_vreg.gather [hbm4b:s2+s3], $0x80, v3, vm0, $0xb8;
	[tilespmem:$0x10200] =	vst v63  }
0x210: {  	s29 =	simm.s32 $0x6A00  }
0x211: {  	[tilespmem:s29], [sflag:$0x2] =	stream.indirect_vreg.gather [hbm4b:s5+s3], $0x80, v3, vm0, $0xb8;
	[tilespmem:$0x10200] =	vst v63  }
0x212: {  	s29 =	simm.s32 $0x7200  }
0x213: {  	[tilespmem:s29], [sflag:$0x2] =	stream.indirect_vreg.gather [hbm4b:s6+s3], $0x80, v3, vm0, $0xb8;
	[tilespmem:$0x10200] =	vst v63  }
0x214: {  	s29 =	simm.s32 $0x7A00  }
0x215: {  	[tilespmem:s29], [sflag:$0x2] =	stream.indirect_vreg.gather [hbm4b:s7+s3], $0x80, v3, vm0, $0xb8;
	[tilespmem:$0x10200] =	vst v63  }
0x216: {  	_ =	swait.ge [sflag:s24], $0x4000  }
0x217: {  	[sflag:s24] =	ssyncset.done $0x0  }
0x218: {  	s29 =	rddreg [dreg:$0x13];
	[sflag:s24] =	ssyncadd.s32 $0xFFFFC000  }
0x219: {  	[hbm4b:s29+s3] =	stream.linear.scatter [tilespmem:s9], [sflag:$0x8], $0x4000, $0x38;
	[tilespmem:$0x10200] =	vst v63  }
0x21a: {  	_ =	swait.ge [sflag:s25], $0x4000  }
0x21b: {  	[sflag:s25] =	ssyncset.done $0x0  }
0x21c: {  	[sflag:s25] =	ssyncadd.s32 $0xFFFFC000  }
0x21d: {  	v3 =	vld [tilespmem:$0x120];
	_ =	sdelay $0x4  }
0x21e: {  	v50 =	vshll.u32 v3, $0x3  }
0x21f: {  	v3 =	vand.u32 $0x7, v3;
	v4 =	vand.u32 $0xFFFFFFC0, v50  }
0x220: {  	v3 =	vor.u32 v3, v4  }
0x221: {  	v4 =	vperm.xlane v3, v0;
	_ =	sdelay $0x1  }
0x222: {  	v4 =	vadd.s32 v1, v4;
	_ =	sdelay $0x4  }
0x223: {  	[tilespmem:s11], [sflag:$0x3] =	stream.indirect_vreg.gather [hbm4b:s2+s3], $0x80, v4, vm0, $0xb8;
	[tilespmem:$0x10200] =	vst v63  }
0x224: {  	s29 =	simm.s32 $0x8A00;
	v3 =	vperm.xlane v3, v2  }
0x225: {  	[tilespmem:s29], [sflag:$0x3] =	stream.indirect_vreg.gather [hbm4b:s5+s3], $0x80, v4, vm0, $0xb8;
	[tilespmem:$0x10200] =	vst v63  }
0x226: {  	s1 =	simm.s32 $0x9200;
	v3 =	vadd.s32 v1, v3  }
0x227: {  	[tilespmem:s1], [sflag:$0x3] =	stream.indirect_vreg.gather [hbm4b:s6+s3], $0x80, v4, vm0, $0xb8;
	[tilespmem:$0x10200] =	vst v63  }
0x228: {  	s8 =	simm.s32 $0x9A00  }
0x229: {  	[tilespmem:s8], [sflag:$0x3] =	stream.indirect_vreg.gather [hbm4b:s7+s3], $0x80, v4, vm0, $0xb8;
	[tilespmem:$0x10200] =	vst v63  }
0x22a: {  	s15 =	simm.s32 $0xA200  }
0x22b: {  	[tilespmem:s15], [sflag:$0x3] =	stream.indirect_vreg.gather [hbm4b:s2+s3], $0x80, v3, vm0, $0xb8;
	[tilespmem:$0x10200] =	vst v63  }
0x22c: {  	s0 =	simm.s32 $0xAA00  }
0x22d: {  	[tilespmem:s0], [sflag:$0x3] =	stream.indirect_vreg.gather [hbm4b:s5+s3], $0x80, v3, vm0, $0xb8;
	[tilespmem:$0x10200] =	vst v63  }
0x22e: {  	s14 =	simm.s32 $0xB200  }
0x22f: {  	[tilespmem:s14], [sflag:$0x3] =	stream.indirect_vreg.gather [hbm4b:s6+s3], $0x80, v3, vm0, $0xb8;
	[tilespmem:$0x10200] =	vst v63  }
0x230: {  	s29 =	simm.s32 $0xBA00  }
0x231: {  	[tilespmem:s29], [sflag:$0x3] =	stream.indirect_vreg.gather [hbm4b:s7+s3], $0x80, v3, vm0, $0xb8;
	[tilespmem:$0x10200] =	vst v63  }
0x232: {  	_ =	swait.ge [sflag:s4], $0x4000  }
0x233: {  	[sflag:s4] =	ssyncset.done $0x0  }
0x234: {  	s29 =	rddreg [dreg:$0x14];
	[sflag:s4] =	ssyncadd.s32 $0xFFFFC000  }
0x235: {  	[hbm4b:s29+s3] =	stream.linear.scatter [tilespmem:s10], [sflag:$0x5], $0x4000, $0x38;
	[tilespmem:$0x10200] =	vst v63  }
0x236: {  	_ =	swait.ge [sflag:s28], $0x4000  }
0x237: {  	[sflag:s28] =	ssyncset.done $0x0  }
0x238: {  	[sflag:s28] =	ssyncadd.s32 $0xFFFFC000  }
0x239: {  	v3 =	vld [tilespmem:$0x130];
	_ =	sdelay $0x4  }
0x23a: {  	v51 =	vshll.u32 v3, $0x3  }
0x23b: {  	v3 =	vand.u32 $0x7, v3;
	v4 =	vand.u32 $0xFFFFFFC0, v51  }
0x23c: {  	v3 =	vor.u32 v3, v4  }
0x23d: {  	v4 =	vperm.xlane v3, v0;
	_ =	sdelay $0x1  }
0x23e: {  	v4 =	vadd.s32 v1, v4;
	_ =	sdelay $0x4  }
0x23f: {  	[tilespmem:s9], [sflag:$0x4] =	stream.indirect_vreg.gather [hbm4b:s2+s3], $0x80, v4, vm0, $0xb8;
	[tilespmem:$0x10200] =	vst v63  }
0x240: {  	s31 =	simm.s32 $0xCA00;
	v3 =	vperm.xlane v3, v2  }
0x241: {  	[tilespmem:s31], [sflag:$0x4] =	stream.indirect_vreg.gather [hbm4b:s5+s3], $0x80, v4, vm0, $0xb8;
	[tilespmem:$0x10200] =	vst v63  }
0x242: {  	s17 =	simm.s32 $0xD200;
	v3 =	vadd.s32 v1, v3  }
0x243: {  	[tilespmem:s17], [sflag:$0x4] =	stream.indirect_vreg.gather [hbm4b:s6+s3], $0x80, v4, vm0, $0xb8;
	[tilespmem:$0x10200] =	vst v63  }
0x244: {  	s12 =	simm.s32 $0xDA00  }
0x245: {  	[tilespmem:s12], [sflag:$0x4] =	stream.indirect_vreg.gather [hbm4b:s7+s3], $0x80, v4, vm0, $0xb8;
	[tilespmem:$0x10200] =	vst v63  }
0x246: {  	s13 =	simm.s32 $0xE200  }
0x247: {  	[tilespmem:s13], [sflag:$0x4] =	stream.indirect_vreg.gather [hbm4b:s2+s3], $0x80, v3, vm0, $0xb8;
	[tilespmem:$0x10200] =	vst v63  }
0x248: {  	s16 =	simm.s32 $0xEA00  }
0x249: {  	[tilespmem:s16], [sflag:$0x4] =	stream.indirect_vreg.gather [hbm4b:s5+s3], $0x80, v3, vm0, $0xb8;
	[tilespmem:$0x10200] =	vst v63  }
0x24a: {  	s18 =	simm.s32 $0xF200  }
0x24b: {  	[tilespmem:s18], [sflag:$0x4] =	stream.indirect_vreg.gather [hbm4b:s6+s3], $0x80, v3, vm0, $0xb8;
	[tilespmem:$0x10200] =	vst v63  }
0x24c: {  	s19 =	simm.s32 $0xFA00  }
0x24d: {  	[tilespmem:s19], [sflag:$0x4] =	stream.indirect_vreg.gather [hbm4b:s7+s3], $0x80, v3, vm0, $0xb8;
	[tilespmem:$0x10200] =	vst v63  }
0x24e: {  	_ =	swait.ge [sflag:s20], $0x4000  }
0x24f: {  	[sflag:s20] =	ssyncset.done $0x0  }
0x250: {  	s29 =	rddreg [dreg:$0x15];
	[sflag:s20] =	ssyncadd.s32 $0xFFFFC000  }
0x251: {  	[hbm4b:s29+s3] =	stream.linear.scatter [tilespmem:s26], [sflag:$0x6], $0x4000, $0x38;
	[tilespmem:$0x10200] =	vst v63  }
0x252: {  	_ =	swait.ge [sflag:s21], $0x4000  }
0x253: {  	[sflag:s21] =	ssyncset.done $0x0  }
0x254: {  	[sflag:s21] =	ssyncadd.s32 $0xFFFFC000  }
0x255: {  	v3 =	vld [tilespmem:$0x140];
	_ =	sdelay $0x4  }
0x256: {  	v52 =	vshll.u32 v3, $0x3  }
0x257: {  	v3 =	vand.u32 $0x7, v3;
	v4 =	vand.u32 $0xFFFFFFC0, v52  }
0x258: {  	v3 =	vor.u32 v3, v4  }
0x259: {  	v4 =	vperm.xlane v3, v0;
	_ =	sdelay $0x1  }
0x25a: {  	v4 =	vadd.s32 v1, v4;
	_ =	sdelay $0x4  }
0x25b: {  	[tilespmem:s10], [sflag:$0x1] =	stream.indirect_vreg.gather [hbm4b:s2+s3], $0x80, v4, vm0, $0xb8;
	[tilespmem:$0x10200] =	vst v63  }
0x25c: {  	s29 =	simm.s32 $0xA00;
	v3 =	vperm.xlane v3, v2  }
0x25d: {  	[tilespmem:s29], [sflag:$0x1] =	stream.indirect_vreg.gather [hbm4b:s5+s3], $0x80, v4, vm0, $0xb8;
	[tilespmem:$0x10200] =	vst v63  }
0x25e: {  	v3 =	vadd.s32 v1, v3;
	s29 =	simm.s32 $0x1200  }
0x25f: {  	[tilespmem:s29], [sflag:$0x1] =	stream.indirect_vreg.gather [hbm4b:s6+s3], $0x80, v4, vm0, $0xb8;
	[tilespmem:$0x10200] =	vst v63  }
0x260: {  	s29 =	simm.s32 $0x1A00  }
0x261: {  	[tilespmem:s29], [sflag:$0x1] =	stream.indirect_vreg.gather [hbm4b:s7+s3], $0x80, v4, vm0, $0xb8;
	[tilespmem:$0x10200] =	vst v63  }
0x262: {  	s29 =	simm.s32 $0x2200  }
0x263: {  	[tilespmem:s29], [sflag:$0x1] =	stream.indirect_vreg.gather [hbm4b:s2+s3], $0x80, v3, vm0, $0xb8;
	[tilespmem:$0x10200] =	vst v63  }
0x264: {  	s29 =	simm.s32 $0x2A00  }
0x265: {  	[tilespmem:s29], [sflag:$0x1] =	stream.indirect_vreg.gather [hbm4b:s5+s3], $0x80, v3, vm0, $0xb8;
	[tilespmem:$0x10200] =	vst v63  }
0x266: {  	s29 =	simm.s32 $0x3200  }
0x267: {  	[tilespmem:s29], [sflag:$0x1] =	stream.indirect_vreg.gather [hbm4b:s6+s3], $0x80, v3, vm0, $0xb8;
	[tilespmem:$0x10200] =	vst v63  }
0x268: {  	s29 =	simm.s32 $0x3A00  }
0x269: {  	[tilespmem:s29], [sflag:$0x1] =	stream.indirect_vreg.gather [hbm4b:s7+s3], $0x80, v3, vm0, $0xb8;
	[tilespmem:$0x10200] =	vst v63  }
0x26a: {  	_ =	swait.ge [sflag:s22], $0x4000  }
0x26b: {  	[sflag:s22] =	ssyncset.done $0x0  }
0x26c: {  	s29 =	rddreg [dreg:$0x16];
	[sflag:s22] =	ssyncadd.s32 $0xFFFFC000  }
0x26d: {  	[hbm4b:s29+s3] =	stream.linear.scatter [tilespmem:s11], [sflag:$0x7], $0x4000, $0x38;
	[tilespmem:$0x10200] =	vst v63  }
0x26e: {  	_ =	swait.ge [sflag:s23], $0x4000  }
0x26f: {  	[sflag:s23] =	ssyncset.done $0x0  }
0x270: {  	[sflag:s23] =	ssyncadd.s32 $0xFFFFC000  }
0x271: {  	v3 =	vld [tilespmem:$0x150];
	_ =	sdelay $0x4  }
0x272: {  	v53 =	vshll.u32 v3, $0x3  }
0x273: {  	v3 =	vand.u32 $0x7, v3;
	v4 =	vand.u32 $0xFFFFFFC0, v53  }
0x274: {  	v3 =	vor.u32 v3, v4  }
0x275: {  	v4 =	vperm.xlane v3, v0;
	_ =	sdelay $0x1  }
0x276: {  	v4 =	vadd.s32 v1, v4;
	_ =	sdelay $0x4  }
0x277: {  	[tilespmem:s26], [sflag:$0x2] =	stream.indirect_vreg.gather [hbm4b:s2+s3], $0x80, v4, vm0, $0xb8;
	[tilespmem:$0x10200] =	vst v63  }
0x278: {  	s30 =	simm.s32 $0x4A00;
	v3 =	vperm.xlane v3, v2  }
0x279: {  	[tilespmem:s30], [sflag:$0x2] =	stream.indirect_vreg.gather [hbm4b:s5+s3], $0x80, v4, vm0, $0xb8;
	[tilespmem:$0x10200] =	vst v63  }
0x27a: {  	s29 =	simm.s32 $0x5200;
	v3 =	vadd.s32 v1, v3  }
0x27b: {  	[tilespmem:s29], [sflag:$0x2] =	stream.indirect_vreg.gather [hbm4b:s6+s3], $0x80, v4, vm0, $0xb8;
	[tilespmem:$0x10200] =	vst v63  }
0x27c: {  	s29 =	simm.s32 $0x5A00  }
0x27d: {  	[tilespmem:s29], [sflag:$0x2] =	stream.indirect_vreg.gather [hbm4b:s7+s3], $0x80, v4, vm0, $0xb8;
	[tilespmem:$0x10200] =	vst v63  }
0x27e: {  	s29 =	simm.s32 $0x6200  }
0x27f: {  	[tilespmem:s29], [sflag:$0x2] =	stream.indirect_vreg.gather [hbm4b:s2+s3], $0x80, v3, vm0, $0xb8;
	[tilespmem:$0x10200] =	vst v63  }
0x280: {  	s29 =	simm.s32 $0x6A00  }
0x281: {  	[tilespmem:s29], [sflag:$0x2] =	stream.indirect_vreg.gather [hbm4b:s5+s3], $0x80, v3, vm0, $0xb8;
	[tilespmem:$0x10200] =	vst v63  }
0x282: {  	s29 =	simm.s32 $0x7200  }
0x283: {  	[tilespmem:s29], [sflag:$0x2] =	stream.indirect_vreg.gather [hbm4b:s6+s3], $0x80, v3, vm0, $0xb8;
	[tilespmem:$0x10200] =	vst v63  }
0x284: {  	s29 =	simm.s32 $0x7A00  }
0x285: {  	[tilespmem:s29], [sflag:$0x2] =	stream.indirect_vreg.gather [hbm4b:s7+s3], $0x80, v3, vm0, $0xb8;
	[tilespmem:$0x10200] =	vst v63  }
0x286: {  	_ =	swait.ge [sflag:s24], $0x4000  }
0x287: {  	[sflag:s24] =	ssyncset.done $0x0  }
0x288: {  	s29 =	rddreg [dreg:$0x17];
	[sflag:s24] =	ssyncadd.s32 $0xFFFFC000  }
0x289: {  	[hbm4b:s29+s3] =	stream.linear.scatter [tilespmem:s9], [sflag:$0x8], $0x4000, $0x38;
	[tilespmem:$0x10200] =	vst v63  }
0x28a: {  	_ =	swait.ge [sflag:s25], $0x4000  }
0x28b: {  	[sflag:s25] =	ssyncset.done $0x0  }
0x28c: {  	[sflag:s25] =	ssyncadd.s32 $0xFFFFC000  }
0x28d: {  	v3 =	vld [tilespmem:$0x160];
	_ =	sdelay $0x4  }
0x28e: {  	v54 =	vshll.u32 v3, $0x3  }
0x28f: {  	v3 =	vand.u32 $0x7, v3;
	v4 =	vand.u32 $0xFFFFFFC0, v54  }
0x290: {  	v3 =	vor.u32 v3, v4  }
0x291: {  	v4 =	vperm.xlane v3, v0;
	_ =	sdelay $0x1  }
0x292: {  	v4 =	vadd.s32 v1, v4;
	_ =	sdelay $0x4  }
0x293: {  	[tilespmem:s11], [sflag:$0x3] =	stream.indirect_vreg.gather [hbm4b:s2+s3], $0x80, v4, vm0, $0xb8;
	[tilespmem:$0x10200] =	vst v63  }
0x294: {  	s29 =	simm.s32 $0x8A00;
	v3 =	vperm.xlane v3, v2  }
0x295: {  	[tilespmem:s29], [sflag:$0x3] =	stream.indirect_vreg.gather [hbm4b:s5+s3], $0x80, v4, vm0, $0xb8;
	[tilespmem:$0x10200] =	vst v63  }
0x296: {  	s1 =	simm.s32 $0x9200;
	v3 =	vadd.s32 v1, v3  }
0x297: {  	[tilespmem:s1], [sflag:$0x3] =	stream.indirect_vreg.gather [hbm4b:s6+s3], $0x80, v4, vm0, $0xb8;
	[tilespmem:$0x10200] =	vst v63  }
0x298: {  	s8 =	simm.s32 $0x9A00  }
0x299: {  	[tilespmem:s8], [sflag:$0x3] =	stream.indirect_vreg.gather [hbm4b:s7+s3], $0x80, v4, vm0, $0xb8;
	[tilespmem:$0x10200] =	vst v63  }
0x29a: {  	s15 =	simm.s32 $0xA200  }
0x29b: {  	[tilespmem:s15], [sflag:$0x3] =	stream.indirect_vreg.gather [hbm4b:s2+s3], $0x80, v3, vm0, $0xb8;
	[tilespmem:$0x10200] =	vst v63  }
0x29c: {  	s0 =	simm.s32 $0xAA00  }
0x29d: {  	[tilespmem:s0], [sflag:$0x3] =	stream.indirect_vreg.gather [hbm4b:s5+s3], $0x80, v3, vm0, $0xb8;
	[tilespmem:$0x10200] =	vst v63  }
0x29e: {  	s14 =	simm.s32 $0xB200  }
0x29f: {  	[tilespmem:s14], [sflag:$0x3] =	stream.indirect_vreg.gather [hbm4b:s6+s3], $0x80, v3, vm0, $0xb8;
	[tilespmem:$0x10200] =	vst v63  }
0x2a0: {  	s29 =	simm.s32 $0xBA00  }
0x2a1: {  	[tilespmem:s29], [sflag:$0x3] =	stream.indirect_vreg.gather [hbm4b:s7+s3], $0x80, v3, vm0, $0xb8;
	[tilespmem:$0x10200] =	vst v63  }
0x2a2: {  	_ =	swait.ge [sflag:s4], $0x4000  }
0x2a3: {  	[sflag:s4] =	ssyncset.done $0x0  }
0x2a4: {  	s15 =	rddreg [dreg:$0x18];
	[sflag:s4] =	ssyncadd.s32 $0xFFFFC000  }
0x2a5: {  	[hbm4b:s15+s3] =	stream.linear.scatter [tilespmem:s10], [sflag:$0x5], $0x4000, $0x38;
	[tilespmem:$0x10200] =	vst v63  }
0x2a6: {  	_ =	swait.ge [sflag:s28], $0x4000  }
0x2a7: {  	[sflag:s28] =	ssyncset.done $0x0  }
0x2a8: {  	[sflag:s28] =	ssyncadd.s32 $0xFFFFC000  }
0x2a9: {  	v3 =	vld [tilespmem:$0x170];
	_ =	sdelay $0x4  }
0x2aa: {  	v55 =	vshll.u32 v3, $0x3  }
0x2ab: {  	v3 =	vand.u32 $0x7, v3;
	v4 =	vand.u32 $0xFFFFFFC0, v55  }
0x2ac: {  	v3 =	vor.u32 v3, v4  }
0x2ad: {  	v4 =	vperm.xlane v3, v0;
	_ =	sdelay $0x1  }
0x2ae: {  	v4 =	vadd.s32 v1, v4;
	_ =	sdelay $0x4  }
0x2af: {  	[tilespmem:s9], [sflag:$0x4] =	stream.indirect_vreg.gather [hbm4b:s2+s3], $0x80, v4, vm0, $0xb8;
	[tilespmem:$0x10200] =	vst v63  }
0x2b0: {  	s31 =	simm.s32 $0xCA00;
	v3 =	vperm.xlane v3, v2  }
0x2b1: {  	[tilespmem:s31], [sflag:$0x4] =	stream.indirect_vreg.gather [hbm4b:s5+s3], $0x80, v4, vm0, $0xb8;
	[tilespmem:$0x10200] =	vst v63  }
0x2b2: {  	s17 =	simm.s32 $0xD200;
	v3 =	vadd.s32 v1, v3  }
0x2b3: {  	[tilespmem:s17], [sflag:$0x4] =	stream.indirect_vreg.gather [hbm4b:s6+s3], $0x80, v4, vm0, $0xb8;
	[tilespmem:$0x10200] =	vst v63  }
0x2b4: {  	s12 =	simm.s32 $0xDA00  }
0x2b5: {  	[tilespmem:s12], [sflag:$0x4] =	stream.indirect_vreg.gather [hbm4b:s7+s3], $0x80, v4, vm0, $0xb8;
	[tilespmem:$0x10200] =	vst v63  }
0x2b6: {  	s13 =	simm.s32 $0xE200  }
0x2b7: {  	[tilespmem:s13], [sflag:$0x4] =	stream.indirect_vreg.gather [hbm4b:s2+s3], $0x80, v3, vm0, $0xb8;
	[tilespmem:$0x10200] =	vst v63  }
0x2b8: {  	s16 =	simm.s32 $0xEA00  }
0x2b9: {  	[tilespmem:s16], [sflag:$0x4] =	stream.indirect_vreg.gather [hbm4b:s5+s3], $0x80, v3, vm0, $0xb8;
	[tilespmem:$0x10200] =	vst v63  }
0x2ba: {  	s18 =	simm.s32 $0xF200  }
0x2bb: {  	[tilespmem:s18], [sflag:$0x4] =	stream.indirect_vreg.gather [hbm4b:s6+s3], $0x80, v3, vm0, $0xb8;
	[tilespmem:$0x10200] =	vst v63  }
0x2bc: {  	s19 =	simm.s32 $0xFA00  }
0x2bd: {  	[tilespmem:s19], [sflag:$0x4] =	stream.indirect_vreg.gather [hbm4b:s7+s3], $0x80, v3, vm0, $0xb8;
	[tilespmem:$0x10200] =	vst v63  }
0x2be: {  	_ =	swait.ge [sflag:s20], $0x4000  }
0x2bf: {  	[sflag:s20] =	ssyncset.done $0x0  }
0x2c0: {  	s0 =	rddreg [dreg:$0x19];
	[sflag:s20] =	ssyncadd.s32 $0xFFFFC000  }
0x2c1: {  	[hbm4b:s0+s3] =	stream.linear.scatter [tilespmem:s26], [sflag:$0x6], $0x4000, $0x38;
	[tilespmem:$0x10200] =	vst v63  }
0x2c2: {  	_ =	swait.ge [sflag:s21], $0x4000  }
0x2c3: {  	[sflag:s21] =	ssyncset.done $0x0  }
0x2c4: {  	[sflag:s21] =	ssyncadd.s32 $0xFFFFC000  }
0x2c5: {  	v3 =	vld [tilespmem:$0x180];
	_ =	sdelay $0x4  }
0x2c6: {  	v56 =	vshll.u32 v3, $0x3  }
0x2c7: {  	v3 =	vand.u32 $0x7, v3;
	v4 =	vand.u32 $0xFFFFFFC0, v56  }
0x2c8: {  	v3 =	vor.u32 v3, v4  }
0x2c9: {  	v4 =	vperm.xlane v3, v0;
	_ =	sdelay $0x1  }
0x2ca: {  	v4 =	vadd.s32 v1, v4;
	_ =	sdelay $0x4  }
0x2cb: {  	[tilespmem:s10], [sflag:$0x1] =	stream.indirect_vreg.gather [hbm4b:s2+s3], $0x80, v4, vm0, $0xb8;
	[tilespmem:$0x10200] =	vst v63  }
0x2cc: {  	s12 =	simm.s32 $0xA00;
	v3 =	vperm.xlane v3, v2  }
0x2cd: {  	[tilespmem:s12], [sflag:$0x1] =	stream.indirect_vreg.gather [hbm4b:s5+s3], $0x80, v4, vm0, $0xb8;
	[tilespmem:$0x10200] =	vst v63  }
0x2ce: {  	s13 =	simm.s32 $0x1200;
	v3 =	vadd.s32 v1, v3  }
0x2cf: {  	[tilespmem:s13], [sflag:$0x1] =	stream.indirect_vreg.gather [hbm4b:s6+s3], $0x80, v4, vm0, $0xb8;
	[tilespmem:$0x10200] =	vst v63  }
0x2d0: {  	s16 =	simm.s32 $0x1A00  }
0x2d1: {  	[tilespmem:s16], [sflag:$0x1] =	stream.indirect_vreg.gather [hbm4b:s7+s3], $0x80, v4, vm0, $0xb8;
	[tilespmem:$0x10200] =	vst v63  }
0x2d2: {  	s19 =	simm.s32 $0x2200  }
0x2d3: {  	[tilespmem:s19], [sflag:$0x1] =	stream.indirect_vreg.gather [hbm4b:s2+s3], $0x80, v3, vm0, $0xb8;
	[tilespmem:$0x10200] =	vst v63  }
0x2d4: {  	s29 =	simm.s32 $0x2A00  }
0x2d5: {  	[tilespmem:s29], [sflag:$0x1] =	stream.indirect_vreg.gather [hbm4b:s5+s3], $0x80, v3, vm0, $0xb8;
	[tilespmem:$0x10200] =	vst v63  }
0x2d6: {  	s31 =	simm.s32 $0x3200  }
0x2d7: {  	[tilespmem:s31], [sflag:$0x1] =	stream.indirect_vreg.gather [hbm4b:s6+s3], $0x80, v3, vm0, $0xb8;
	[tilespmem:$0x10200] =	vst v63  }
0x2d8: {  	s12 =	simm.s32 $0x3A00  }
0x2d9: {  	[tilespmem:s12], [sflag:$0x1] =	stream.indirect_vreg.gather [hbm4b:s7+s3], $0x80, v3, vm0, $0xb8;
	[tilespmem:$0x10200] =	vst v63  }
0x2da: {  	_ =	swait.ge [sflag:s22], $0x4000  }
0x2db: {  	[sflag:s22] =	ssyncset.done $0x0  }
0x2dc: {  	s13 =	rddreg [dreg:$0x1a];
	[sflag:s22] =	ssyncadd.s32 $0xFFFFC000  }
0x2dd: {  	[hbm4b:s13+s3] =	stream.linear.scatter [tilespmem:s11], [sflag:$0x7], $0x4000, $0x38;
	[tilespmem:$0x10200] =	vst v63  }
0x2de: {  	_ =	swait.ge [sflag:s23], $0x4000  }
0x2df: {  	[sflag:s23] =	ssyncset.done $0x0  }
0x2e0: {  	[sflag:s23] =	ssyncadd.s32 $0xFFFFC000  }
0x2e1: {  	v3 =	vld [tilespmem:$0x190];
	_ =	sdelay $0x4  }
0x2e2: {  	v57 =	vshll.u32 v3, $0x3  }
0x2e3: {  	v3 =	vand.u32 $0x7, v3;
	v4 =	vand.u32 $0xFFFFFFC0, v57  }
0x2e4: {  	v3 =	vor.u32 v3, v4  }
0x2e5: {  	v4 =	vperm.xlane v3, v0;
	_ =	sdelay $0x1  }
0x2e6: {  	v4 =	vadd.s32 v1, v4;
	_ =	sdelay $0x4  }
0x2e7: {  	[tilespmem:s26], [sflag:$0x2] =	stream.indirect_vreg.gather [hbm4b:s2+s3], $0x80, v4, vm0, $0xb8;
	[tilespmem:$0x10200] =	vst v63  }
0x2e8: {  	s30 =	simm.s32 $0x4A00;
	v3 =	vperm.xlane v3, v2  }
0x2e9: {  	[tilespmem:s30], [sflag:$0x2] =	stream.indirect_vreg.gather [hbm4b:s5+s3], $0x80, v4, vm0, $0xb8;
	[tilespmem:$0x10200] =	vst v63  }
0x2ea: {  	s16 =	simm.s32 $0x5200;
	v3 =	vadd.s32 v1, v3  }
0x2eb: {  	[tilespmem:s16], [sflag:$0x2] =	stream.indirect_vreg.gather [hbm4b:s6+s3], $0x80, v4, vm0, $0xb8;
	[tilespmem:$0x10200] =	vst v63  }
0x2ec: {  	s29 =	simm.s32 $0x5A00  }
0x2ed: {  	[tilespmem:s29], [sflag:$0x2] =	stream.indirect_vreg.gather [hbm4b:s7+s3], $0x80, v4, vm0, $0xb8;
	[tilespmem:$0x10200] =	vst v63  }
0x2ee: {  	s30 =	simm.s32 $0x6200  }
0x2ef: {  	[tilespmem:s30], [sflag:$0x2] =	stream.indirect_vreg.gather [hbm4b:s2+s3], $0x80, v3, vm0, $0xb8;
	[tilespmem:$0x10200] =	vst v63  }
0x2f0: {  	s31 =	simm.s32 $0x6A00  }
0x2f1: {  	[tilespmem:s31], [sflag:$0x2] =	stream.indirect_vreg.gather [hbm4b:s5+s3], $0x80, v3, vm0, $0xb8;
	[tilespmem:$0x10200] =	vst v63  }
0x2f2: {  	s12 =	simm.s32 $0x7200  }
0x2f3: {  	[tilespmem:s12], [sflag:$0x2] =	stream.indirect_vreg.gather [hbm4b:s6+s3], $0x80, v3, vm0, $0xb8;
	[tilespmem:$0x10200] =	vst v63  }
0x2f4: {  	s13 =	simm.s32 $0x7A00  }
0x2f5: {  	[tilespmem:s13], [sflag:$0x2] =	stream.indirect_vreg.gather [hbm4b:s7+s3], $0x80, v3, vm0, $0xb8;
	[tilespmem:$0x10200] =	vst v63  }
0x2f6: {  	_ =	swait.ge [sflag:s24], $0x4000  }
0x2f7: {  	[sflag:s24] =	ssyncset.done $0x0  }
0x2f8: {  	s16 =	rddreg [dreg:$0x1b];
	[sflag:s24] =	ssyncadd.s32 $0xFFFFC000  }
0x2f9: {  	[hbm4b:s16+s3] =	stream.linear.scatter [tilespmem:s9], [sflag:$0x8], $0x4000, $0x38;
	[tilespmem:$0x10200] =	vst v63  }
0x2fa: {  	_ =	swait.ge [sflag:s25], $0x4000  }
0x2fb: {  	[sflag:s25] =	ssyncset.done $0x0  }
0x2fc: {  	[sflag:s25] =	ssyncadd.s32 $0xFFFFC000  }
0x2fd: {  	v3 =	vld [tilespmem:$0x1A0];
	_ =	sdelay $0x4  }
0x2fe: {  	v58 =	vshll.u32 v3, $0x3  }
0x2ff: {  	v3 =	vand.u32 $0x7, v3;
	v4 =	vand.u32 $0xFFFFFFC0, v58  }
0x300: {  	v3 =	vor.u32 v3, v4  }
0x301: {  	v4 =	vperm.xlane v3, v0;
	_ =	sdelay $0x1  }
0x302: {  	v4 =	vadd.s32 v1, v4;
	_ =	sdelay $0x4  }
0x303: {  	[tilespmem:s11], [sflag:$0x3] =	stream.indirect_vreg.gather [hbm4b:s2+s3], $0x80, v4, vm0, $0xb8;
	[tilespmem:$0x10200] =	vst v63  }
0x304: {  	s30 =	simm.s32 $0x8A00;
	v3 =	vperm.xlane v3, v2  }
0x305: {  	[tilespmem:s30], [sflag:$0x3] =	stream.indirect_vreg.gather [hbm4b:s5+s3], $0x80, v4, vm0, $0xb8;
	[tilespmem:$0x10200] =	vst v63  }
0x306: {  	s1 =	simm.s32 $0x9200;
	v3 =	vadd.s32 v1, v3  }
0x307: {  	[tilespmem:s1], [sflag:$0x3] =	stream.indirect_vreg.gather [hbm4b:s6+s3], $0x80, v4, vm0, $0xb8;
	[tilespmem:$0x10200] =	vst v63  }
0x308: {  	s13 =	simm.s32 $0x9A00  }
0x309: {  	[tilespmem:s13], [sflag:$0x3] =	stream.indirect_vreg.gather [hbm4b:s7+s3], $0x80, v4, vm0, $0xb8;
	[tilespmem:$0x10200] =	vst v63  }
0x30a: {  	s16 =	simm.s32 $0xA200  }
0x30b: {  	[tilespmem:s16], [sflag:$0x3] =	stream.indirect_vreg.gather [hbm4b:s2+s3], $0x80, v3, vm0, $0xb8;
	[tilespmem:$0x10200] =	vst v63  }
0x30c: {  	s8 =	simm.s32 $0xAA00  }
0x30d: {  	[tilespmem:s8], [sflag:$0x3] =	stream.indirect_vreg.gather [hbm4b:s5+s3], $0x80, v3, vm0, $0xb8;
	[tilespmem:$0x10200] =	vst v63  }
0x30e: {  	s14 =	simm.s32 $0xB200  }
0x30f: {  	[tilespmem:s14], [sflag:$0x3] =	stream.indirect_vreg.gather [hbm4b:s6+s3], $0x80, v3, vm0, $0xb8;
	[tilespmem:$0x10200] =	vst v63  }
0x310: {  	s29 =	simm.s32 $0xBA00  }
0x311: {  	[tilespmem:s29], [sflag:$0x3] =	stream.indirect_vreg.gather [hbm4b:s7+s3], $0x80, v3, vm0, $0xb8;
	[tilespmem:$0x10200] =	vst v63  }
0x312: {  	_ =	swait.ge [sflag:s4], $0x4000  }
0x313: {  	[sflag:s4] =	ssyncset.done $0x0  }
0x314: {  	s16 =	rddreg [dreg:$0x1c];
	[sflag:s4] =	ssyncadd.s32 $0xFFFFC000  }
0x315: {  	[hbm4b:s16+s3] =	stream.linear.scatter [tilespmem:s10], [sflag:$0x5], $0x4000, $0x38;
	[tilespmem:$0x10200] =	vst v63  }
0x316: {  	_ =	swait.ge [sflag:s28], $0x4000  }
0x317: {  	[sflag:s28] =	ssyncset.done $0x0  }
0x318: {  	[sflag:s28] =	ssyncadd.s32 $0xFFFFC000  }
0x319: {  	v3 =	vld [tilespmem:$0x1B0];
	_ =	sdelay $0x4  }
0x31a: {  	v59 =	vshll.u32 v3, $0x3  }
0x31b: {  	v3 =	vand.u32 $0x7, v3;
	v4 =	vand.u32 $0xFFFFFFC0, v59  }
0x31c: {  	v3 =	vor.u32 v3, v4  }
0x31d: {  	v4 =	vperm.xlane v3, v0;
	_ =	sdelay $0x1  }
0x31e: {  	v4 =	vadd.s32 v1, v4;
	_ =	sdelay $0x4  }
0x31f: {  	[tilespmem:s9], [sflag:$0x4] =	stream.indirect_vreg.gather [hbm4b:s2+s3], $0x80, v4, vm0, $0xb8;
	[tilespmem:$0x10200] =	vst v63  }
0x320: {  	s29 =	simm.s32 $0xCA00;
	v3 =	vperm.xlane v3, v2  }
0x321: {  	[tilespmem:s29], [sflag:$0x4] =	stream.indirect_vreg.gather [hbm4b:s5+s3], $0x80, v4, vm0, $0xb8;
	[tilespmem:$0x10200] =	vst v63  }
0x322: {  	s16 =	simm.s32 $0xD200;
	v3 =	vadd.s32 v1, v3  }
0x323: {  	[tilespmem:s16], [sflag:$0x4] =	stream.indirect_vreg.gather [hbm4b:s6+s3], $0x80, v4, vm0, $0xb8;
	[tilespmem:$0x10200] =	vst v63  }
0x324: {  	s15 =	simm.s32 $0xDA00  }
0x325: {  	[tilespmem:s15], [sflag:$0x4] =	stream.indirect_vreg.gather [hbm4b:s7+s3], $0x80, v4, vm0, $0xb8;
	[tilespmem:$0x10200] =	vst v63  }
0x326: {  	s17 =	simm.s32 $0xE200  }
0x327: {  	[tilespmem:s17], [sflag:$0x4] =	stream.indirect_vreg.gather [hbm4b:s2+s3], $0x80, v3, vm0, $0xb8;
	[tilespmem:$0x10200] =	vst v63  }
0x328: {  	s29 =	simm.s32 $0xEA00  }
0x329: {  	[tilespmem:s29], [sflag:$0x4] =	stream.indirect_vreg.gather [hbm4b:s5+s3], $0x80, v3, vm0, $0xb8;
	[tilespmem:$0x10200] =	vst v63  }
0x32a: {  	s18 =	simm.s32 $0xF200  }
0x32b: {  	[tilespmem:s18], [sflag:$0x4] =	stream.indirect_vreg.gather [hbm4b:s6+s3], $0x80, v3, vm0, $0xb8;
	[tilespmem:$0x10200] =	vst v63  }
0x32c: {  	s29 =	simm.s32 $0xFA00  }
0x32d: {  	[tilespmem:s29], [sflag:$0x4] =	stream.indirect_vreg.gather [hbm4b:s7+s3], $0x80, v3, vm0, $0xb8;
	[tilespmem:$0x10200] =	vst v63  }
0x32e: {  	_ =	swait.ge [sflag:s20], $0x4000  }
0x32f: {  	[sflag:s20] =	ssyncset.done $0x0  }
0x330: {  	s29 =	rddreg [dreg:$0x1d];
	[sflag:s20] =	ssyncadd.s32 $0xFFFFC000  }
0x331: {  	[hbm4b:s29+s3] =	stream.linear.scatter [tilespmem:s26], [sflag:$0x6], $0x4000, $0x38;
	[tilespmem:$0x10200] =	vst v63  }
0x332: {  	_ =	swait.ge [sflag:s21], $0x4000  }
0x333: {  	[sflag:s21] =	ssyncset.done $0x0  }
0x334: {  	[sflag:s21] =	ssyncadd.s32 $0xFFFFC000  }
0x335: {  	v3 =	vld [tilespmem:$0x1C0];
	_ =	sdelay $0x4  }
0x336: {  	v60 =	vshll.u32 v3, $0x3  }
0x337: {  	v3 =	vand.u32 $0x7, v3;
	v4 =	vand.u32 $0xFFFFFFC0, v60  }
0x338: {  	v3 =	vor.u32 v3, v4  }
0x339: {  	v4 =	vperm.xlane v3, v0;
	_ =	sdelay $0x1  }
0x33a: {  	v4 =	vadd.s32 v1, v4;
	_ =	sdelay $0x4  }
0x33b: {  	[tilespmem:s10], [sflag:$0x1] =	stream.indirect_vreg.gather [hbm4b:s2+s3], $0x80, v4, vm0, $0xb8;
	[tilespmem:$0x10200] =	vst v63  }
0x33c: {  	s29 =	simm.s32 $0xA00;
	v3 =	vperm.xlane v3, v2  }
0x33d: {  	[tilespmem:s29], [sflag:$0x1] =	stream.indirect_vreg.gather [hbm4b:s5+s3], $0x80, v4, vm0, $0xb8;
	[tilespmem:$0x10200] =	vst v63  }
0x33e: {  	v3 =	vadd.s32 v1, v3;
	s29 =	simm.s32 $0x1200  }
0x33f: {  	[tilespmem:s29], [sflag:$0x1] =	stream.indirect_vreg.gather [hbm4b:s6+s3], $0x80, v4, vm0, $0xb8;
	[tilespmem:$0x10200] =	vst v63  }
0x340: {  	s29 =	simm.s32 $0x1A00  }
0x341: {  	[tilespmem:s29], [sflag:$0x1] =	stream.indirect_vreg.gather [hbm4b:s7+s3], $0x80, v4, vm0, $0xb8;
	[tilespmem:$0x10200] =	vst v63  }
0x342: {  	s29 =	simm.s32 $0x2200  }
0x343: {  	[tilespmem:s29], [sflag:$0x1] =	stream.indirect_vreg.gather [hbm4b:s2+s3], $0x80, v3, vm0, $0xb8;
	[tilespmem:$0x10200] =	vst v63  }
0x344: {  	s29 =	simm.s32 $0x2A00  }
0x345: {  	[tilespmem:s29], [sflag:$0x1] =	stream.indirect_vreg.gather [hbm4b:s5+s3], $0x80, v3, vm0, $0xb8;
	[tilespmem:$0x10200] =	vst v63  }
0x346: {  	s29 =	simm.s32 $0x3200  }
0x347: {  	[tilespmem:s29], [sflag:$0x1] =	stream.indirect_vreg.gather [hbm4b:s6+s3], $0x80, v3, vm0, $0xb8;
	[tilespmem:$0x10200] =	vst v63  }
0x348: {  	s29 =	simm.s32 $0x3A00  }
0x349: {  	[tilespmem:s29], [sflag:$0x1] =	stream.indirect_vreg.gather [hbm4b:s7+s3], $0x80, v3, vm0, $0xb8;
	[tilespmem:$0x10200] =	vst v63  }
0x34a: {  	_ =	swait.ge [sflag:s22], $0x4000  }
0x34b: {  	[sflag:s22] =	ssyncset.done $0x0  }
0x34c: {  	s29 =	rddreg [dreg:$0x1e];
	[sflag:s22] =	ssyncadd.s32 $0xFFFFC000  }
0x34d: {  	[hbm4b:s29+s3] =	stream.linear.scatter [tilespmem:s11], [sflag:$0x7], $0x4000, $0x38;
	[tilespmem:$0x10200] =	vst v63  }
0x34e: {  	_ =	swait.ge [sflag:s23], $0x4000  }
0x34f: {  	[sflag:s23] =	ssyncset.done $0x0  }
0x350: {  	[sflag:s23] =	ssyncadd.s32 $0xFFFFC000  }
0x351: {  	v3 =	vld [tilespmem:$0x1D0];
	_ =	sdelay $0x4  }
0x352: {  	v61 =	vshll.u32 v3, $0x3  }
0x353: {  	v3 =	vand.u32 $0x7, v3;
	v4 =	vand.u32 $0xFFFFFFC0, v61  }
0x354: {  	v3 =	vor.u32 v3, v4  }
0x355: {  	v4 =	vperm.xlane v3, v0;
	_ =	sdelay $0x1  }
0x356: {  	v4 =	vadd.s32 v1, v4;
	_ =	sdelay $0x4  }
0x357: {  	[tilespmem:s26], [sflag:$0x2] =	stream.indirect_vreg.gather [hbm4b:s2+s3], $0x80, v4, vm0, $0xb8;
	[tilespmem:$0x10200] =	vst v63  }
0x358: {  	s19 =	simm.s32 $0x4A00;
	v3 =	vperm.xlane v3, v2  }
0x359: {  	[tilespmem:s19], [sflag:$0x2] =	stream.indirect_vreg.gather [hbm4b:s5+s3], $0x80, v4, vm0, $0xb8;
	[tilespmem:$0x10200] =	vst v63  }
0x35a: {  	s29 =	simm.s32 $0x5200;
	v3 =	vadd.s32 v1, v3  }
0x35b: {  	[tilespmem:s29], [sflag:$0x2] =	stream.indirect_vreg.gather [hbm4b:s6+s3], $0x80, v4, vm0, $0xb8;
	[tilespmem:$0x10200] =	vst v63  }
0x35c: {  	s29 =	simm.s32 $0x5A00  }
0x35d: {  	[tilespmem:s29], [sflag:$0x2] =	stream.indirect_vreg.gather [hbm4b:s7+s3], $0x80, v4, vm0, $0xb8;
	[tilespmem:$0x10200] =	vst v63  }
0x35e: {  	s29 =	simm.s32 $0x6200  }
0x35f: {  	[tilespmem:s29], [sflag:$0x2] =	stream.indirect_vreg.gather [hbm4b:s2+s3], $0x80, v3, vm0, $0xb8;
	[tilespmem:$0x10200] =	vst v63  }
0x360: {  	s29 =	simm.s32 $0x6A00  }
0x361: {  	[tilespmem:s29], [sflag:$0x2] =	stream.indirect_vreg.gather [hbm4b:s5+s3], $0x80, v3, vm0, $0xb8;
	[tilespmem:$0x10200] =	vst v63  }
0x362: {  	s31 =	simm.s32 $0x7200  }
0x363: {  	[tilespmem:s31], [sflag:$0x2] =	stream.indirect_vreg.gather [hbm4b:s6+s3], $0x80, v3, vm0, $0xb8;
	[tilespmem:$0x10200] =	vst v63  }
0x364: {  	s0 =	simm.s32 $0x7A00  }
0x365: {  	[tilespmem:s0], [sflag:$0x2] =	stream.indirect_vreg.gather [hbm4b:s7+s3], $0x80, v3, vm0, $0xb8;
	[tilespmem:$0x10200] =	vst v63  }
0x366: {  	_ =	swait.ge [sflag:s24], $0x4000  }
0x367: {  	[sflag:s24] =	ssyncset.done $0x0  }
0x368: {  	s19 =	rddreg [dreg:$0x1f];
	[sflag:s24] =	ssyncadd.s32 $0xFFFFC000  }
0x369: {  	[hbm4b:s19+s3] =	stream.linear.scatter [tilespmem:s9], [sflag:$0x8], $0x4000, $0x38;
	[tilespmem:$0x10200] =	vst v63  }
0x36a: {  	_ =	swait.ge [sflag:s25], $0x4000  }
0x36b: {  	[sflag:s25] =	ssyncset.done $0x0  }
0x36c: {  	[sflag:s25] =	ssyncadd.s32 $0xFFFFC000  }
0x36d: {  	v3 =	vld [tilespmem:$0x1E0];
	_ =	sdelay $0x4  }
0x36e: {  	v62 =	vshll.u32 v3, $0x3  }
0x36f: {  	v3 =	vand.u32 $0x7, v3;
	v4 =	vand.u32 $0xFFFFFFC0, v62  }
0x370: {  	v3 =	vor.u32 v3, v4  }
0x371: {  	v4 =	vperm.xlane v3, v0;
	_ =	sdelay $0x1  }
0x372: {  	v4 =	vadd.s32 v1, v4;
	_ =	sdelay $0x4  }
0x373: {  	[tilespmem:s11], [sflag:$0x3] =	stream.indirect_vreg.gather [hbm4b:s2+s3], $0x80, v4, vm0, $0xb8;
	[tilespmem:$0x10200] =	vst v63  }
0x374: {  	s31 =	simm.s32 $0x8A00;
	v3 =	vperm.xlane v3, v2  }
0x375: {  	[tilespmem:s31], [sflag:$0x3] =	stream.indirect_vreg.gather [hbm4b:s5+s3], $0x80, v4, vm0, $0xb8;
	[tilespmem:$0x10200] =	vst v63  }
0x376: {  	s30 =	simm.s32 $0x9200;
	v3 =	vadd.s32 v1, v3  }
0x377: {  	[tilespmem:s30], [sflag:$0x3] =	stream.indirect_vreg.gather [hbm4b:s6+s3], $0x80, v4, vm0, $0xb8;
	[tilespmem:$0x10200] =	vst v63  }
0x378: {  	s12 =	simm.s32 $0x9A00  }
0x379: {  	[tilespmem:s12], [sflag:$0x3] =	stream.indirect_vreg.gather [hbm4b:s7+s3], $0x80, v4, vm0, $0xb8;
	[tilespmem:$0x10200] =	vst v63  }
0x37a: {  	s13 =	simm.s32 $0xA200  }
0x37b: {  	[tilespmem:s13], [sflag:$0x3] =	stream.indirect_vreg.gather [hbm4b:s2+s3], $0x80, v3, vm0, $0xb8;
	[tilespmem:$0x10200] =	vst v63  }
0x37c: {  	s1 =	simm.s32 $0xAA00  }
0x37d: {  	[tilespmem:s1], [sflag:$0x3] =	stream.indirect_vreg.gather [hbm4b:s5+s3], $0x80, v3, vm0, $0xb8;
	[tilespmem:$0x10200] =	vst v63  }
0x37e: {  	s8 =	simm.s32 $0xB200  }
0x37f: {  	[tilespmem:s8], [sflag:$0x3] =	stream.indirect_vreg.gather [hbm4b:s6+s3], $0x80, v3, vm0, $0xb8;
	[tilespmem:$0x10200] =	vst v63  }
0x380: {  	s8 =	simm.s32 $0xBA00  }
0x381: {  	[tilespmem:s8], [sflag:$0x3] =	stream.indirect_vreg.gather [hbm4b:s7+s3], $0x80, v3, vm0, $0xb8;
	[tilespmem:$0x10200] =	vst v63  }
0x382: {  	_ =	swait.ge [sflag:s4], $0x4000  }
0x383: {  	s12 =	sld [smem:$0x7F8]  }
0x384: {  	[sflag:s4] =	ssyncset.done $0x0  }
0x385: {  	[sflag:s4] =	ssyncadd.s32 $0xFFFFC000  }
0x386: {  	[hbm4b:s12+s3] =	stream.linear.scatter [tilespmem:s10], [sflag:$0x5], $0x4000, $0x38;
	[tilespmem:$0x10200] =	vst v63  }
0x387: {  	_ =	swait.ge [sflag:s28], $0x4000  }
0x388: {  	[sflag:s28] =	ssyncset.done $0x0  }
0x389: {  	[sflag:s28] =	ssyncadd.s32 $0xFFFFC000  }
0x38a: {  	v3 =	vld [tilespmem:$0x1F0];
	_ =	sdelay $0x4  }
0x38b: {  	v63 =	vshll.u32 v3, $0x3  }
0x38c: {  	v3 =	vand.u32 $0x7, v3;
	v4 =	vand.u32 $0xFFFFFFC0, v63  }
0x38d: {  	v3 =	vor.u32 v3, v4  }
0x38e: {  	v4 =	vperm.xlane v3, v0;
	_ =	sdelay $0x1  }
0x38f: {  	v4 =	vadd.s32 v1, v4;
	_ =	sdelay $0x4  }
0x390: {  	[tilespmem:s9], [sflag:$0x4] =	stream.indirect_vreg.gather [hbm4b:s2+s3], $0x80, v4, vm0, $0xb8;
	[tilespmem:$0x10200] =	vst v63  }
0x391: {  	s13 =	simm.s32 $0xCA00;
	v3 =	vperm.xlane v3, v2  }
0x392: {  	[tilespmem:s13], [sflag:$0x4] =	stream.indirect_vreg.gather [hbm4b:s5+s3], $0x80, v4, vm0, $0xb8;
	[tilespmem:$0x10200] =	vst v63  }
0x393: {  	s16 =	simm.s32 $0xD200;
	v3 =	vadd.s32 v1, v3  }
0x394: {  	[tilespmem:s16], [sflag:$0x4] =	stream.indirect_vreg.gather [hbm4b:s6+s3], $0x80, v4, vm0, $0xb8;
	[tilespmem:$0x10200] =	vst v63  }
0x395: {  	s14 =	simm.s32 $0xDA00  }
0x396: {  	[tilespmem:s14], [sflag:$0x4] =	stream.indirect_vreg.gather [hbm4b:s7+s3], $0x80, v4, vm0, $0xb8;
	[tilespmem:$0x10200] =	vst v63  }
0x397: {  	s15 =	simm.s32 $0xE200  }
0x398: {  	[tilespmem:s15], [sflag:$0x4] =	stream.indirect_vreg.gather [hbm4b:s2+s3], $0x80, v3, vm0, $0xb8;
	[tilespmem:$0x10200] =	vst v63  }
0x399: {  	s17 =	simm.s32 $0xEA00  }
0x39a: {  	[tilespmem:s17], [sflag:$0x4] =	stream.indirect_vreg.gather [hbm4b:s5+s3], $0x80, v3, vm0, $0xb8;
	[tilespmem:$0x10200] =	vst v63  }
0x39b: {  	s18 =	simm.s32 $0xF200  }
0x39c: {  	[tilespmem:s18], [sflag:$0x4] =	stream.indirect_vreg.gather [hbm4b:s6+s3], $0x80, v3, vm0, $0xb8;
	[tilespmem:$0x10200] =	vst v63  }
0x39d: {  	s18 =	simm.s32 $0xFA00  }
0x39e: {  	[tilespmem:s18], [sflag:$0x4] =	stream.indirect_vreg.gather [hbm4b:s7+s3], $0x80, v3, vm0, $0xb8;
	[tilespmem:$0x10200] =	vst v63  }
0x39f: {  	s16 =	sld [smem:$0x7F7];
	_ =	swait.ge [sflag:s20], $0x4000  }
0x3a0: {  	s19 =	sld [smem:$0x7F9]  }
0x3a1: {  	[sflag:s20] =	ssyncset.done $0x0  }
0x3a2: {  	[sflag:s20] =	ssyncadd.s32 $0xFFFFC000  }
0x3a3: {  	[hbm4b:s19+s3] =	stream.linear.scatter [tilespmem:s26], [sflag:$0x6], $0x4000, $0x38;
	[tilespmem:$0x10200] =	vst v63  }
0x3a4: {  	_ =	swait.ge [sflag:s22], $0x4000  }
0x3a5: {  	s30 =	sld [smem:$0x7FA]  }
0x3a6: {  	[sflag:s22] =	ssyncset.done $0x0  }
0x3a7: {  	[sflag:s22] =	ssyncadd.s32 $0xFFFFC000  }
0x3a8: {  	[hbm4b:s30+s3] =	stream.linear.scatter [tilespmem:s11], [sflag:$0x7], $0x4000, $0x38;
	[tilespmem:$0x10200] =	vst v63  }
0x3a9: {  	_ =	swait.ge [sflag:s24], $0x4000  }
0x3aa: {  	s31 =	sld [smem:$0x7FC]  }
0x3ab: {  	[sflag:s24] =	ssyncset.done $0x0  }
0x3ac: {  	[sflag:s24] =	ssyncadd.s32 $0xFFFFC000  }
0x3ad: {  	[hbm4b:s31+s3] =	stream.linear.scatter [tilespmem:s9], [sflag:$0x8], $0x4000, $0x38;
	[tilespmem:$0x10200] =	vst v63  }
0x3ae: {  	_ =	swait.ge [sflag:s21], $0x4000  }
0x3af: {  	[sflag:s21] =	ssyncset.done $0x0  }
0x3b0: {  	[sflag:s21] =	ssyncadd.s32 $0xFFFFC000  }
0x3b1: {  	_ =	swait.ge [sflag:s23], $0x4000  }
0x3b2: {  	[sflag:s23] =	ssyncset.done $0x0  }
0x3b3: {  	[sflag:s23] =	ssyncadd.s32 $0xFFFFC000  }
0x3b4: {  	p0 =	sne.s32 s16, $0x1;
	_ =	swait.ge [sflag:s25], $0x4000  }
.Ltmp0:
0x3b5: {  	[sflag:s25] =	ssyncset.done $0x0;
	(pc) =	sbr.rel @p0 .LBB2_1-.Ltmp0, $4  }
0x3b6: {  	[sflag:s25] =	ssyncadd.s32 $0xFFFFC000  }
0x3b7: {  	_ =	swait.ge [sflag:s28], $0x4000  }
0x3b8: {  	[sflag:s28] =	ssyncset.done $0x0  }
0x3b9: {  	s1 =	sadd.s32 $0xFFFFFFFF, s16;
	[sflag:s28] =	ssyncadd.s32 $0xFFFFC000  }
0x3ba: {  	_ =	sfence.sel $0x180000  }
0x3bb: {  	[bflag:$0x0] =	sbarrier.arrive $0xFFFF  }
0x3bc: {  	_ =	strace $0x90000047  }
0x3bd: {  	s0 =	stileid.u32;
	[bflag:$0x2] =	sbarrier.arrive $0xFFFF  }
0x3be: {  	p0 =	sne.s32 s0, $0x0;
	s0 =	rddreg [dreg:$0x3]  }
0x3bf: {  	s0 =	sadd.s32 @!p0 $0x100000, s0  }
0x3c0: {  	[sflag:s0] =	ssyncadd.tile.s32 @!p0 $0x1;
	_ =	shalt  }
.Lfunc_end2:
_tile_overlayer_lowered:
.L_overlay_start_2:
0x3c1: {  	(tag) =	ssettag $0x2  }
0x3c2: {  	s0 =	rddreg [dreg:$0x0];
	s2 =	stileid.u32  }
0x3c3: {  	s1 =	rddreg [dreg:$0x1];
	p0 =	sne.s32 s2, $0x0  }
0x3c4: {  	s3 =	rddreg [dreg:$0x2];
	[bflag:$0x3] =	sbarrier.arrive $0xFFFF;
	s2 =	simm.s32 @!p0 $0x1C09  }
0x3c5: {  	[timem:s3], [sflag:s2] =	dma.local @!p0 [hbm:s0], s1  }
0x3c6: {  	s0 =	simm.s32 @!p0 $0x9  }
0x3c7: {  	_ =	swait.ge @!p0 [sflag:s0], s1  }
0x3c8: {  	s1 =	ssub.s32 @!p0 $0x0, s1;
	[sflag:s0] =	ssyncset.done @!p0 $0x0  }
0x3c9: {  	[sflag:s0] =	ssyncadd.s32 @!p0 s1  }
0x3ca: {  	[bflag:$0x3] =	sbarrier.arrive $0xFFFF  }
0x3cb: {  	_ =	shalt  }

</sc_bundles>
